<compile_context>
chip_gen: v7x
topology: tpu7x:2x2x1
jax: 0.10.2.dev20260603
libtpu: 0.0.44.dev20260713+nightly
codegen_flags: <defaults>
</compile_context>

<pallas_src>
import functools
import jax
import jax.numpy as jnp
from jax import lax
from jax.experimental import pallas as pl
from jax.experimental.pallas import tpu as pltpu
from jax.experimental.pallas import tpu_sc as plsc

_SIZE = 26
_D = 2048
_LEVELS = 100
_LP = 104
_K = _SIZE * _LP
_BATCH = 1024
_ZROW = 103


def _build_w_body(pos_ref, lev_ref, w_ref):
    lev = lev_ref[...]
    rows = lax.broadcasted_iota(jnp.int32, (_LP, _D), 0)
    lev = jnp.where(rows < _LEVELS, lev, 0.0)
    for s in range(_SIZE):
        p = pos_ref[s:s + 1, :]
        w_ref[s * _LP:(s + 1) * _LP, :] = lev * p


def _build_w(position_weight, level_weight):
    return pl.pallas_call(
        _build_w_body,
        grid=(1,),
        in_specs=[pl.BlockSpec((32, _D), lambda i: (0, 0)),
                  pl.BlockSpec((_LP, _D), lambda i: (0, 0))],
        out_specs=pl.BlockSpec((_K, _D), lambda i: (0, 0)),
        out_shape=jax.ShapeDtypeStruct((_K, _D), jnp.float32),
    )(position_weight, level_weight)


_NC = 2
_NS = 16
_NW = _NC * _NS
_BPW = _BATCH // _NW
_FL = _BPW * _SIZE


def _sc_kernel(w_hbm, xf_hbm, off_hbm, out_hbm,
               xv, offv, fidv, rows_lo, rows_hi, outv, sem):
    wid = lax.axis_index("s") * _NC + lax.axis_index("c")
    base = wid * _FL
    pltpu.sync_copy(xf_hbm.at[pl.ds(base, _FL)], xv)
    pltpu.sync_copy(off_hbm.at[pl.ds(base, _FL)], offv)

    for k in range(_FL // 16):
        x16 = xv[pl.ds(k * 16, 16)]
        r = x16 * 99.0
        n = r.astype(jnp.int32)
        d = r - n.astype(jnp.float32)
        one = jnp.full((16,), 1, jnp.int32)
        zero = jnp.full((16,), 0, jnp.int32)
        inc = jnp.where(d > 0.5, one, zero)
        tie = jnp.where((d == 0.5) & ((n & 1) == 1), one, zero)
        idx16 = jnp.clip(n + inc + tie, 0, _LEVELS - 1)
        fidv[pl.ds(k * 16, 16)] = idx16 + offv[pl.ds(k * 16, 16)]

    lanes = lax.iota(jnp.int32, 16)

    def body_b(b, carry):
        lo16 = fidv[pl.ds(b * _SIZE, 16)]
        hi_raw = fidv[pl.ds(b * _SIZE + 16, 16)]
        hi16 = jnp.where(lanes < _SIZE - 16, hi_raw, _ZROW)
        pltpu.async_copy(w_hbm.at[lo16], rows_lo, sem).wait()
        pltpu.async_copy(w_hbm.at[hi16], rows_hi, sem).wait()

        def body_j(j, c):
            acc = rows_lo[0, pl.ds(j * 16, 16)]
            for r in range(1, 16):
                acc = acc + rows_lo[r, pl.ds(j * 16, 16)]
            for r in range(16):
                acc = acc + rows_hi[r, pl.ds(j * 16, 16)]
            outv[pl.ds(j * 16, 16)] = jnp.where(acc > 0.0, 1.0, -1.0)
            return c

        lax.fori_loop(0, _D // 16, body_j, 0)
        pltpu.sync_copy(outv, out_hbm.at[wid * _BPW + b])
        return carry

    lax.fori_loop(0, _BPW, body_b, 0)


def kernel(x, position_weight, level_weight):
    w = _build_w(position_weight, level_weight)
    xf = x.reshape(-1)
    offs = jnp.tile(jnp.arange(_SIZE, dtype=jnp.int32) * _LP, _BATCH)
    mesh = plsc.VectorSubcoreMesh(core_axis_name="c", subcore_axis_name="s")
    f = functools.partial(
        pl.kernel, mesh=mesh,
        out_type=jax.ShapeDtypeStruct((_BATCH, _D), jnp.float32),
        scratch_types=[
            pltpu.VMEM((_FL,), jnp.float32),
            pltpu.VMEM((_FL,), jnp.int32),
            pltpu.VMEM((_FL + 16,), jnp.int32),
            pltpu.VMEM((16, _D), jnp.float32),
            pltpu.VMEM((16, _D), jnp.float32),
            pltpu.VMEM((_D,), jnp.float32),
            pltpu.SemaphoreType.DMA,
        ],
    )(_sc_kernel)
    return f(w, xf, offs)

# --- scband reference (transcript-rebuilt; emitter-appended) ---
"""Pipeline reference for scband-record-encoder-63316407878294 (READ-ONLY COPY).

The authoritative reference and input builder live on the scoring server;
editing this copy changes nothing except your own understanding.
"""

import jax, jax.numpy as jnp
import numpy as np

SIZE = 26
D = 2048
LEVELS = 100
LOW = 0.0
HIGH = 1.0
BATCH = 1024


def _bipolar(key, shape):
    return jnp.where(jax.random.uniform(key, shape) < 0.5, -1.0, 1.0).astype(jnp.float32)


def setup_inputs(seed: int = 0) -> dict:
    key = jax.random.key(seed)
    k1, k2, k3, k4, k5 = jax.random.split(key, 5)
    # forward input: continuous feature values in [low, high]
    x = jax.random.uniform(k1, (BATCH, SIZE), dtype=jnp.float32, minval=LOW, maxval=HIGH)
    # embeddings.Random(size, out_features): random bipolar hypervectors
    position_weight = _bipolar(k2, (SIZE, D))
    # embeddings.Level(levels, out_features): interpolated level hypervectors.
    # Classic construction: each dim flips from `base` to `end` at a random threshold,
    # so level i shares ~i/(levels-1) fraction of dims with `end`.
    base = _bipolar(k3, (D,))
    end = _bipolar(k4, (D,))
    u = jax.random.uniform(k5, (D,))
    t = jnp.linspace(0.0, 1.0, LEVELS)[:, None]
    level_weight = jnp.where(u[None, :] < t, end[None, :], base[None, :]).astype(jnp.float32)
    return {"x": x, "position_weight": position_weight, "level_weight": level_weight}


def reference(x, position_weight, level_weight):
    levels = level_weight.shape[0]
    # embeddings.Level forward: map continuous value to level index, then lookup
    idx = jnp.round((x - LOW) / (HIGH - LOW) * (levels - 1)).astype(jnp.int32)
    idx = jnp.clip(idx, 0, levels - 1)
    value_hv = jnp.take(level_weight, idx, axis=0)          # [B, SIZE, D] gather
    # torchhd.bind: elementwise multiply (MAP model), broadcast over batch
    sample_hv = position_weight[None, :, :] * value_hv       # [B, SIZE, D]
    # torchhd.multiset: sum over the hypervector set dimension
    sample_hv = jnp.sum(sample_hv, axis=-2)                  # [B, D]
    # torchhd.hard_quantize: sign with 0 -> -1
    return jnp.where(sample_hv > 0, 1.0, -1.0).astype(jnp.float32)

if __name__ == "__main__":
    import jax
    _d = setup_inputs()
    print(jax.jit(kernel)(*tuple(_d.values())))

</pallas_src>

<mosaic_0001>
#map = affine_map<(d0, d1) -> (0, 0)>
#map1 = affine_map<(d0, d1) -> (0)>
module attributes {stable_mosaic.version = 14 : i64} {
  func.func @_sc_kernel(%arg0: i32, %arg1: i32, %arg2: memref<2704x2048xf32, #tpu.memory_space<hbm>>, %arg3: memref<26624xf32, #tpu.memory_space<hbm>>, %arg4: memref<26624xi32, #tpu.memory_space<hbm>>, %arg5: memref<1024x2048xf32, #tpu.memory_space<hbm>>, %arg6: memref<832xf32, #tpu.memory_space<vmem>>, %arg7: memref<832xi32, #tpu.memory_space<vmem>>, %arg8: memref<848xi32, #tpu.memory_space<vmem>>, %arg9: memref<16x2048xf32, #tpu.memory_space<vmem>>, %arg10: memref<16x2048xf32, #tpu.memory_space<vmem>>, %arg11: memref<2048xf32, #tpu.memory_space<vmem>>, %arg12: memref<!tpu.dma_semaphore, #tpu.memory_space<semaphore_mem>>) attributes {dimension_semantics = [#tpu.dimension_semantics<core_parallel>, #tpu.dimension_semantics<subcore_parallel>], iteration_bounds = array<i64: 2, 16>, scalar_prefetch = 0 : i64, scratch_operands = 7 : i64, tpu.core_type = #tpu.core_type<sc_vector_subcore>, window_params = [{transform_indices = #map}, {transform_indices = #map1}, {transform_indices = #map1}, {transform_indices = #map}]} {
    %mul3A = arith.constant 2 : i32
    %mul3A_0 = arith.muli %arg1, %mul3A : i32
    %add3A = arith.addi %mul3A_0, %arg0 : i32
    %mul3A_1 = arith.constant 832 : i32
    %mul3A_2 = arith.muli %add3A, %mul3A_1 : i32
    "tpu.region"() ({
      %run_scoped3A = tpu.sem_alloc : memref<!tpu.dma_semaphore, #tpu.memory_space<semaphore_mem>>
      %dma_start3A = tpu.memref_slice %arg3[%mul3A_2] : memref<26624xf32, #tpu.memory_space<hbm>> -> memref<832xf32, #tpu.memory_space<hbm>>
      %dma_start3A_2284 = tpu.memref_slice %arg3[%mul3A_2] : memref<26624xf32, #tpu.memory_space<hbm>> -> memref<832xf32, #tpu.memory_space<hbm>>
      tpu.enqueue_dma source(%dma_start3A_2284 : memref<832xf32, #tpu.memory_space<hbm>>) target(%arg6 : memref<832xf32, #tpu.memory_space<vmem>>) target_semaphore(%run_scoped3A : memref<!tpu.dma_semaphore, #tpu.memory_space<semaphore_mem>>)
      %dma_wait3A = tpu.memref_slice %arg3[%mul3A_2] : memref<26624xf32, #tpu.memory_space<hbm>> -> memref<832xf32, #tpu.memory_space<hbm>>
      %dma_wait3A_2285 = tpu.memref_slice %arg3[%mul3A_2] : memref<26624xf32, #tpu.memory_space<hbm>> -> memref<832xf32, #tpu.memory_space<hbm>>
      tpu.wait_dma2 semaphore(%run_scoped3A : memref<!tpu.dma_semaphore, #tpu.memory_space<semaphore_mem>>) src(%dma_wait3A_2285 : memref<832xf32, #tpu.memory_space<hbm>>) dst(%arg6 : memref<832xf32, #tpu.memory_space<vmem>>)
      tpu.yield
    }) : () -> ()
    "tpu.region"() ({
      %run_scoped3A = tpu.sem_alloc : memref<!tpu.dma_semaphore, #tpu.memory_space<semaphore_mem>>
      %dma_start3A = tpu.memref_slice %arg4[%mul3A_2] : memref<26624xi32, #tpu.memory_space<hbm>> -> memref<832xi32, #tpu.memory_space<hbm>>
      %dma_start3A_2284 = tpu.memref_slice %arg4[%mul3A_2] : memref<26624xi32, #tpu.memory_space<hbm>> -> memref<832xi32, #tpu.memory_space<hbm>>
      tpu.enqueue_dma source(%dma_start3A_2284 : memref<832xi32, #tpu.memory_space<hbm>>) target(%arg7 : memref<832xi32, #tpu.memory_space<vmem>>) target_semaphore(%run_scoped3A : memref<!tpu.dma_semaphore, #tpu.memory_space<semaphore_mem>>)
      %dma_wait3A = tpu.memref_slice %arg4[%mul3A_2] : memref<26624xi32, #tpu.memory_space<hbm>> -> memref<832xi32, #tpu.memory_space<hbm>>
      %dma_wait3A_2285 = tpu.memref_slice %arg4[%mul3A_2] : memref<26624xi32, #tpu.memory_space<hbm>> -> memref<832xi32, #tpu.memory_space<hbm>>
      tpu.wait_dma2 semaphore(%run_scoped3A : memref<!tpu.dma_semaphore, #tpu.memory_space<semaphore_mem>>) src(%dma_wait3A_2285 : memref<832xi32, #tpu.memory_space<hbm>>) dst(%arg7 : memref<832xi32, #tpu.memory_space<vmem>>)
      tpu.yield
    }) : () -> ()
    %get3A = arith.constant 0 : index
    %get3A_3 = tpu.vector_load %arg6[%get3A] {strides = array<i32>} : memref<832xf32, #tpu.memory_space<vmem>>, vector<16xf32>,
    %get3A_4 = vector.shape_cast %get3A_3 : vector<16xf32> to vector<16xf32>
    %mul3A_5 = arith.constant 9.900000e+01 : f32
    %mul3A_6 = vector.broadcast %mul3A_5 : f32 to vector<16xf32>
    %mul3A_7 = arith.mulf %get3A_4, %mul3A_6 : vector<16xf32>
    %convert_element_type3A = arith.fptosi %mul3A_7 : vector<16xf32> to vector<16xi32>
    %convert_element_type3A_8 = arith.sitofp %convert_element_type3A : vector<16xi32> to vector<16xf32>
    %sub3A = arith.subf %mul3A_7, %convert_element_type3A_8 : vector<16xf32>
    %broadcast_in_dim3A = arith.constant 1 : i32
    %broadcast_in_dim3A_9 = vector.broadcast %broadcast_in_dim3A : i32 to vector<16xi32>
    %broadcast_in_dim3A_10 = arith.constant 0 : i32
    %broadcast_in_dim3A_11 = vector.broadcast %broadcast_in_dim3A_10 : i32 to vector<16xi32>
    %gt3A = arith.constant 5.000000e-01 : f32
    %gt3A_12 = vector.broadcast %gt3A : f32 to vector<16xf32>
    %gt3A_13 = arith.cmpf ogt, %sub3A, %gt3A_12 : vector<16xf32>
    %select_n3A = arith.select %gt3A_13, %broadcast_in_dim3A_9, %broadcast_in_dim3A_11 : vector<16xi1>, vector<16xi32>
    %eq3A = arith.constant 5.000000e-01 : f32
    %eq3A_14 = vector.broadcast %eq3A : f32 to vector<16xf32>
    %eq3A_15 = arith.cmpf oeq, %sub3A, %eq3A_14 : vector<16xf32>
    %and3A = arith.constant 1 : i32
    %and3A_16 = vector.broadcast %and3A : i32 to vector<16xi32>
    %and3A_17 = arith.andi %convert_element_type3A, %and3A_16 : vector<16xi32>
    %eq3A_18 = arith.constant 1 : i32
    %eq3A_19 = vector.broadcast %eq3A_18 : i32 to vector<16xi32>
    %eq3A_20 = arith.cmpi eq, %and3A_17, %eq3A_19 : vector<16xi32>
    %and3A_21 = arith.andi %eq3A_15, %eq3A_20 : vector<16xi1>
    %select_n3A_22 = arith.select %and3A_21, %broadcast_in_dim3A_9, %broadcast_in_dim3A_11 : vector<16xi1>, vector<16xi32>
    %add3A_23 = arith.addi %convert_element_type3A, %select_n3A : vector<16xi32>
    %add3A_24 = arith.addi %add3A_23, %select_n3A_22 : vector<16xi32>
    %jit3A = arith.constant 0 : i32
    %jit3A_25 = arith.constant 99 : i32
    %max3A = vector.broadcast %jit3A : i32 to vector<16xi32>
    %max3A_26 = arith.maxsi %max3A, %add3A_24 : vector<16xi32>
    %min3A = vector.broadcast %jit3A_25 : i32 to vector<16xi32>
    %min3A_27 = arith.minsi %min3A, %max3A_26 : vector<16xi32>
    %get3A_28 = arith.constant 0 : index
    %get3A_29 = tpu.vector_load %arg7[%get3A_28] {strides = array<i32>} : memref<832xi32, #tpu.memory_space<vmem>>, vector<16xi32>,
    %get3A_30 = vector.shape_cast %get3A_29 : vector<16xi32> to vector<16xi32>
    %add3A_31 = arith.addi %min3A_27, %get3A_30 : vector<16xi32>
    %swap3A = arith.constant 0 : index
    %swap3A_32 = tpu.vector_load %arg8[%swap3A] {strides = array<i32>} : memref<848xi32, #tpu.memory_space<vmem>>, vector<16xi32>,
    %swap3A_33 = vector.shape_cast %swap3A_32 : vector<16xi32> to vector<16xi32>
    %swap3A_34 = vector.shape_cast %add3A_31 : vector<16xi32> to vector<16xi32>
    tpu.vector_store %arg8[%swap3A], %swap3A_34 {strides = array<i32>} : memref<848xi32, #tpu.memory_space<vmem>>, vector<16xi32>,
    %get3A_35 = arith.constant 16 : index
    %get3A_36 = tpu.vector_load %arg6[%get3A_35] {strides = array<i32>} : memref<832xf32, #tpu.memory_space<vmem>>, vector<16xf32>,
    %get3A_37 = vector.shape_cast %get3A_36 : vector<16xf32> to vector<16xf32>
    %mul3A_38 = arith.constant 9.900000e+01 : f32
    %mul3A_39 = vector.broadcast %mul3A_38 : f32 to vector<16xf32>
    %mul3A_40 = arith.mulf %get3A_37, %mul3A_39 : vector<16xf32>
    %convert_element_type3A_41 = arith.fptosi %mul3A_40 : vector<16xf32> to vector<16xi32>
    %convert_element_type3A_42 = arith.sitofp %convert_element_type3A_41 : vector<16xi32> to vector<16xf32>
    %sub3A_43 = arith.subf %mul3A_40, %convert_element_type3A_42 : vector<16xf32>
    %broadcast_in_dim3A_44 = arith.constant 1 : i32
    %broadcast_in_dim3A_45 = vector.broadcast %broadcast_in_dim3A_44 : i32 to vector<16xi32>
    %broadcast_in_dim3A_46 = arith.constant 0 : i32
    %broadcast_in_dim3A_47 = vector.broadcast %broadcast_in_dim3A_46 : i32 to vector<16xi32>
    %gt3A_48 = arith.constant 5.000000e-01 : f32
    %gt3A_49 = vector.broadcast %gt3A_48 : f32 to vector<16xf32>
    %gt3A_50 = arith.cmpf ogt, %sub3A_43, %gt3A_49 : vector<16xf32>
    %select_n3A_51 = arith.select %gt3A_50, %broadcast_in_dim3A_45, %broadcast_in_dim3A_47 : vector<16xi1>, vector<16xi32>
    %eq3A_52 = arith.constant 5.000000e-01 : f32
    %eq3A_53 = vector.broadcast %eq3A_52 : f32 to vector<16xf32>
    %eq3A_54 = arith.cmpf oeq, %sub3A_43, %eq3A_53 : vector<16xf32>
    %and3A_55 = arith.constant 1 : i32
    %and3A_56 = vector.broadcast %and3A_55 : i32 to vector<16xi32>
    %and3A_57 = arith.andi %convert_element_type3A_41, %and3A_56 : vector<16xi32>
    %eq3A_58 = arith.constant 1 : i32
    %eq3A_59 = vector.broadcast %eq3A_58 : i32 to vector<16xi32>
    %eq3A_60 = arith.cmpi eq, %and3A_57, %eq3A_59 : vector<16xi32>
    %and3A_61 = arith.andi %eq3A_54, %eq3A_60 : vector<16xi1>
    %select_n3A_62 = arith.select %and3A_61, %broadcast_in_dim3A_45, %broadcast_in_dim3A_47 : vector<16xi1>, vector<16xi32>
    %add3A_63 = arith.addi %convert_element_type3A_41, %select_n3A_51 : vector<16xi32>
    %add3A_64 = arith.addi %add3A_63, %select_n3A_62 : vector<16xi32>
    %jit3A_65 = arith.constant 0 : i32
    %jit3A_66 = arith.constant 99 : i32
    %max3A_67 = vector.broadcast %jit3A_65 : i32 to vector<16xi32>
    %max3A_68 = arith.maxsi %max3A_67, %add3A_64 : vector<16xi32>
    %min3A_69 = vector.broadcast %jit3A_66 : i32 to vector<16xi32>
    %min3A_70 = arith.minsi %min3A_69, %max3A_68 : vector<16xi32>
    %get3A_71 = arith.constant 16 : index
    %get3A_72 = tpu.vector_load %arg7[%get3A_71] {strides = array<i32>} : memref<832xi32, #tpu.memory_space<vmem>>, vector<16xi32>,
    %get3A_73 = vector.shape_cast %get3A_72 : vector<16xi32> to vector<16xi32>
    %add3A_74 = arith.addi %min3A_70, %get3A_73 : vector<16xi32>
    %swap3A_75 = arith.constant 16 : index
    %swap3A_76 = tpu.vector_load %arg8[%swap3A_75] {strides = array<i32>} : memref<848xi32, #tpu.memory_space<vmem>>, vector<16xi32>,
    %swap3A_77 = vector.shape_cast %swap3A_76 : vector<16xi32> to vector<16xi32>
    %swap3A_78 = vector.shape_cast %add3A_74 : vector<16xi32> to vector<16xi32>
    tpu.vector_store %arg8[%swap3A_75], %swap3A_78 {strides = array<i32>} : memref<848xi32, #tpu.memory_space<vmem>>, vector<16xi32>,
    %get3A_79 = arith.constant 32 : index
    %get3A_80 = tpu.vector_load %arg6[%get3A_79] {strides = array<i32>} : memref<832xf32, #tpu.memory_space<vmem>>, vector<16xf32>,
    %get3A_81 = vector.shape_cast %get3A_80 : vector<16xf32> to vector<16xf32>
    %mul3A_82 = arith.constant 9.900000e+01 : f32
    %mul3A_83 = vector.broadcast %mul3A_82 : f32 to vector<16xf32>
    %mul3A_84 = arith.mulf %get3A_81, %mul3A_83 : vector<16xf32>
    %convert_element_type3A_85 = arith.fptosi %mul3A_84 : vector<16xf32> to vector<16xi32>
    %convert_element_type3A_86 = arith.sitofp %convert_element_type3A_85 : vector<16xi32> to vector<16xf32>
    %sub3A_87 = arith.subf %mul3A_84, %convert_element_type3A_86 : vector<16xf32>
    %broadcast_in_dim3A_88 = arith.constant 1 : i32
    %broadcast_in_dim3A_89 = vector.broadcast %broadcast_in_dim3A_88 : i32 to vector<16xi32>
    %broadcast_in_dim3A_90 = arith.constant 0 : i32
    %broadcast_in_dim3A_91 = vector.broadcast %broadcast_in_dim3A_90 : i32 to vector<16xi32>
    %gt3A_92 = arith.constant 5.000000e-01 : f32
    %gt3A_93 = vector.broadcast %gt3A_92 : f32 to vector<16xf32>
    %gt3A_94 = arith.cmpf ogt, %sub3A_87, %gt3A_93 : vector<16xf32>
    %select_n3A_95 = arith.select %gt3A_94, %broadcast_in_dim3A_89, %broadcast_in_dim3A_91 : vector<16xi1>, vector<16xi32>
    %eq3A_96 = arith.constant 5.000000e-01 : f32
    %eq3A_97 = vector.broadcast %eq3A_96 : f32 to vector<16xf32>
    %eq3A_98 = arith.cmpf oeq, %sub3A_87, %eq3A_97 : vector<16xf32>
    %and3A_99 = arith.constant 1 : i32
    %and3A_100 = vector.broadcast %and3A_99 : i32 to vector<16xi32>
    %and3A_101 = arith.andi %convert_element_type3A_85, %and3A_100 : vector<16xi32>
    %eq3A_102 = arith.constant 1 : i32
    %eq3A_103 = vector.broadcast %eq3A_102 : i32 to vector<16xi32>
    %eq3A_104 = arith.cmpi eq, %and3A_101, %eq3A_103 : vector<16xi32>
    %and3A_105 = arith.andi %eq3A_98, %eq3A_104 : vector<16xi1>
    %select_n3A_106 = arith.select %and3A_105, %broadcast_in_dim3A_89, %broadcast_in_dim3A_91 : vector<16xi1>, vector<16xi32>
    %add3A_107 = arith.addi %convert_element_type3A_85, %select_n3A_95 : vector<16xi32>
    %add3A_108 = arith.addi %add3A_107, %select_n3A_106 : vector<16xi32>
    %jit3A_109 = arith.constant 0 : i32
    %jit3A_110 = arith.constant 99 : i32
    %max3A_111 = vector.broadcast %jit3A_109 : i32 to vector<16xi32>
    %max3A_112 = arith.maxsi %max3A_111, %add3A_108 : vector<16xi32>
    %min3A_113 = vector.broadcast %jit3A_110 : i32 to vector<16xi32>
    %min3A_114 = arith.minsi %min3A_113, %max3A_112 : vector<16xi32>
    %get3A_115 = arith.constant 32 : index
    %get3A_116 = tpu.vector_load %arg7[%get3A_115] {strides = array<i32>} : memref<832xi32, #tpu.memory_space<vmem>>, vector<16xi32>,
    %get3A_117 = vector.shape_cast %get3A_116 : vector<16xi32> to vector<16xi32>
    %add3A_118 = arith.addi %min3A_114, %get3A_117 : vector<16xi32>
    %swap3A_119 = arith.constant 32 : index
    %swap3A_120 = tpu.vector_load %arg8[%swap3A_119] {strides = array<i32>} : memref<848xi32, #tpu.memory_space<vmem>>, vector<16xi32>,
    %swap3A_121 = vector.shape_cast %swap3A_120 : vector<16xi32> to vector<16xi32>
    %swap3A_122 = vector.shape_cast %add3A_118 : vector<16xi32> to vector<16xi32>
    tpu.vector_store %arg8[%swap3A_119], %swap3A_122 {strides = array<i32>} : memref<848xi32, #tpu.memory_space<vmem>>, vector<16xi32>,
    %get3A_123 = arith.constant 48 : index
    %get3A_124 = tpu.vector_load %arg6[%get3A_123] {strides = array<i32>} : memref<832xf32, #tpu.memory_space<vmem>>, vector<16xf32>,
    %get3A_125 = vector.shape_cast %get3A_124 : vector<16xf32> to vector<16xf32>
    %mul3A_126 = arith.constant 9.900000e+01 : f32
    %mul3A_127 = vector.broadcast %mul3A_126 : f32 to vector<16xf32>
    %mul3A_128 = arith.mulf %get3A_125, %mul3A_127 : vector<16xf32>
    %convert_element_type3A_129 = arith.fptosi %mul3A_128 : vector<16xf32> to vector<16xi32>
    %convert_element_type3A_130 = arith.sitofp %convert_element_type3A_129 : vector<16xi32> to vector<16xf32>
    %sub3A_131 = arith.subf %mul3A_128, %convert_element_type3A_130 : vector<16xf32>
    %broadcast_in_dim3A_132 = arith.constant 1 : i32
    %broadcast_in_dim3A_133 = vector.broadcast %broadcast_in_dim3A_132 : i32 to vector<16xi32>
    %broadcast_in_dim3A_134 = arith.constant 0 : i32
    %broadcast_in_dim3A_135 = vector.broadcast %broadcast_in_dim3A_134 : i32 to vector<16xi32>
    %gt3A_136 = arith.constant 5.000000e-01 : f32
    %gt3A_137 = vector.broadcast %gt3A_136 : f32 to vector<16xf32>
    %gt3A_138 = arith.cmpf ogt, %sub3A_131, %gt3A_137 : vector<16xf32>
    %select_n3A_139 = arith.select %gt3A_138, %broadcast_in_dim3A_133, %broadcast_in_dim3A_135 : vector<16xi1>, vector<16xi32>
    %eq3A_140 = arith.constant 5.000000e-01 : f32
    %eq3A_141 = vector.broadcast %eq3A_140 : f32 to vector<16xf32>
    %eq3A_142 = arith.cmpf oeq, %sub3A_131, %eq3A_141 : vector<16xf32>
    %and3A_143 = arith.constant 1 : i32
    %and3A_144 = vector.broadcast %and3A_143 : i32 to vector<16xi32>
    %and3A_145 = arith.andi %convert_element_type3A_129, %and3A_144 : vector<16xi32>
    %eq3A_146 = arith.constant 1 : i32
    %eq3A_147 = vector.broadcast %eq3A_146 : i32 to vector<16xi32>
    %eq3A_148 = arith.cmpi eq, %and3A_145, %eq3A_147 : vector<16xi32>
    %and3A_149 = arith.andi %eq3A_142, %eq3A_148 : vector<16xi1>
    %select_n3A_150 = arith.select %and3A_149, %broadcast_in_dim3A_133, %broadcast_in_dim3A_135 : vector<16xi1>, vector<16xi32>
    %add3A_151 = arith.addi %convert_element_type3A_129, %select_n3A_139 : vector<16xi32>
    %add3A_152 = arith.addi %add3A_151, %select_n3A_150 : vector<16xi32>
    %jit3A_153 = arith.constant 0 : i32
    %jit3A_154 = arith.constant 99 : i32
    %max3A_155 = vector.broadcast %jit3A_153 : i32 to vector<16xi32>
    %max3A_156 = arith.maxsi %max3A_155, %add3A_152 : vector<16xi32>
    %min3A_157 = vector.broadcast %jit3A_154 : i32 to vector<16xi32>
    %min3A_158 = arith.minsi %min3A_157, %max3A_156 : vector<16xi32>
    %get3A_159 = arith.constant 48 : index
    %get3A_160 = tpu.vector_load %arg7[%get3A_159] {strides = array<i32>} : memref<832xi32, #tpu.memory_space<vmem>>, vector<16xi32>,
    %get3A_161 = vector.shape_cast %get3A_160 : vector<16xi32> to vector<16xi32>
    %add3A_162 = arith.addi %min3A_158, %get3A_161 : vector<16xi32>
    %swap3A_163 = arith.constant 48 : index
    %swap3A_164 = tpu.vector_load %arg8[%swap3A_163] {strides = array<i32>} : memref<848xi32, #tpu.memory_space<vmem>>, vector<16xi32>,
    %swap3A_165 = vector.shape_cast %swap3A_164 : vector<16xi32> to vector<16xi32>
    %swap3A_166 = vector.shape_cast %add3A_162 : vector<16xi32> to vector<16xi32>
    tpu.vector_store %arg8[%swap3A_163], %swap3A_166 {strides = array<i32>} : memref<848xi32, #tpu.memory_space<vmem>>, vector<16xi32>,
    %get3A_167 = arith.constant 64 : index
    %get3A_168 = tpu.vector_load %arg6[%get3A_167] {strides = array<i32>} : memref<832xf32, #tpu.memory_space<vmem>>, vector<16xf32>,
    %get3A_169 = vector.shape_cast %get3A_168 : vector<16xf32> to vector<16xf32>
    %mul3A_170 = arith.constant 9.900000e+01 : f32
    %mul3A_171 = vector.broadcast %mul3A_170 : f32 to vector<16xf32>
    %mul3A_172 = arith.mulf %get3A_169, %mul3A_171 : vector<16xf32>
    %convert_element_type3A_173 = arith.fptosi %mul3A_172 : vector<16xf32> to vector<16xi32>
    %convert_element_type3A_174 = arith.sitofp %convert_element_type3A_173 : vector<16xi32> to vector<16xf32>
    %sub3A_175 = arith.subf %mul3A_172, %convert_element_type3A_174 : vector<16xf32>
    %broadcast_in_dim3A_176 = arith.constant 1 : i32
    %broadcast_in_dim3A_177 = vector.broadcast %broadcast_in_dim3A_176 : i32 to vector<16xi32>
    %broadcast_in_dim3A_178 = arith.constant 0 : i32
    %broadcast_in_dim3A_179 = vector.broadcast %broadcast_in_dim3A_178 : i32 to vector<16xi32>
    %gt3A_180 = arith.constant 5.000000e-01 : f32
    %gt3A_181 = vector.broadcast %gt3A_180 : f32 to vector<16xf32>
    %gt3A_182 = arith.cmpf ogt, %sub3A_175, %gt3A_181 : vector<16xf32>
    %select_n3A_183 = arith.select %gt3A_182, %broadcast_in_dim3A_177, %broadcast_in_dim3A_179 : vector<16xi1>, vector<16xi32>
    %eq3A_184 = arith.constant 5.000000e-01 : f32
    %eq3A_185 = vector.broadcast %eq3A_184 : f32 to vector<16xf32>
    %eq3A_186 = arith.cmpf oeq, %sub3A_175, %eq3A_185 : vector<16xf32>
    %and3A_187 = arith.constant 1 : i32
    %and3A_188 = vector.broadcast %and3A_187 : i32 to vector<16xi32>
    %and3A_189 = arith.andi %convert_element_type3A_173, %and3A_188 : vector<16xi32>
    %eq3A_190 = arith.constant 1 : i32
    %eq3A_191 = vector.broadcast %eq3A_190 : i32 to vector<16xi32>
    %eq3A_192 = arith.cmpi eq, %and3A_189, %eq3A_191 : vector<16xi32>
    %and3A_193 = arith.andi %eq3A_186, %eq3A_192 : vector<16xi1>
    %select_n3A_194 = arith.select %and3A_193, %broadcast_in_dim3A_177, %broadcast_in_dim3A_179 : vector<16xi1>, vector<16xi32>
    %add3A_195 = arith.addi %convert_element_type3A_173, %select_n3A_183 : vector<16xi32>
    %add3A_196 = arith.addi %add3A_195, %select_n3A_194 : vector<16xi32>
    %jit3A_197 = arith.constant 0 : i32
    %jit3A_198 = arith.constant 99 : i32
    %max3A_199 = vector.broadcast %jit3A_197 : i32 to vector<16xi32>
    %max3A_200 = arith.maxsi %max3A_199, %add3A_196 : vector<16xi32>
    %min3A_201 = vector.broadcast %jit3A_198 : i32 to vector<16xi32>
    %min3A_202 = arith.minsi %min3A_201, %max3A_200 : vector<16xi32>
    %get3A_203 = arith.constant 64 : index
    %get3A_204 = tpu.vector_load %arg7[%get3A_203] {strides = array<i32>} : memref<832xi32, #tpu.memory_space<vmem>>, vector<16xi32>,
    %get3A_205 = vector.shape_cast %get3A_204 : vector<16xi32> to vector<16xi32>
    %add3A_206 = arith.addi %min3A_202, %get3A_205 : vector<16xi32>
    %swap3A_207 = arith.constant 64 : index
    %swap3A_208 = tpu.vector_load %arg8[%swap3A_207] {strides = array<i32>} : memref<848xi32, #tpu.memory_space<vmem>>, vector<16xi32>,
    %swap3A_209 = vector.shape_cast %swap3A_208 : vector<16xi32> to vector<16xi32>
    %swap3A_210 = vector.shape_cast %add3A_206 : vector<16xi32> to vector<16xi32>
    tpu.vector_store %arg8[%swap3A_207], %swap3A_210 {strides = array<i32>} : memref<848xi32, #tpu.memory_space<vmem>>, vector<16xi32>,
    %get3A_211 = arith.constant 80 : index
    %get3A_212 = tpu.vector_load %arg6[%get3A_211] {strides = array<i32>} : memref<832xf32, #tpu.memory_space<vmem>>, vector<16xf32>,
    %get3A_213 = vector.shape_cast %get3A_212 : vector<16xf32> to vector<16xf32>
    %mul3A_214 = arith.constant 9.900000e+01 : f32
    %mul3A_215 = vector.broadcast %mul3A_214 : f32 to vector<16xf32>
    %mul3A_216 = arith.mulf %get3A_213, %mul3A_215 : vector<16xf32>
    %convert_element_type3A_217 = arith.fptosi %mul3A_216 : vector<16xf32> to vector<16xi32>
    %convert_element_type3A_218 = arith.sitofp %convert_element_type3A_217 : vector<16xi32> to vector<16xf32>
    %sub3A_219 = arith.subf %mul3A_216, %convert_element_type3A_218 : vector<16xf32>
    %broadcast_in_dim3A_220 = arith.constant 1 : i32
    %broadcast_in_dim3A_221 = vector.broadcast %broadcast_in_dim3A_220 : i32 to vector<16xi32>
    %broadcast_in_dim3A_222 = arith.constant 0 : i32
    %broadcast_in_dim3A_223 = vector.broadcast %broadcast_in_dim3A_222 : i32 to vector<16xi32>
    %gt3A_224 = arith.constant 5.000000e-01 : f32
    %gt3A_225 = vector.broadcast %gt3A_224 : f32 to vector<16xf32>
    %gt3A_226 = arith.cmpf ogt, %sub3A_219, %gt3A_225 : vector<16xf32>
    %select_n3A_227 = arith.select %gt3A_226, %broadcast_in_dim3A_221, %broadcast_in_dim3A_223 : vector<16xi1>, vector<16xi32>
    %eq3A_228 = arith.constant 5.000000e-01 : f32
    %eq3A_229 = vector.broadcast %eq3A_228 : f32 to vector<16xf32>
    %eq3A_230 = arith.cmpf oeq, %sub3A_219, %eq3A_229 : vector<16xf32>
    %and3A_231 = arith.constant 1 : i32
    %and3A_232 = vector.broadcast %and3A_231 : i32 to vector<16xi32>
    %and3A_233 = arith.andi %convert_element_type3A_217, %and3A_232 : vector<16xi32>
    %eq3A_234 = arith.constant 1 : i32
    %eq3A_235 = vector.broadcast %eq3A_234 : i32 to vector<16xi32>
    %eq3A_236 = arith.cmpi eq, %and3A_233, %eq3A_235 : vector<16xi32>
    %and3A_237 = arith.andi %eq3A_230, %eq3A_236 : vector<16xi1>
    %select_n3A_238 = arith.select %and3A_237, %broadcast_in_dim3A_221, %broadcast_in_dim3A_223 : vector<16xi1>, vector<16xi32>
    %add3A_239 = arith.addi %convert_element_type3A_217, %select_n3A_227 : vector<16xi32>
    %add3A_240 = arith.addi %add3A_239, %select_n3A_238 : vector<16xi32>
    %jit3A_241 = arith.constant 0 : i32
    %jit3A_242 = arith.constant 99 : i32
    %max3A_243 = vector.broadcast %jit3A_241 : i32 to vector<16xi32>
    %max3A_244 = arith.maxsi %max3A_243, %add3A_240 : vector<16xi32>
    %min3A_245 = vector.broadcast %jit3A_242 : i32 to vector<16xi32>
    %min3A_246 = arith.minsi %min3A_245, %max3A_244 : vector<16xi32>
    %get3A_247 = arith.constant 80 : index
    %get3A_248 = tpu.vector_load %arg7[%get3A_247] {strides = array<i32>} : memref<832xi32, #tpu.memory_space<vmem>>, vector<16xi32>,
    %get3A_249 = vector.shape_cast %get3A_248 : vector<16xi32> to vector<16xi32>
    %add3A_250 = arith.addi %min3A_246, %get3A_249 : vector<16xi32>
    %swap3A_251 = arith.constant 80 : index
    %swap3A_252 = tpu.vector_load %arg8[%swap3A_251] {strides = array<i32>} : memref<848xi32, #tpu.memory_space<vmem>>, vector<16xi32>,
    %swap3A_253 = vector.shape_cast %swap3A_252 : vector<16xi32> to vector<16xi32>
    %swap3A_254 = vector.shape_cast %add3A_250 : vector<16xi32> to vector<16xi32>
    tpu.vector_store %arg8[%swap3A_251], %swap3A_254 {strides = array<i32>} : memref<848xi32, #tpu.memory_space<vmem>>, vector<16xi32>,
    %get3A_255 = arith.constant 96 : index
    %get3A_256 = tpu.vector_load %arg6[%get3A_255] {strides = array<i32>} : memref<832xf32, #tpu.memory_space<vmem>>, vector<16xf32>,
    %get3A_257 = vector.shape_cast %get3A_256 : vector<16xf32> to vector<16xf32>
    %mul3A_258 = arith.constant 9.900000e+01 : f32
    %mul3A_259 = vector.broadcast %mul3A_258 : f32 to vector<16xf32>
    %mul3A_260 = arith.mulf %get3A_257, %mul3A_259 : vector<16xf32>
    %convert_element_type3A_261 = arith.fptosi %mul3A_260 : vector<16xf32> to vector<16xi32>
    %convert_element_type3A_262 = arith.sitofp %convert_element_type3A_261 : vector<16xi32> to vector<16xf32>
    %sub3A_263 = arith.subf %mul3A_260, %convert_element_type3A_262 : vector<16xf32>
    %broadcast_in_dim3A_264 = arith.constant 1 : i32
    %broadcast_in_dim3A_265 = vector.broadcast %broadcast_in_dim3A_264 : i32 to vector<16xi32>
    %broadcast_in_dim3A_266 = arith.constant 0 : i32
    %broadcast_in_dim3A_267 = vector.broadcast %broadcast_in_dim3A_266 : i32 to vector<16xi32>
    %gt3A_268 = arith.constant 5.000000e-01 : f32
    %gt3A_269 = vector.broadcast %gt3A_268 : f32 to vector<16xf32>
    %gt3A_270 = arith.cmpf ogt, %sub3A_263, %gt3A_269 : vector<16xf32>
    %select_n3A_271 = arith.select %gt3A_270, %broadcast_in_dim3A_265, %broadcast_in_dim3A_267 : vector<16xi1>, vector<16xi32>
    %eq3A_272 = arith.constant 5.000000e-01 : f32
    %eq3A_273 = vector.broadcast %eq3A_272 : f32 to vector<16xf32>
    %eq3A_274 = arith.cmpf oeq, %sub3A_263, %eq3A_273 : vector<16xf32>
    %and3A_275 = arith.constant 1 : i32
    %and3A_276 = vector.broadcast %and3A_275 : i32 to vector<16xi32>
    %and3A_277 = arith.andi %convert_element_type3A_261, %and3A_276 : vector<16xi32>
    %eq3A_278 = arith.constant 1 : i32
    %eq3A_279 = vector.broadcast %eq3A_278 : i32 to vector<16xi32>
    %eq3A_280 = arith.cmpi eq, %and3A_277, %eq3A_279 : vector<16xi32>
    %and3A_281 = arith.andi %eq3A_274, %eq3A_280 : vector<16xi1>
    %select_n3A_282 = arith.select %and3A_281, %broadcast_in_dim3A_265, %broadcast_in_dim3A_267 : vector<16xi1>, vector<16xi32>
    %add3A_283 = arith.addi %convert_element_type3A_261, %select_n3A_271 : vector<16xi32>
    %add3A_284 = arith.addi %add3A_283, %select_n3A_282 : vector<16xi32>
    %jit3A_285 = arith.constant 0 : i32
    %jit3A_286 = arith.constant 99 : i32
    %max3A_287 = vector.broadcast %jit3A_285 : i32 to vector<16xi32>
    %max3A_288 = arith.maxsi %max3A_287, %add3A_284 : vector<16xi32>
    %min3A_289 = vector.broadcast %jit3A_286 : i32 to vector<16xi32>
    %min3A_290 = arith.minsi %min3A_289, %max3A_288 : vector<16xi32>
    %get3A_291 = arith.constant 96 : index
    %get3A_292 = tpu.vector_load %arg7[%get3A_291] {strides = array<i32>} : memref<832xi32, #tpu.memory_space<vmem>>, vector<16xi32>,
    %get3A_293 = vector.shape_cast %get3A_292 : vector<16xi32> to vector<16xi32>
    %add3A_294 = arith.addi %min3A_290, %get3A_293 : vector<16xi32>
    %swap3A_295 = arith.constant 96 : index
    %swap3A_296 = tpu.vector_load %arg8[%swap3A_295] {strides = array<i32>} : memref<848xi32, #tpu.memory_space<vmem>>, vector<16xi32>,
    %swap3A_297 = vector.shape_cast %swap3A_296 : vector<16xi32> to vector<16xi32>
    %swap3A_298 = vector.shape_cast %add3A_294 : vector<16xi32> to vector<16xi32>
    tpu.vector_store %arg8[%swap3A_295], %swap3A_298 {strides = array<i32>} : memref<848xi32, #tpu.memory_space<vmem>>, vector<16xi32>,
    %get3A_299 = arith.constant 112 : index
    %get3A_300 = tpu.vector_load %arg6[%get3A_299] {strides = array<i32>} : memref<832xf32, #tpu.memory_space<vmem>>, vector<16xf32>,
    %get3A_301 = vector.shape_cast %get3A_300 : vector<16xf32> to vector<16xf32>
    %mul3A_302 = arith.constant 9.900000e+01 : f32
    %mul3A_303 = vector.broadcast %mul3A_302 : f32 to vector<16xf32>
    %mul3A_304 = arith.mulf %get3A_301, %mul3A_303 : vector<16xf32>
    %convert_element_type3A_305 = arith.fptosi %mul3A_304 : vector<16xf32> to vector<16xi32>
    %convert_element_type3A_306 = arith.sitofp %convert_element_type3A_305 : vector<16xi32> to vector<16xf32>
    %sub3A_307 = arith.subf %mul3A_304, %convert_element_type3A_306 : vector<16xf32>
    %broadcast_in_dim3A_308 = arith.constant 1 : i32
    %broadcast_in_dim3A_309 = vector.broadcast %broadcast_in_dim3A_308 : i32 to vector<16xi32>
    %broadcast_in_dim3A_310 = arith.constant 0 : i32
    %broadcast_in_dim3A_311 = vector.broadcast %broadcast_in_dim3A_310 : i32 to vector<16xi32>
    %gt3A_312 = arith.constant 5.000000e-01 : f32
    %gt3A_313 = vector.broadcast %gt3A_312 : f32 to vector<16xf32>
    %gt3A_314 = arith.cmpf ogt, %sub3A_307, %gt3A_313 : vector<16xf32>
    %select_n3A_315 = arith.select %gt3A_314, %broadcast_in_dim3A_309, %broadcast_in_dim3A_311 : vector<16xi1>, vector<16xi32>
    %eq3A_316 = arith.constant 5.000000e-01 : f32
    %eq3A_317 = vector.broadcast %eq3A_316 : f32 to vector<16xf32>
    %eq3A_318 = arith.cmpf oeq, %sub3A_307, %eq3A_317 : vector<16xf32>
    %and3A_319 = arith.constant 1 : i32
    %and3A_320 = vector.broadcast %and3A_319 : i32 to vector<16xi32>
    %and3A_321 = arith.andi %convert_element_type3A_305, %and3A_320 : vector<16xi32>
    %eq3A_322 = arith.constant 1 : i32
    %eq3A_323 = vector.broadcast %eq3A_322 : i32 to vector<16xi32>
    %eq3A_324 = arith.cmpi eq, %and3A_321, %eq3A_323 : vector<16xi32>
    %and3A_325 = arith.andi %eq3A_318, %eq3A_324 : vector<16xi1>
    %select_n3A_326 = arith.select %and3A_325, %broadcast_in_dim3A_309, %broadcast_in_dim3A_311 : vector<16xi1>, vector<16xi32>
    %add3A_327 = arith.addi %convert_element_type3A_305, %select_n3A_315 : vector<16xi32>
    %add3A_328 = arith.addi %add3A_327, %select_n3A_326 : vector<16xi32>
    %jit3A_329 = arith.constant 0 : i32
    %jit3A_330 = arith.constant 99 : i32
    %max3A_331 = vector.broadcast %jit3A_329 : i32 to vector<16xi32>
    %max3A_332 = arith.maxsi %max3A_331, %add3A_328 : vector<16xi32>
    %min3A_333 = vector.broadcast %jit3A_330 : i32 to vector<16xi32>
    %min3A_334 = arith.minsi %min3A_333, %max3A_332 : vector<16xi32>
    %get3A_335 = arith.constant 112 : index
    %get3A_336 = tpu.vector_load %arg7[%get3A_335] {strides = array<i32>} : memref<832xi32, #tpu.memory_space<vmem>>, vector<16xi32>,
    %get3A_337 = vector.shape_cast %get3A_336 : vector<16xi32> to vector<16xi32>
    %add3A_338 = arith.addi %min3A_334, %get3A_337 : vector<16xi32>
    %swap3A_339 = arith.constant 112 : index
    %swap3A_340 = tpu.vector_load %arg8[%swap3A_339] {strides = array<i32>} : memref<848xi32, #tpu.memory_space<vmem>>, vector<16xi32>,
    %swap3A_341 = vector.shape_cast %swap3A_340 : vector<16xi32> to vector<16xi32>
    %swap3A_342 = vector.shape_cast %add3A_338 : vector<16xi32> to vector<16xi32>
    tpu.vector_store %arg8[%swap3A_339], %swap3A_342 {strides = array<i32>} : memref<848xi32, #tpu.memory_space<vmem>>, vector<16xi32>,
    %get3A_343 = arith.constant 128 : index
    %get3A_344 = tpu.vector_load %arg6[%get3A_343] {strides = array<i32>} : memref<832xf32, #tpu.memory_space<vmem>>, vector<16xf32>,
    %get3A_345 = vector.shape_cast %get3A_344 : vector<16xf32> to vector<16xf32>
    %mul3A_346 = arith.constant 9.900000e+01 : f32
    %mul3A_347 = vector.broadcast %mul3A_346 : f32 to vector<16xf32>
    %mul3A_348 = arith.mulf %get3A_345, %mul3A_347 : vector<16xf32>
    %convert_element_type3A_349 = arith.fptosi %mul3A_348 : vector<16xf32> to vector<16xi32>
    %convert_element_type3A_350 = arith.sitofp %convert_element_type3A_349 : vector<16xi32> to vector<16xf32>
    %sub3A_351 = arith.subf %mul3A_348, %convert_element_type3A_350 : vector<16xf32>
    %broadcast_in_dim3A_352 = arith.constant 1 : i32
    %broadcast_in_dim3A_353 = vector.broadcast %broadcast_in_dim3A_352 : i32 to vector<16xi32>
    %broadcast_in_dim3A_354 = arith.constant 0 : i32
    %broadcast_in_dim3A_355 = vector.broadcast %broadcast_in_dim3A_354 : i32 to vector<16xi32>
    %gt3A_356 = arith.constant 5.000000e-01 : f32
    %gt3A_357 = vector.broadcast %gt3A_356 : f32 to vector<16xf32>
    %gt3A_358 = arith.cmpf ogt, %sub3A_351, %gt3A_357 : vector<16xf32>
    %select_n3A_359 = arith.select %gt3A_358, %broadcast_in_dim3A_353, %broadcast_in_dim3A_355 : vector<16xi1>, vector<16xi32>
    %eq3A_360 = arith.constant 5.000000e-01 : f32
    %eq3A_361 = vector.broadcast %eq3A_360 : f32 to vector<16xf32>
    %eq3A_362 = arith.cmpf oeq, %sub3A_351, %eq3A_361 : vector<16xf32>
    %and3A_363 = arith.constant 1 : i32
    %and3A_364 = vector.broadcast %and3A_363 : i32 to vector<16xi32>
    %and3A_365 = arith.andi %convert_element_type3A_349, %and3A_364 : vector<16xi32>
    %eq3A_366 = arith.constant 1 : i32
    %eq3A_367 = vector.broadcast %eq3A_366 : i32 to vector<16xi32>
    %eq3A_368 = arith.cmpi eq, %and3A_365, %eq3A_367 : vector<16xi32>
    %and3A_369 = arith.andi %eq3A_362, %eq3A_368 : vector<16xi1>
    %select_n3A_370 = arith.select %and3A_369, %broadcast_in_dim3A_353, %broadcast_in_dim3A_355 : vector<16xi1>, vector<16xi32>
    %add3A_371 = arith.addi %convert_element_type3A_349, %select_n3A_359 : vector<16xi32>
    %add3A_372 = arith.addi %add3A_371, %select_n3A_370 : vector<16xi32>
    %jit3A_373 = arith.constant 0 : i32
    %jit3A_374 = arith.constant 99 : i32
    %max3A_375 = vector.broadcast %jit3A_373 : i32 to vector<16xi32>
    %max3A_376 = arith.maxsi %max3A_375, %add3A_372 : vector<16xi32>
    %min3A_377 = vector.broadcast %jit3A_374 : i32 to vector<16xi32>
    %min3A_378 = arith.minsi %min3A_377, %max3A_376 : vector<16xi32>
    %get3A_379 = arith.constant 128 : index
    %get3A_380 = tpu.vector_load %arg7[%get3A_379] {strides = array<i32>} : memref<832xi32, #tpu.memory_space<vmem>>, vector<16xi32>,
    %get3A_381 = vector.shape_cast %get3A_380 : vector<16xi32> to vector<16xi32>
    %add3A_382 = arith.addi %min3A_378, %get3A_381 : vector<16xi32>
    %swap3A_383 = arith.constant 128 : index
    %swap3A_384 = tpu.vector_load %arg8[%swap3A_383] {strides = array<i32>} : memref<848xi32, #tpu.memory_space<vmem>>, vector<16xi32>,
    %swap3A_385 = vector.shape_cast %swap3A_384 : vector<16xi32> to vector<16xi32>
    %swap3A_386 = vector.shape_cast %add3A_382 : vector<16xi32> to vector<16xi32>
    tpu.vector_store %arg8[%swap3A_383], %swap3A_386 {strides = array<i32>} : memref<848xi32, #tpu.memory_space<vmem>>, vector<16xi32>,
    %get3A_387 = arith.constant 144 : index
    %get3A_388 = tpu.vector_load %arg6[%get3A_387] {strides = array<i32>} : memref<832xf32, #tpu.memory_space<vmem>>, vector<16xf32>,
    %get3A_389 = vector.shape_cast %get3A_388 : vector<16xf32> to vector<16xf32>
    %mul3A_390 = arith.constant 9.900000e+01 : f32
    %mul3A_391 = vector.broadcast %mul3A_390 : f32 to vector<16xf32>
    %mul3A_392 = arith.mulf %get3A_389, %mul3A_391 : vector<16xf32>
    %convert_element_type3A_393 = arith.fptosi %mul3A_392 : vector<16xf32> to vector<16xi32>
    %convert_element_type3A_394 = arith.sitofp %convert_element_type3A_393 : vector<16xi32> to vector<16xf32>
    %sub3A_395 = arith.subf %mul3A_392, %convert_element_type3A_394 : vector<16xf32>
    %broadcast_in_dim3A_396 = arith.constant 1 : i32
    %broadcast_in_dim3A_397 = vector.broadcast %broadcast_in_dim3A_396 : i32 to vector<16xi32>
    %broadcast_in_dim3A_398 = arith.constant 0 : i32
    %broadcast_in_dim3A_399 = vector.broadcast %broadcast_in_dim3A_398 : i32 to vector<16xi32>
    %gt3A_400 = arith.constant 5.000000e-01 : f32
    %gt3A_401 = vector.broadcast %gt3A_400 : f32 to vector<16xf32>
    %gt3A_402 = arith.cmpf ogt, %sub3A_395, %gt3A_401 : vector<16xf32>
    %select_n3A_403 = arith.select %gt3A_402, %broadcast_in_dim3A_397, %broadcast_in_dim3A_399 : vector<16xi1>, vector<16xi32>
    %eq3A_404 = arith.constant 5.000000e-01 : f32
    %eq3A_405 = vector.broadcast %eq3A_404 : f32 to vector<16xf32>
    %eq3A_406 = arith.cmpf oeq, %sub3A_395, %eq3A_405 : vector<16xf32>
    %and3A_407 = arith.constant 1 : i32
    %and3A_408 = vector.broadcast %and3A_407 : i32 to vector<16xi32>
    %and3A_409 = arith.andi %convert_element_type3A_393, %and3A_408 : vector<16xi32>
    %eq3A_410 = arith.constant 1 : i32
    %eq3A_411 = vector.broadcast %eq3A_410 : i32 to vector<16xi32>
    %eq3A_412 = arith.cmpi eq, %and3A_409, %eq3A_411 : vector<16xi32>
    %and3A_413 = arith.andi %eq3A_406, %eq3A_412 : vector<16xi1>
    %select_n3A_414 = arith.select %and3A_413, %broadcast_in_dim3A_397, %broadcast_in_dim3A_399 : vector<16xi1>, vector<16xi32>
    %add3A_415 = arith.addi %convert_element_type3A_393, %select_n3A_403 : vector<16xi32>
    %add3A_416 = arith.addi %add3A_415, %select_n3A_414 : vector<16xi32>
    %jit3A_417 = arith.constant 0 : i32
    %jit3A_418 = arith.constant 99 : i32
    %max3A_419 = vector.broadcast %jit3A_417 : i32 to vector<16xi32>
    %max3A_420 = arith.maxsi %max3A_419, %add3A_416 : vector<16xi32>
    %min3A_421 = vector.broadcast %jit3A_418 : i32 to vector<16xi32>
    %min3A_422 = arith.minsi %min3A_421, %max3A_420 : vector<16xi32>
    %get3A_423 = arith.constant 144 : index
    %get3A_424 = tpu.vector_load %arg7[%get3A_423] {strides = array<i32>} : memref<832xi32, #tpu.memory_space<vmem>>, vector<16xi32>,
    %get3A_425 = vector.shape_cast %get3A_424 : vector<16xi32> to vector<16xi32>
    %add3A_426 = arith.addi %min3A_422, %get3A_425 : vector<16xi32>
    %swap3A_427 = arith.constant 144 : index
    %swap3A_428 = tpu.vector_load %arg8[%swap3A_427] {strides = array<i32>} : memref<848xi32, #tpu.memory_space<vmem>>, vector<16xi32>,
    %swap3A_429 = vector.shape_cast %swap3A_428 : vector<16xi32> to vector<16xi32>
    %swap3A_430 = vector.shape_cast %add3A_426 : vector<16xi32> to vector<16xi32>
    tpu.vector_store %arg8[%swap3A_427], %swap3A_430 {strides = array<i32>} : memref<848xi32, #tpu.memory_space<vmem>>, vector<16xi32>,
    %get3A_431 = arith.constant 160 : index
    %get3A_432 = tpu.vector_load %arg6[%get3A_431] {strides = array<i32>} : memref<832xf32, #tpu.memory_space<vmem>>, vector<16xf32>,
    %get3A_433 = vector.shape_cast %get3A_432 : vector<16xf32> to vector<16xf32>
    %mul3A_434 = arith.constant 9.900000e+01 : f32
    %mul3A_435 = vector.broadcast %mul3A_434 : f32 to vector<16xf32>
    %mul3A_436 = arith.mulf %get3A_433, %mul3A_435 : vector<16xf32>
    %convert_element_type3A_437 = arith.fptosi %mul3A_436 : vector<16xf32> to vector<16xi32>
    %convert_element_type3A_438 = arith.sitofp %convert_element_type3A_437 : vector<16xi32> to vector<16xf32>
    %sub3A_439 = arith.subf %mul3A_436, %convert_element_type3A_438 : vector<16xf32>
    %broadcast_in_dim3A_440 = arith.constant 1 : i32
    %broadcast_in_dim3A_441 = vector.broadcast %broadcast_in_dim3A_440 : i32 to vector<16xi32>
    %broadcast_in_dim3A_442 = arith.constant 0 : i32
    %broadcast_in_dim3A_443 = vector.broadcast %broadcast_in_dim3A_442 : i32 to vector<16xi32>
    %gt3A_444 = arith.constant 5.000000e-01 : f32
    %gt3A_445 = vector.broadcast %gt3A_444 : f32 to vector<16xf32>
    %gt3A_446 = arith.cmpf ogt, %sub3A_439, %gt3A_445 : vector<16xf32>
    %select_n3A_447 = arith.select %gt3A_446, %broadcast_in_dim3A_441, %broadcast_in_dim3A_443 : vector<16xi1>, vector<16xi32>
    %eq3A_448 = arith.constant 5.000000e-01 : f32
    %eq3A_449 = vector.broadcast %eq3A_448 : f32 to vector<16xf32>
    %eq3A_450 = arith.cmpf oeq, %sub3A_439, %eq3A_449 : vector<16xf32>
    %and3A_451 = arith.constant 1 : i32
    %and3A_452 = vector.broadcast %and3A_451 : i32 to vector<16xi32>
    %and3A_453 = arith.andi %convert_element_type3A_437, %and3A_452 : vector<16xi32>
    %eq3A_454 = arith.constant 1 : i32
    %eq3A_455 = vector.broadcast %eq3A_454 : i32 to vector<16xi32>
    %eq3A_456 = arith.cmpi eq, %and3A_453, %eq3A_455 : vector<16xi32>
    %and3A_457 = arith.andi %eq3A_450, %eq3A_456 : vector<16xi1>
    %select_n3A_458 = arith.select %and3A_457, %broadcast_in_dim3A_441, %broadcast_in_dim3A_443 : vector<16xi1>, vector<16xi32>
    %add3A_459 = arith.addi %convert_element_type3A_437, %select_n3A_447 : vector<16xi32>
    %add3A_460 = arith.addi %add3A_459, %select_n3A_458 : vector<16xi32>
    %jit3A_461 = arith.constant 0 : i32
    %jit3A_462 = arith.constant 99 : i32
    %max3A_463 = vector.broadcast %jit3A_461 : i32 to vector<16xi32>
    %max3A_464 = arith.maxsi %max3A_463, %add3A_460 : vector<16xi32>
    %min3A_465 = vector.broadcast %jit3A_462 : i32 to vector<16xi32>
    %min3A_466 = arith.minsi %min3A_465, %max3A_464 : vector<16xi32>
    %get3A_467 = arith.constant 160 : index
    %get3A_468 = tpu.vector_load %arg7[%get3A_467] {strides = array<i32>} : memref<832xi32, #tpu.memory_space<vmem>>, vector<16xi32>,
    %get3A_469 = vector.shape_cast %get3A_468 : vector<16xi32> to vector<16xi32>
    %add3A_470 = arith.addi %min3A_466, %get3A_469 : vector<16xi32>
    %swap3A_471 = arith.constant 160 : index
    %swap3A_472 = tpu.vector_load %arg8[%swap3A_471] {strides = array<i32>} : memref<848xi32, #tpu.memory_space<vmem>>, vector<16xi32>,
    %swap3A_473 = vector.shape_cast %swap3A_472 : vector<16xi32> to vector<16xi32>
    %swap3A_474 = vector.shape_cast %add3A_470 : vector<16xi32> to vector<16xi32>
    tpu.vector_store %arg8[%swap3A_471], %swap3A_474 {strides = array<i32>} : memref<848xi32, #tpu.memory_space<vmem>>, vector<16xi32>,
    %get3A_475 = arith.constant 176 : index
    %get3A_476 = tpu.vector_load %arg6[%get3A_475] {strides = array<i32>} : memref<832xf32, #tpu.memory_space<vmem>>, vector<16xf32>,
    %get3A_477 = vector.shape_cast %get3A_476 : vector<16xf32> to vector<16xf32>
    %mul3A_478 = arith.constant 9.900000e+01 : f32
    %mul3A_479 = vector.broadcast %mul3A_478 : f32 to vector<16xf32>
    %mul3A_480 = arith.mulf %get3A_477, %mul3A_479 : vector<16xf32>
    %convert_element_type3A_481 = arith.fptosi %mul3A_480 : vector<16xf32> to vector<16xi32>
    %convert_element_type3A_482 = arith.sitofp %convert_element_type3A_481 : vector<16xi32> to vector<16xf32>
    %sub3A_483 = arith.subf %mul3A_480, %convert_element_type3A_482 : vector<16xf32>
    %broadcast_in_dim3A_484 = arith.constant 1 : i32
    %broadcast_in_dim3A_485 = vector.broadcast %broadcast_in_dim3A_484 : i32 to vector<16xi32>
    %broadcast_in_dim3A_486 = arith.constant 0 : i32
    %broadcast_in_dim3A_487 = vector.broadcast %broadcast_in_dim3A_486 : i32 to vector<16xi32>
    %gt3A_488 = arith.constant 5.000000e-01 : f32
    %gt3A_489 = vector.broadcast %gt3A_488 : f32 to vector<16xf32>
    %gt3A_490 = arith.cmpf ogt, %sub3A_483, %gt3A_489 : vector<16xf32>
    %select_n3A_491 = arith.select %gt3A_490, %broadcast_in_dim3A_485, %broadcast_in_dim3A_487 : vector<16xi1>, vector<16xi32>
    %eq3A_492 = arith.constant 5.000000e-01 : f32
    %eq3A_493 = vector.broadcast %eq3A_492 : f32 to vector<16xf32>
    %eq3A_494 = arith.cmpf oeq, %sub3A_483, %eq3A_493 : vector<16xf32>
    %and3A_495 = arith.constant 1 : i32
    %and3A_496 = vector.broadcast %and3A_495 : i32 to vector<16xi32>
    %and3A_497 = arith.andi %convert_element_type3A_481, %and3A_496 : vector<16xi32>
    %eq3A_498 = arith.constant 1 : i32
    %eq3A_499 = vector.broadcast %eq3A_498 : i32 to vector<16xi32>
    %eq3A_500 = arith.cmpi eq, %and3A_497, %eq3A_499 : vector<16xi32>
    %and3A_501 = arith.andi %eq3A_494, %eq3A_500 : vector<16xi1>
    %select_n3A_502 = arith.select %and3A_501, %broadcast_in_dim3A_485, %broadcast_in_dim3A_487 : vector<16xi1>, vector<16xi32>
    %add3A_503 = arith.addi %convert_element_type3A_481, %select_n3A_491 : vector<16xi32>
    %add3A_504 = arith.addi %add3A_503, %select_n3A_502 : vector<16xi32>
    %jit3A_505 = arith.constant 0 : i32
    %jit3A_506 = arith.constant 99 : i32
    %max3A_507 = vector.broadcast %jit3A_505 : i32 to vector<16xi32>
    %max3A_508 = arith.maxsi %max3A_507, %add3A_504 : vector<16xi32>
    %min3A_509 = vector.broadcast %jit3A_506 : i32 to vector<16xi32>
    %min3A_510 = arith.minsi %min3A_509, %max3A_508 : vector<16xi32>
    %get3A_511 = arith.constant 176 : index
    %get3A_512 = tpu.vector_load %arg7[%get3A_511] {strides = array<i32>} : memref<832xi32, #tpu.memory_space<vmem>>, vector<16xi32>,
    %get3A_513 = vector.shape_cast %get3A_512 : vector<16xi32> to vector<16xi32>
    %add3A_514 = arith.addi %min3A_510, %get3A_513 : vector<16xi32>
    %swap3A_515 = arith.constant 176 : index
    %swap3A_516 = tpu.vector_load %arg8[%swap3A_515] {strides = array<i32>} : memref<848xi32, #tpu.memory_space<vmem>>, vector<16xi32>,
    %swap3A_517 = vector.shape_cast %swap3A_516 : vector<16xi32> to vector<16xi32>
    %swap3A_518 = vector.shape_cast %add3A_514 : vector<16xi32> to vector<16xi32>
    tpu.vector_store %arg8[%swap3A_515], %swap3A_518 {strides = array<i32>} : memref<848xi32, #tpu.memory_space<vmem>>, vector<16xi32>,
    %get3A_519 = arith.constant 192 : index
    %get3A_520 = tpu.vector_load %arg6[%get3A_519] {strides = array<i32>} : memref<832xf32, #tpu.memory_space<vmem>>, vector<16xf32>,
    %get3A_521 = vector.shape_cast %get3A_520 : vector<16xf32> to vector<16xf32>
    %mul3A_522 = arith.constant 9.900000e+01 : f32
    %mul3A_523 = vector.broadcast %mul3A_522 : f32 to vector<16xf32>
    %mul3A_524 = arith.mulf %get3A_521, %mul3A_523 : vector<16xf32>
    %convert_element_type3A_525 = arith.fptosi %mul3A_524 : vector<16xf32> to vector<16xi32>
    %convert_element_type3A_526 = arith.sitofp %convert_element_type3A_525 : vector<16xi32> to vector<16xf32>
    %sub3A_527 = arith.subf %mul3A_524, %convert_element_type3A_526 : vector<16xf32>
    %broadcast_in_dim3A_528 = arith.constant 1 : i32
    %broadcast_in_dim3A_529 = vector.broadcast %broadcast_in_dim3A_528 : i32 to vector<16xi32>
    %broadcast_in_dim3A_530 = arith.constant 0 : i32
    %broadcast_in_dim3A_531 = vector.broadcast %broadcast_in_dim3A_530 : i32 to vector<16xi32>
    %gt3A_532 = arith.constant 5.000000e-01 : f32
    %gt3A_533 = vector.broadcast %gt3A_532 : f32 to vector<16xf32>
    %gt3A_534 = arith.cmpf ogt, %sub3A_527, %gt3A_533 : vector<16xf32>
    %select_n3A_535 = arith.select %gt3A_534, %broadcast_in_dim3A_529, %broadcast_in_dim3A_531 : vector<16xi1>, vector<16xi32>
    %eq3A_536 = arith.constant 5.000000e-01 : f32
    %eq3A_537 = vector.broadcast %eq3A_536 : f32 to vector<16xf32>
    %eq3A_538 = arith.cmpf oeq, %sub3A_527, %eq3A_537 : vector<16xf32>
    %and3A_539 = arith.constant 1 : i32
    %and3A_540 = vector.broadcast %and3A_539 : i32 to vector<16xi32>
    %and3A_541 = arith.andi %convert_element_type3A_525, %and3A_540 : vector<16xi32>
    %eq3A_542 = arith.constant 1 : i32
    %eq3A_543 = vector.broadcast %eq3A_542 : i32 to vector<16xi32>
    %eq3A_544 = arith.cmpi eq, %and3A_541, %eq3A_543 : vector<16xi32>
    %and3A_545 = arith.andi %eq3A_538, %eq3A_544 : vector<16xi1>
    %select_n3A_546 = arith.select %and3A_545, %broadcast_in_dim3A_529, %broadcast_in_dim3A_531 : vector<16xi1>, vector<16xi32>
    %add3A_547 = arith.addi %convert_element_type3A_525, %select_n3A_535 : vector<16xi32>
    %add3A_548 = arith.addi %add3A_547, %select_n3A_546 : vector<16xi32>
    %jit3A_549 = arith.constant 0 : i32
    %jit3A_550 = arith.constant 99 : i32
    %max3A_551 = vector.broadcast %jit3A_549 : i32 to vector<16xi32>
    %max3A_552 = arith.maxsi %max3A_551, %add3A_548 : vector<16xi32>
    %min3A_553 = vector.broadcast %jit3A_550 : i32 to vector<16xi32>
    %min3A_554 = arith.minsi %min3A_553, %max3A_552 : vector<16xi32>
    %get3A_555 = arith.constant 192 : index
    %get3A_556 = tpu.vector_load %arg7[%get3A_555] {strides = array<i32>} : memref<832xi32, #tpu.memory_space<vmem>>, vector<16xi32>,
    %get3A_557 = vector.shape_cast %get3A_556 : vector<16xi32> to vector<16xi32>
    %add3A_558 = arith.addi %min3A_554, %get3A_557 : vector<16xi32>
    %swap3A_559 = arith.constant 192 : index
    %swap3A_560 = tpu.vector_load %arg8[%swap3A_559] {strides = array<i32>} : memref<848xi32, #tpu.memory_space<vmem>>, vector<16xi32>,
    %swap3A_561 = vector.shape_cast %swap3A_560 : vector<16xi32> to vector<16xi32>
    %swap3A_562 = vector.shape_cast %add3A_558 : vector<16xi32> to vector<16xi32>
    tpu.vector_store %arg8[%swap3A_559], %swap3A_562 {strides = array<i32>} : memref<848xi32, #tpu.memory_space<vmem>>, vector<16xi32>,
    %get3A_563 = arith.constant 208 : index
    %get3A_564 = tpu.vector_load %arg6[%get3A_563] {strides = array<i32>} : memref<832xf32, #tpu.memory_space<vmem>>, vector<16xf32>,
    %get3A_565 = vector.shape_cast %get3A_564 : vector<16xf32> to vector<16xf32>
    %mul3A_566 = arith.constant 9.900000e+01 : f32
    %mul3A_567 = vector.broadcast %mul3A_566 : f32 to vector<16xf32>
    %mul3A_568 = arith.mulf %get3A_565, %mul3A_567 : vector<16xf32>
    %convert_element_type3A_569 = arith.fptosi %mul3A_568 : vector<16xf32> to vector<16xi32>
    %convert_element_type3A_570 = arith.sitofp %convert_element_type3A_569 : vector<16xi32> to vector<16xf32>
    %sub3A_571 = arith.subf %mul3A_568, %convert_element_type3A_570 : vector<16xf32>
    %broadcast_in_dim3A_572 = arith.constant 1 : i32
    %broadcast_in_dim3A_573 = vector.broadcast %broadcast_in_dim3A_572 : i32 to vector<16xi32>
    %broadcast_in_dim3A_574 = arith.constant 0 : i32
    %broadcast_in_dim3A_575 = vector.broadcast %broadcast_in_dim3A_574 : i32 to vector<16xi32>
    %gt3A_576 = arith.constant 5.000000e-01 : f32
    %gt3A_577 = vector.broadcast %gt3A_576 : f32 to vector<16xf32>
    %gt3A_578 = arith.cmpf ogt, %sub3A_571, %gt3A_577 : vector<16xf32>
    %select_n3A_579 = arith.select %gt3A_578, %broadcast_in_dim3A_573, %broadcast_in_dim3A_575 : vector<16xi1>, vector<16xi32>
    %eq3A_580 = arith.constant 5.000000e-01 : f32
    %eq3A_581 = vector.broadcast %eq3A_580 : f32 to vector<16xf32>
    %eq3A_582 = arith.cmpf oeq, %sub3A_571, %eq3A_581 : vector<16xf32>
    %and3A_583 = arith.constant 1 : i32
    %and3A_584 = vector.broadcast %and3A_583 : i32 to vector<16xi32>
    %and3A_585 = arith.andi %convert_element_type3A_569, %and3A_584 : vector<16xi32>
    %eq3A_586 = arith.constant 1 : i32
    %eq3A_587 = vector.broadcast %eq3A_586 : i32 to vector<16xi32>
    %eq3A_588 = arith.cmpi eq, %and3A_585, %eq3A_587 : vector<16xi32>
    %and3A_589 = arith.andi %eq3A_582, %eq3A_588 : vector<16xi1>
    %select_n3A_590 = arith.select %and3A_589, %broadcast_in_dim3A_573, %broadcast_in_dim3A_575 : vector<16xi1>, vector<16xi32>
    %add3A_591 = arith.addi %convert_element_type3A_569, %select_n3A_579 : vector<16xi32>
    %add3A_592 = arith.addi %add3A_591, %select_n3A_590 : vector<16xi32>
    %jit3A_593 = arith.constant 0 : i32
    %jit3A_594 = arith.constant 99 : i32
    %max3A_595 = vector.broadcast %jit3A_593 : i32 to vector<16xi32>
    %max3A_596 = arith.maxsi %max3A_595, %add3A_592 : vector<16xi32>
    %min3A_597 = vector.broadcast %jit3A_594 : i32 to vector<16xi32>
    %min3A_598 = arith.minsi %min3A_597, %max3A_596 : vector<16xi32>
    %get3A_599 = arith.constant 208 : index
    %get3A_600 = tpu.vector_load %arg7[%get3A_599] {strides = array<i32>} : memref<832xi32, #tpu.memory_space<vmem>>, vector<16xi32>,
    %get3A_601 = vector.shape_cast %get3A_600 : vector<16xi32> to vector<16xi32>
    %add3A_602 = arith.addi %min3A_598, %get3A_601 : vector<16xi32>
    %swap3A_603 = arith.constant 208 : index
    %swap3A_604 = tpu.vector_load %arg8[%swap3A_603] {strides = array<i32>} : memref<848xi32, #tpu.memory_space<vmem>>, vector<16xi32>,
    %swap3A_605 = vector.shape_cast %swap3A_604 : vector<16xi32> to vector<16xi32>
    %swap3A_606 = vector.shape_cast %add3A_602 : vector<16xi32> to vector<16xi32>
    tpu.vector_store %arg8[%swap3A_603], %swap3A_606 {strides = array<i32>} : memref<848xi32, #tpu.memory_space<vmem>>, vector<16xi32>,
    %get3A_607 = arith.constant 224 : index
    %get3A_608 = tpu.vector_load %arg6[%get3A_607] {strides = array<i32>} : memref<832xf32, #tpu.memory_space<vmem>>, vector<16xf32>,
    %get3A_609 = vector.shape_cast %get3A_608 : vector<16xf32> to vector<16xf32>
    %mul3A_610 = arith.constant 9.900000e+01 : f32
    %mul3A_611 = vector.broadcast %mul3A_610 : f32 to vector<16xf32>
    %mul3A_612 = arith.mulf %get3A_609, %mul3A_611 : vector<16xf32>
    %convert_element_type3A_613 = arith.fptosi %mul3A_612 : vector<16xf32> to vector<16xi32>
    %convert_element_type3A_614 = arith.sitofp %convert_element_type3A_613 : vector<16xi32> to vector<16xf32>
    %sub3A_615 = arith.subf %mul3A_612, %convert_element_type3A_614 : vector<16xf32>
    %broadcast_in_dim3A_616 = arith.constant 1 : i32
    %broadcast_in_dim3A_617 = vector.broadcast %broadcast_in_dim3A_616 : i32 to vector<16xi32>
    %broadcast_in_dim3A_618 = arith.constant 0 : i32
    %broadcast_in_dim3A_619 = vector.broadcast %broadcast_in_dim3A_618 : i32 to vector<16xi32>
    %gt3A_620 = arith.constant 5.000000e-01 : f32
    %gt3A_621 = vector.broadcast %gt3A_620 : f32 to vector<16xf32>
    %gt3A_622 = arith.cmpf ogt, %sub3A_615, %gt3A_621 : vector<16xf32>
    %select_n3A_623 = arith.select %gt3A_622, %broadcast_in_dim3A_617, %broadcast_in_dim3A_619 : vector<16xi1>, vector<16xi32>
    %eq3A_624 = arith.constant 5.000000e-01 : f32
    %eq3A_625 = vector.broadcast %eq3A_624 : f32 to vector<16xf32>
    %eq3A_626 = arith.cmpf oeq, %sub3A_615, %eq3A_625 : vector<16xf32>
    %and3A_627 = arith.constant 1 : i32
    %and3A_628 = vector.broadcast %and3A_627 : i32 to vector<16xi32>
    %and3A_629 = arith.andi %convert_element_type3A_613, %and3A_628 : vector<16xi32>
    %eq3A_630 = arith.constant 1 : i32
    %eq3A_631 = vector.broadcast %eq3A_630 : i32 to vector<16xi32>
    %eq3A_632 = arith.cmpi eq, %and3A_629, %eq3A_631 : vector<16xi32>
    %and3A_633 = arith.andi %eq3A_626, %eq3A_632 : vector<16xi1>
    %select_n3A_634 = arith.select %and3A_633, %broadcast_in_dim3A_617, %broadcast_in_dim3A_619 : vector<16xi1>, vector<16xi32>
    %add3A_635 = arith.addi %convert_element_type3A_613, %select_n3A_623 : vector<16xi32>
    %add3A_636 = arith.addi %add3A_635, %select_n3A_634 : vector<16xi32>
    %jit3A_637 = arith.constant 0 : i32
    %jit3A_638 = arith.constant 99 : i32
    %max3A_639 = vector.broadcast %jit3A_637 : i32 to vector<16xi32>
    %max3A_640 = arith.maxsi %max3A_639, %add3A_636 : vector<16xi32>
    %min3A_641 = vector.broadcast %jit3A_638 : i32 to vector<16xi32>
    %min3A_642 = arith.minsi %min3A_641, %max3A_640 : vector<16xi32>
    %get3A_643 = arith.constant 224 : index
    %get3A_644 = tpu.vector_load %arg7[%get3A_643] {strides = array<i32>} : memref<832xi32, #tpu.memory_space<vmem>>, vector<16xi32>,
    %get3A_645 = vector.shape_cast %get3A_644 : vector<16xi32> to vector<16xi32>
    %add3A_646 = arith.addi %min3A_642, %get3A_645 : vector<16xi32>
    %swap3A_647 = arith.constant 224 : index
    %swap3A_648 = tpu.vector_load %arg8[%swap3A_647] {strides = array<i32>} : memref<848xi32, #tpu.memory_space<vmem>>, vector<16xi32>,
    %swap3A_649 = vector.shape_cast %swap3A_648 : vector<16xi32> to vector<16xi32>
    %swap3A_650 = vector.shape_cast %add3A_646 : vector<16xi32> to vector<16xi32>
    tpu.vector_store %arg8[%swap3A_647], %swap3A_650 {strides = array<i32>} : memref<848xi32, #tpu.memory_space<vmem>>, vector<16xi32>,
    %get3A_651 = arith.constant 240 : index
    %get3A_652 = tpu.vector_load %arg6[%get3A_651] {strides = array<i32>} : memref<832xf32, #tpu.memory_space<vmem>>, vector<16xf32>,
    %get3A_653 = vector.shape_cast %get3A_652 : vector<16xf32> to vector<16xf32>
    %mul3A_654 = arith.constant 9.900000e+01 : f32
    %mul3A_655 = vector.broadcast %mul3A_654 : f32 to vector<16xf32>
    %mul3A_656 = arith.mulf %get3A_653, %mul3A_655 : vector<16xf32>
    %convert_element_type3A_657 = arith.fptosi %mul3A_656 : vector<16xf32> to vector<16xi32>
    %convert_element_type3A_658 = arith.sitofp %convert_element_type3A_657 : vector<16xi32> to vector<16xf32>
    %sub3A_659 = arith.subf %mul3A_656, %convert_element_type3A_658 : vector<16xf32>
    %broadcast_in_dim3A_660 = arith.constant 1 : i32
    %broadcast_in_dim3A_661 = vector.broadcast %broadcast_in_dim3A_660 : i32 to vector<16xi32>
    %broadcast_in_dim3A_662 = arith.constant 0 : i32
    %broadcast_in_dim3A_663 = vector.broadcast %broadcast_in_dim3A_662 : i32 to vector<16xi32>
    %gt3A_664 = arith.constant 5.000000e-01 : f32
    %gt3A_665 = vector.broadcast %gt3A_664 : f32 to vector<16xf32>
    %gt3A_666 = arith.cmpf ogt, %sub3A_659, %gt3A_665 : vector<16xf32>
    %select_n3A_667 = arith.select %gt3A_666, %broadcast_in_dim3A_661, %broadcast_in_dim3A_663 : vector<16xi1>, vector<16xi32>
    %eq3A_668 = arith.constant 5.000000e-01 : f32
    %eq3A_669 = vector.broadcast %eq3A_668 : f32 to vector<16xf32>
    %eq3A_670 = arith.cmpf oeq, %sub3A_659, %eq3A_669 : vector<16xf32>
    %and3A_671 = arith.constant 1 : i32
    %and3A_672 = vector.broadcast %and3A_671 : i32 to vector<16xi32>
    %and3A_673 = arith.andi %convert_element_type3A_657, %and3A_672 : vector<16xi32>
    %eq3A_674 = arith.constant 1 : i32
    %eq3A_675 = vector.broadcast %eq3A_674 : i32 to vector<16xi32>
    %eq3A_676 = arith.cmpi eq, %and3A_673, %eq3A_675 : vector<16xi32>
    %and3A_677 = arith.andi %eq3A_670, %eq3A_676 : vector<16xi1>
    %select_n3A_678 = arith.select %and3A_677, %broadcast_in_dim3A_661, %broadcast_in_dim3A_663 : vector<16xi1>, vector<16xi32>
    %add3A_679 = arith.addi %convert_element_type3A_657, %select_n3A_667 : vector<16xi32>
    %add3A_680 = arith.addi %add3A_679, %select_n3A_678 : vector<16xi32>
    %jit3A_681 = arith.constant 0 : i32
    %jit3A_682 = arith.constant 99 : i32
    %max3A_683 = vector.broadcast %jit3A_681 : i32 to vector<16xi32>
    %max3A_684 = arith.maxsi %max3A_683, %add3A_680 : vector<16xi32>
    %min3A_685 = vector.broadcast %jit3A_682 : i32 to vector<16xi32>
    %min3A_686 = arith.minsi %min3A_685, %max3A_684 : vector<16xi32>
    %get3A_687 = arith.constant 240 : index
    %get3A_688 = tpu.vector_load %arg7[%get3A_687] {strides = array<i32>} : memref<832xi32, #tpu.memory_space<vmem>>, vector<16xi32>,
    %get3A_689 = vector.shape_cast %get3A_688 : vector<16xi32> to vector<16xi32>
    %add3A_690 = arith.addi %min3A_686, %get3A_689 : vector<16xi32>
    %swap3A_691 = arith.constant 240 : index
    %swap3A_692 = tpu.vector_load %arg8[%swap3A_691] {strides = array<i32>} : memref<848xi32, #tpu.memory_space<vmem>>, vector<16xi32>,
    %swap3A_693 = vector.shape_cast %swap3A_692 : vector<16xi32> to vector<16xi32>
    %swap3A_694 = vector.shape_cast %add3A_690 : vector<16xi32> to vector<16xi32>
    tpu.vector_store %arg8[%swap3A_691], %swap3A_694 {strides = array<i32>} : memref<848xi32, #tpu.memory_space<vmem>>, vector<16xi32>,
    %get3A_695 = arith.constant 256 : index
    %get3A_696 = tpu.vector_load %arg6[%get3A_695] {strides = array<i32>} : memref<832xf32, #tpu.memory_space<vmem>>, vector<16xf32>,
    %get3A_697 = vector.shape_cast %get3A_696 : vector<16xf32> to vector<16xf32>
    %mul3A_698 = arith.constant 9.900000e+01 : f32
    %mul3A_699 = vector.broadcast %mul3A_698 : f32 to vector<16xf32>
    %mul3A_700 = arith.mulf %get3A_697, %mul3A_699 : vector<16xf32>
    %convert_element_type3A_701 = arith.fptosi %mul3A_700 : vector<16xf32> to vector<16xi32>
    %convert_element_type3A_702 = arith.sitofp %convert_element_type3A_701 : vector<16xi32> to vector<16xf32>
    %sub3A_703 = arith.subf %mul3A_700, %convert_element_type3A_702 : vector<16xf32>
    %broadcast_in_dim3A_704 = arith.constant 1 : i32
    %broadcast_in_dim3A_705 = vector.broadcast %broadcast_in_dim3A_704 : i32 to vector<16xi32>
    %broadcast_in_dim3A_706 = arith.constant 0 : i32
    %broadcast_in_dim3A_707 = vector.broadcast %broadcast_in_dim3A_706 : i32 to vector<16xi32>
    %gt3A_708 = arith.constant 5.000000e-01 : f32
    %gt3A_709 = vector.broadcast %gt3A_708 : f32 to vector<16xf32>
    %gt3A_710 = arith.cmpf ogt, %sub3A_703, %gt3A_709 : vector<16xf32>
    %select_n3A_711 = arith.select %gt3A_710, %broadcast_in_dim3A_705, %broadcast_in_dim3A_707 : vector<16xi1>, vector<16xi32>
    %eq3A_712 = arith.constant 5.000000e-01 : f32
    %eq3A_713 = vector.broadcast %eq3A_712 : f32 to vector<16xf32>
    %eq3A_714 = arith.cmpf oeq, %sub3A_703, %eq3A_713 : vector<16xf32>
    %and3A_715 = arith.constant 1 : i32
    %and3A_716 = vector.broadcast %and3A_715 : i32 to vector<16xi32>
    %and3A_717 = arith.andi %convert_element_type3A_701, %and3A_716 : vector<16xi32>
    %eq3A_718 = arith.constant 1 : i32
    %eq3A_719 = vector.broadcast %eq3A_718 : i32 to vector<16xi32>
    %eq3A_720 = arith.cmpi eq, %and3A_717, %eq3A_719 : vector<16xi32>
    %and3A_721 = arith.andi %eq3A_714, %eq3A_720 : vector<16xi1>
    %select_n3A_722 = arith.select %and3A_721, %broadcast_in_dim3A_705, %broadcast_in_dim3A_707 : vector<16xi1>, vector<16xi32>
    %add3A_723 = arith.addi %convert_element_type3A_701, %select_n3A_711 : vector<16xi32>
    %add3A_724 = arith.addi %add3A_723, %select_n3A_722 : vector<16xi32>
    %jit3A_725 = arith.constant 0 : i32
    %jit3A_726 = arith.constant 99 : i32
    %max3A_727 = vector.broadcast %jit3A_725 : i32 to vector<16xi32>
    %max3A_728 = arith.maxsi %max3A_727, %add3A_724 : vector<16xi32>
    %min3A_729 = vector.broadcast %jit3A_726 : i32 to vector<16xi32>
    %min3A_730 = arith.minsi %min3A_729, %max3A_728 : vector<16xi32>
    %get3A_731 = arith.constant 256 : index
    %get3A_732 = tpu.vector_load %arg7[%get3A_731] {strides = array<i32>} : memref<832xi32, #tpu.memory_space<vmem>>, vector<16xi32>,
    %get3A_733 = vector.shape_cast %get3A_732 : vector<16xi32> to vector<16xi32>
    %add3A_734 = arith.addi %min3A_730, %get3A_733 : vector<16xi32>
    %swap3A_735 = arith.constant 256 : index
    %swap3A_736 = tpu.vector_load %arg8[%swap3A_735] {strides = array<i32>} : memref<848xi32, #tpu.memory_space<vmem>>, vector<16xi32>,
    %swap3A_737 = vector.shape_cast %swap3A_736 : vector<16xi32> to vector<16xi32>
    %swap3A_738 = vector.shape_cast %add3A_734 : vector<16xi32> to vector<16xi32>
    tpu.vector_store %arg8[%swap3A_735], %swap3A_738 {strides = array<i32>} : memref<848xi32, #tpu.memory_space<vmem>>, vector<16xi32>,
    %get3A_739 = arith.constant 272 : index
    %get3A_740 = tpu.vector_load %arg6[%get3A_739] {strides = array<i32>} : memref<832xf32, #tpu.memory_space<vmem>>, vector<16xf32>,
    %get3A_741 = vector.shape_cast %get3A_740 : vector<16xf32> to vector<16xf32>
    %mul3A_742 = arith.constant 9.900000e+01 : f32
    %mul3A_743 = vector.broadcast %mul3A_742 : f32 to vector<16xf32>
    %mul3A_744 = arith.mulf %get3A_741, %mul3A_743 : vector<16xf32>
    %convert_element_type3A_745 = arith.fptosi %mul3A_744 : vector<16xf32> to vector<16xi32>
    %convert_element_type3A_746 = arith.sitofp %convert_element_type3A_745 : vector<16xi32> to vector<16xf32>
    %sub3A_747 = arith.subf %mul3A_744, %convert_element_type3A_746 : vector<16xf32>
    %broadcast_in_dim3A_748 = arith.constant 1 : i32
    %broadcast_in_dim3A_749 = vector.broadcast %broadcast_in_dim3A_748 : i32 to vector<16xi32>
    %broadcast_in_dim3A_750 = arith.constant 0 : i32
    %broadcast_in_dim3A_751 = vector.broadcast %broadcast_in_dim3A_750 : i32 to vector<16xi32>
    %gt3A_752 = arith.constant 5.000000e-01 : f32
    %gt3A_753 = vector.broadcast %gt3A_752 : f32 to vector<16xf32>
    %gt3A_754 = arith.cmpf ogt, %sub3A_747, %gt3A_753 : vector<16xf32>
    %select_n3A_755 = arith.select %gt3A_754, %broadcast_in_dim3A_749, %broadcast_in_dim3A_751 : vector<16xi1>, vector<16xi32>
    %eq3A_756 = arith.constant 5.000000e-01 : f32
    %eq3A_757 = vector.broadcast %eq3A_756 : f32 to vector<16xf32>
    %eq3A_758 = arith.cmpf oeq, %sub3A_747, %eq3A_757 : vector<16xf32>
    %and3A_759 = arith.constant 1 : i32
    %and3A_760 = vector.broadcast %and3A_759 : i32 to vector<16xi32>
    %and3A_761 = arith.andi %convert_element_type3A_745, %and3A_760 : vector<16xi32>
    %eq3A_762 = arith.constant 1 : i32
    %eq3A_763 = vector.broadcast %eq3A_762 : i32 to vector<16xi32>
    %eq3A_764 = arith.cmpi eq, %and3A_761, %eq3A_763 : vector<16xi32>
    %and3A_765 = arith.andi %eq3A_758, %eq3A_764 : vector<16xi1>
    %select_n3A_766 = arith.select %and3A_765, %broadcast_in_dim3A_749, %broadcast_in_dim3A_751 : vector<16xi1>, vector<16xi32>
    %add3A_767 = arith.addi %convert_element_type3A_745, %select_n3A_755 : vector<16xi32>
    %add3A_768 = arith.addi %add3A_767, %select_n3A_766 : vector<16xi32>
    %jit3A_769 = arith.constant 0 : i32
    %jit3A_770 = arith.constant 99 : i32
    %max3A_771 = vector.broadcast %jit3A_769 : i32 to vector<16xi32>
    %max3A_772 = arith.maxsi %max3A_771, %add3A_768 : vector<16xi32>
    %min3A_773 = vector.broadcast %jit3A_770 : i32 to vector<16xi32>
    %min3A_774 = arith.minsi %min3A_773, %max3A_772 : vector<16xi32>
    %get3A_775 = arith.constant 272 : index
    %get3A_776 = tpu.vector_load %arg7[%get3A_775] {strides = array<i32>} : memref<832xi32, #tpu.memory_space<vmem>>, vector<16xi32>,
    %get3A_777 = vector.shape_cast %get3A_776 : vector<16xi32> to vector<16xi32>
    %add3A_778 = arith.addi %min3A_774, %get3A_777 : vector<16xi32>
    %swap3A_779 = arith.constant 272 : index
    %swap3A_780 = tpu.vector_load %arg8[%swap3A_779] {strides = array<i32>} : memref<848xi32, #tpu.memory_space<vmem>>, vector<16xi32>,
    %swap3A_781 = vector.shape_cast %swap3A_780 : vector<16xi32> to vector<16xi32>
    %swap3A_782 = vector.shape_cast %add3A_778 : vector<16xi32> to vector<16xi32>
    tpu.vector_store %arg8[%swap3A_779], %swap3A_782 {strides = array<i32>} : memref<848xi32, #tpu.memory_space<vmem>>, vector<16xi32>,
    %get3A_783 = arith.constant 288 : index
    %get3A_784 = tpu.vector_load %arg6[%get3A_783] {strides = array<i32>} : memref<832xf32, #tpu.memory_space<vmem>>, vector<16xf32>,
    %get3A_785 = vector.shape_cast %get3A_784 : vector<16xf32> to vector<16xf32>
    %mul3A_786 = arith.constant 9.900000e+01 : f32
    %mul3A_787 = vector.broadcast %mul3A_786 : f32 to vector<16xf32>
    %mul3A_788 = arith.mulf %get3A_785, %mul3A_787 : vector<16xf32>
    %convert_element_type3A_789 = arith.fptosi %mul3A_788 : vector<16xf32> to vector<16xi32>
    %convert_element_type3A_790 = arith.sitofp %convert_element_type3A_789 : vector<16xi32> to vector<16xf32>
    %sub3A_791 = arith.subf %mul3A_788, %convert_element_type3A_790 : vector<16xf32>
    %broadcast_in_dim3A_792 = arith.constant 1 : i32
    %broadcast_in_dim3A_793 = vector.broadcast %broadcast_in_dim3A_792 : i32 to vector<16xi32>
    %broadcast_in_dim3A_794 = arith.constant 0 : i32
    %broadcast_in_dim3A_795 = vector.broadcast %broadcast_in_dim3A_794 : i32 to vector<16xi32>
    %gt3A_796 = arith.constant 5.000000e-01 : f32
    %gt3A_797 = vector.broadcast %gt3A_796 : f32 to vector<16xf32>
    %gt3A_798 = arith.cmpf ogt, %sub3A_791, %gt3A_797 : vector<16xf32>
    %select_n3A_799 = arith.select %gt3A_798, %broadcast_in_dim3A_793, %broadcast_in_dim3A_795 : vector<16xi1>, vector<16xi32>
    %eq3A_800 = arith.constant 5.000000e-01 : f32
    %eq3A_801 = vector.broadcast %eq3A_800 : f32 to vector<16xf32>
    %eq3A_802 = arith.cmpf oeq, %sub3A_791, %eq3A_801 : vector<16xf32>
    %and3A_803 = arith.constant 1 : i32
    %and3A_804 = vector.broadcast %and3A_803 : i32 to vector<16xi32>
    %and3A_805 = arith.andi %convert_element_type3A_789, %and3A_804 : vector<16xi32>
    %eq3A_806 = arith.constant 1 : i32
    %eq3A_807 = vector.broadcast %eq3A_806 : i32 to vector<16xi32>
    %eq3A_808 = arith.cmpi eq, %and3A_805, %eq3A_807 : vector<16xi32>
    %and3A_809 = arith.andi %eq3A_802, %eq3A_808 : vector<16xi1>
    %select_n3A_810 = arith.select %and3A_809, %broadcast_in_dim3A_793, %broadcast_in_dim3A_795 : vector<16xi1>, vector<16xi32>
    %add3A_811 = arith.addi %convert_element_type3A_789, %select_n3A_799 : vector<16xi32>
    %add3A_812 = arith.addi %add3A_811, %select_n3A_810 : vector<16xi32>
    %jit3A_813 = arith.constant 0 : i32
    %jit3A_814 = arith.constant 99 : i32
    %max3A_815 = vector.broadcast %jit3A_813 : i32 to vector<16xi32>
    %max3A_816 = arith.maxsi %max3A_815, %add3A_812 : vector<16xi32>
    %min3A_817 = vector.broadcast %jit3A_814 : i32 to vector<16xi32>
    %min3A_818 = arith.minsi %min3A_817, %max3A_816 : vector<16xi32>
    %get3A_819 = arith.constant 288 : index
    %get3A_820 = tpu.vector_load %arg7[%get3A_819] {strides = array<i32>} : memref<832xi32, #tpu.memory_space<vmem>>, vector<16xi32>,
    %get3A_821 = vector.shape_cast %get3A_820 : vector<16xi32> to vector<16xi32>
    %add3A_822 = arith.addi %min3A_818, %get3A_821 : vector<16xi32>
    %swap3A_823 = arith.constant 288 : index
    %swap3A_824 = tpu.vector_load %arg8[%swap3A_823] {strides = array<i32>} : memref<848xi32, #tpu.memory_space<vmem>>, vector<16xi32>,
    %swap3A_825 = vector.shape_cast %swap3A_824 : vector<16xi32> to vector<16xi32>
    %swap3A_826 = vector.shape_cast %add3A_822 : vector<16xi32> to vector<16xi32>
    tpu.vector_store %arg8[%swap3A_823], %swap3A_826 {strides = array<i32>} : memref<848xi32, #tpu.memory_space<vmem>>, vector<16xi32>,
    %get3A_827 = arith.constant 304 : index
    %get3A_828 = tpu.vector_load %arg6[%get3A_827] {strides = array<i32>} : memref<832xf32, #tpu.memory_space<vmem>>, vector<16xf32>,
    %get3A_829 = vector.shape_cast %get3A_828 : vector<16xf32> to vector<16xf32>
    %mul3A_830 = arith.constant 9.900000e+01 : f32
    %mul3A_831 = vector.broadcast %mul3A_830 : f32 to vector<16xf32>
    %mul3A_832 = arith.mulf %get3A_829, %mul3A_831 : vector<16xf32>
    %convert_element_type3A_833 = arith.fptosi %mul3A_832 : vector<16xf32> to vector<16xi32>
    %convert_element_type3A_834 = arith.sitofp %convert_element_type3A_833 : vector<16xi32> to vector<16xf32>
    %sub3A_835 = arith.subf %mul3A_832, %convert_element_type3A_834 : vector<16xf32>
    %broadcast_in_dim3A_836 = arith.constant 1 : i32
    %broadcast_in_dim3A_837 = vector.broadcast %broadcast_in_dim3A_836 : i32 to vector<16xi32>
    %broadcast_in_dim3A_838 = arith.constant 0 : i32
    %broadcast_in_dim3A_839 = vector.broadcast %broadcast_in_dim3A_838 : i32 to vector<16xi32>
    %gt3A_840 = arith.constant 5.000000e-01 : f32
    %gt3A_841 = vector.broadcast %gt3A_840 : f32 to vector<16xf32>
    %gt3A_842 = arith.cmpf ogt, %sub3A_835, %gt3A_841 : vector<16xf32>
    %select_n3A_843 = arith.select %gt3A_842, %broadcast_in_dim3A_837, %broadcast_in_dim3A_839 : vector<16xi1>, vector<16xi32>
    %eq3A_844 = arith.constant 5.000000e-01 : f32
    %eq3A_845 = vector.broadcast %eq3A_844 : f32 to vector<16xf32>
    %eq3A_846 = arith.cmpf oeq, %sub3A_835, %eq3A_845 : vector<16xf32>
    %and3A_847 = arith.constant 1 : i32
    %and3A_848 = vector.broadcast %and3A_847 : i32 to vector<16xi32>
    %and3A_849 = arith.andi %convert_element_type3A_833, %and3A_848 : vector<16xi32>
    %eq3A_850 = arith.constant 1 : i32
    %eq3A_851 = vector.broadcast %eq3A_850 : i32 to vector<16xi32>
    %eq3A_852 = arith.cmpi eq, %and3A_849, %eq3A_851 : vector<16xi32>
    %and3A_853 = arith.andi %eq3A_846, %eq3A_852 : vector<16xi1>
    %select_n3A_854 = arith.select %and3A_853, %broadcast_in_dim3A_837, %broadcast_in_dim3A_839 : vector<16xi1>, vector<16xi32>
    %add3A_855 = arith.addi %convert_element_type3A_833, %select_n3A_843 : vector<16xi32>
    %add3A_856 = arith.addi %add3A_855, %select_n3A_854 : vector<16xi32>
    %jit3A_857 = arith.constant 0 : i32
    %jit3A_858 = arith.constant 99 : i32
    %max3A_859 = vector.broadcast %jit3A_857 : i32 to vector<16xi32>
    %max3A_860 = arith.maxsi %max3A_859, %add3A_856 : vector<16xi32>
    %min3A_861 = vector.broadcast %jit3A_858 : i32 to vector<16xi32>
    %min3A_862 = arith.minsi %min3A_861, %max3A_860 : vector<16xi32>
    %get3A_863 = arith.constant 304 : index
    %get3A_864 = tpu.vector_load %arg7[%get3A_863] {strides = array<i32>} : memref<832xi32, #tpu.memory_space<vmem>>, vector<16xi32>,
    %get3A_865 = vector.shape_cast %get3A_864 : vector<16xi32> to vector<16xi32>
    %add3A_866 = arith.addi %min3A_862, %get3A_865 : vector<16xi32>
    %swap3A_867 = arith.constant 304 : index
    %swap3A_868 = tpu.vector_load %arg8[%swap3A_867] {strides = array<i32>} : memref<848xi32, #tpu.memory_space<vmem>>, vector<16xi32>,
    %swap3A_869 = vector.shape_cast %swap3A_868 : vector<16xi32> to vector<16xi32>
    %swap3A_870 = vector.shape_cast %add3A_866 : vector<16xi32> to vector<16xi32>
    tpu.vector_store %arg8[%swap3A_867], %swap3A_870 {strides = array<i32>} : memref<848xi32, #tpu.memory_space<vmem>>, vector<16xi32>,
    %get3A_871 = arith.constant 320 : index
    %get3A_872 = tpu.vector_load %arg6[%get3A_871] {strides = array<i32>} : memref<832xf32, #tpu.memory_space<vmem>>, vector<16xf32>,
    %get3A_873 = vector.shape_cast %get3A_872 : vector<16xf32> to vector<16xf32>
    %mul3A_874 = arith.constant 9.900000e+01 : f32
    %mul3A_875 = vector.broadcast %mul3A_874 : f32 to vector<16xf32>
    %mul3A_876 = arith.mulf %get3A_873, %mul3A_875 : vector<16xf32>
    %convert_element_type3A_877 = arith.fptosi %mul3A_876 : vector<16xf32> to vector<16xi32>
    %convert_element_type3A_878 = arith.sitofp %convert_element_type3A_877 : vector<16xi32> to vector<16xf32>
    %sub3A_879 = arith.subf %mul3A_876, %convert_element_type3A_878 : vector<16xf32>
    %broadcast_in_dim3A_880 = arith.constant 1 : i32
    %broadcast_in_dim3A_881 = vector.broadcast %broadcast_in_dim3A_880 : i32 to vector<16xi32>
    %broadcast_in_dim3A_882 = arith.constant 0 : i32
    %broadcast_in_dim3A_883 = vector.broadcast %broadcast_in_dim3A_882 : i32 to vector<16xi32>
    %gt3A_884 = arith.constant 5.000000e-01 : f32
    %gt3A_885 = vector.broadcast %gt3A_884 : f32 to vector<16xf32>
    %gt3A_886 = arith.cmpf ogt, %sub3A_879, %gt3A_885 : vector<16xf32>
    %select_n3A_887 = arith.select %gt3A_886, %broadcast_in_dim3A_881, %broadcast_in_dim3A_883 : vector<16xi1>, vector<16xi32>
    %eq3A_888 = arith.constant 5.000000e-01 : f32
    %eq3A_889 = vector.broadcast %eq3A_888 : f32 to vector<16xf32>
    %eq3A_890 = arith.cmpf oeq, %sub3A_879, %eq3A_889 : vector<16xf32>
    %and3A_891 = arith.constant 1 : i32
    %and3A_892 = vector.broadcast %and3A_891 : i32 to vector<16xi32>
    %and3A_893 = arith.andi %convert_element_type3A_877, %and3A_892 : vector<16xi32>
    %eq3A_894 = arith.constant 1 : i32
    %eq3A_895 = vector.broadcast %eq3A_894 : i32 to vector<16xi32>
    %eq3A_896 = arith.cmpi eq, %and3A_893, %eq3A_895 : vector<16xi32>
    %and3A_897 = arith.andi %eq3A_890, %eq3A_896 : vector<16xi1>
    %select_n3A_898 = arith.select %and3A_897, %broadcast_in_dim3A_881, %broadcast_in_dim3A_883 : vector<16xi1>, vector<16xi32>
    %add3A_899 = arith.addi %convert_element_type3A_877, %select_n3A_887 : vector<16xi32>
    %add3A_900 = arith.addi %add3A_899, %select_n3A_898 : vector<16xi32>
    %jit3A_901 = arith.constant 0 : i32
    %jit3A_902 = arith.constant 99 : i32
    %max3A_903 = vector.broadcast %jit3A_901 : i32 to vector<16xi32>
    %max3A_904 = arith.maxsi %max3A_903, %add3A_900 : vector<16xi32>
    %min3A_905 = vector.broadcast %jit3A_902 : i32 to vector<16xi32>
    %min3A_906 = arith.minsi %min3A_905, %max3A_904 : vector<16xi32>
    %get3A_907 = arith.constant 320 : index
    %get3A_908 = tpu.vector_load %arg7[%get3A_907] {strides = array<i32>} : memref<832xi32, #tpu.memory_space<vmem>>, vector<16xi32>,
    %get3A_909 = vector.shape_cast %get3A_908 : vector<16xi32> to vector<16xi32>
    %add3A_910 = arith.addi %min3A_906, %get3A_909 : vector<16xi32>
    %swap3A_911 = arith.constant 320 : index
    %swap3A_912 = tpu.vector_load %arg8[%swap3A_911] {strides = array<i32>} : memref<848xi32, #tpu.memory_space<vmem>>, vector<16xi32>,
    %swap3A_913 = vector.shape_cast %swap3A_912 : vector<16xi32> to vector<16xi32>
    %swap3A_914 = vector.shape_cast %add3A_910 : vector<16xi32> to vector<16xi32>
    tpu.vector_store %arg8[%swap3A_911], %swap3A_914 {strides = array<i32>} : memref<848xi32, #tpu.memory_space<vmem>>, vector<16xi32>,
    %get3A_915 = arith.constant 336 : index
    %get3A_916 = tpu.vector_load %arg6[%get3A_915] {strides = array<i32>} : memref<832xf32, #tpu.memory_space<vmem>>, vector<16xf32>,
    %get3A_917 = vector.shape_cast %get3A_916 : vector<16xf32> to vector<16xf32>
    %mul3A_918 = arith.constant 9.900000e+01 : f32
    %mul3A_919 = vector.broadcast %mul3A_918 : f32 to vector<16xf32>
    %mul3A_920 = arith.mulf %get3A_917, %mul3A_919 : vector<16xf32>
    %convert_element_type3A_921 = arith.fptosi %mul3A_920 : vector<16xf32> to vector<16xi32>
    %convert_element_type3A_922 = arith.sitofp %convert_element_type3A_921 : vector<16xi32> to vector<16xf32>
    %sub3A_923 = arith.subf %mul3A_920, %convert_element_type3A_922 : vector<16xf32>
    %broadcast_in_dim3A_924 = arith.constant 1 : i32
    %broadcast_in_dim3A_925 = vector.broadcast %broadcast_in_dim3A_924 : i32 to vector<16xi32>
    %broadcast_in_dim3A_926 = arith.constant 0 : i32
    %broadcast_in_dim3A_927 = vector.broadcast %broadcast_in_dim3A_926 : i32 to vector<16xi32>
    %gt3A_928 = arith.constant 5.000000e-01 : f32
    %gt3A_929 = vector.broadcast %gt3A_928 : f32 to vector<16xf32>
    %gt3A_930 = arith.cmpf ogt, %sub3A_923, %gt3A_929 : vector<16xf32>
    %select_n3A_931 = arith.select %gt3A_930, %broadcast_in_dim3A_925, %broadcast_in_dim3A_927 : vector<16xi1>, vector<16xi32>
    %eq3A_932 = arith.constant 5.000000e-01 : f32
    %eq3A_933 = vector.broadcast %eq3A_932 : f32 to vector<16xf32>
    %eq3A_934 = arith.cmpf oeq, %sub3A_923, %eq3A_933 : vector<16xf32>
    %and3A_935 = arith.constant 1 : i32
    %and3A_936 = vector.broadcast %and3A_935 : i32 to vector<16xi32>
    %and3A_937 = arith.andi %convert_element_type3A_921, %and3A_936 : vector<16xi32>
    %eq3A_938 = arith.constant 1 : i32
    %eq3A_939 = vector.broadcast %eq3A_938 : i32 to vector<16xi32>
    %eq3A_940 = arith.cmpi eq, %and3A_937, %eq3A_939 : vector<16xi32>
    %and3A_941 = arith.andi %eq3A_934, %eq3A_940 : vector<16xi1>
    %select_n3A_942 = arith.select %and3A_941, %broadcast_in_dim3A_925, %broadcast_in_dim3A_927 : vector<16xi1>, vector<16xi32>
    %add3A_943 = arith.addi %convert_element_type3A_921, %select_n3A_931 : vector<16xi32>
    %add3A_944 = arith.addi %add3A_943, %select_n3A_942 : vector<16xi32>
    %jit3A_945 = arith.constant 0 : i32
    %jit3A_946 = arith.constant 99 : i32
    %max3A_947 = vector.broadcast %jit3A_945 : i32 to vector<16xi32>
    %max3A_948 = arith.maxsi %max3A_947, %add3A_944 : vector<16xi32>
    %min3A_949 = vector.broadcast %jit3A_946 : i32 to vector<16xi32>
    %min3A_950 = arith.minsi %min3A_949, %max3A_948 : vector<16xi32>
    %get3A_951 = arith.constant 336 : index
    %get3A_952 = tpu.vector_load %arg7[%get3A_951] {strides = array<i32>} : memref<832xi32, #tpu.memory_space<vmem>>, vector<16xi32>,
    %get3A_953 = vector.shape_cast %get3A_952 : vector<16xi32> to vector<16xi32>
    %add3A_954 = arith.addi %min3A_950, %get3A_953 : vector<16xi32>
    %swap3A_955 = arith.constant 336 : index
    %swap3A_956 = tpu.vector_load %arg8[%swap3A_955] {strides = array<i32>} : memref<848xi32, #tpu.memory_space<vmem>>, vector<16xi32>,
    %swap3A_957 = vector.shape_cast %swap3A_956 : vector<16xi32> to vector<16xi32>
    %swap3A_958 = vector.shape_cast %add3A_954 : vector<16xi32> to vector<16xi32>
    tpu.vector_store %arg8[%swap3A_955], %swap3A_958 {strides = array<i32>} : memref<848xi32, #tpu.memory_space<vmem>>, vector<16xi32>,
    %get3A_959 = arith.constant 352 : index
    %get3A_960 = tpu.vector_load %arg6[%get3A_959] {strides = array<i32>} : memref<832xf32, #tpu.memory_space<vmem>>, vector<16xf32>,
    %get3A_961 = vector.shape_cast %get3A_960 : vector<16xf32> to vector<16xf32>
    %mul3A_962 = arith.constant 9.900000e+01 : f32
    %mul3A_963 = vector.broadcast %mul3A_962 : f32 to vector<16xf32>
    %mul3A_964 = arith.mulf %get3A_961, %mul3A_963 : vector<16xf32>
    %convert_element_type3A_965 = arith.fptosi %mul3A_964 : vector<16xf32> to vector<16xi32>
    %convert_element_type3A_966 = arith.sitofp %convert_element_type3A_965 : vector<16xi32> to vector<16xf32>
    %sub3A_967 = arith.subf %mul3A_964, %convert_element_type3A_966 : vector<16xf32>
    %broadcast_in_dim3A_968 = arith.constant 1 : i32
    %broadcast_in_dim3A_969 = vector.broadcast %broadcast_in_dim3A_968 : i32 to vector<16xi32>
    %broadcast_in_dim3A_970 = arith.constant 0 : i32
    %broadcast_in_dim3A_971 = vector.broadcast %broadcast_in_dim3A_970 : i32 to vector<16xi32>
    %gt3A_972 = arith.constant 5.000000e-01 : f32
    %gt3A_973 = vector.broadcast %gt3A_972 : f32 to vector<16xf32>
    %gt3A_974 = arith.cmpf ogt, %sub3A_967, %gt3A_973 : vector<16xf32>
    %select_n3A_975 = arith.select %gt3A_974, %broadcast_in_dim3A_969, %broadcast_in_dim3A_971 : vector<16xi1>, vector<16xi32>
    %eq3A_976 = arith.constant 5.000000e-01 : f32
    %eq3A_977 = vector.broadcast %eq3A_976 : f32 to vector<16xf32>
    %eq3A_978 = arith.cmpf oeq, %sub3A_967, %eq3A_977 : vector<16xf32>
    %and3A_979 = arith.constant 1 : i32
    %and3A_980 = vector.broadcast %and3A_979 : i32 to vector<16xi32>
    %and3A_981 = arith.andi %convert_element_type3A_965, %and3A_980 : vector<16xi32>
    %eq3A_982 = arith.constant 1 : i32
    %eq3A_983 = vector.broadcast %eq3A_982 : i32 to vector<16xi32>
    %eq3A_984 = arith.cmpi eq, %and3A_981, %eq3A_983 : vector<16xi32>
    %and3A_985 = arith.andi %eq3A_978, %eq3A_984 : vector<16xi1>
    %select_n3A_986 = arith.select %and3A_985, %broadcast_in_dim3A_969, %broadcast_in_dim3A_971 : vector<16xi1>, vector<16xi32>
    %add3A_987 = arith.addi %convert_element_type3A_965, %select_n3A_975 : vector<16xi32>
    %add3A_988 = arith.addi %add3A_987, %select_n3A_986 : vector<16xi32>
    %jit3A_989 = arith.constant 0 : i32
    %jit3A_990 = arith.constant 99 : i32
    %max3A_991 = vector.broadcast %jit3A_989 : i32 to vector<16xi32>
    %max3A_992 = arith.maxsi %max3A_991, %add3A_988 : vector<16xi32>
    %min3A_993 = vector.broadcast %jit3A_990 : i32 to vector<16xi32>
    %min3A_994 = arith.minsi %min3A_993, %max3A_992 : vector<16xi32>
    %get3A_995 = arith.constant 352 : index
    %get3A_996 = tpu.vector_load %arg7[%get3A_995] {strides = array<i32>} : memref<832xi32, #tpu.memory_space<vmem>>, vector<16xi32>,
    %get3A_997 = vector.shape_cast %get3A_996 : vector<16xi32> to vector<16xi32>
    %add3A_998 = arith.addi %min3A_994, %get3A_997 : vector<16xi32>
    %swap3A_999 = arith.constant 352 : index
    %swap3A_1000 = tpu.vector_load %arg8[%swap3A_999] {strides = array<i32>} : memref<848xi32, #tpu.memory_space<vmem>>, vector<16xi32>,
    %swap3A_1001 = vector.shape_cast %swap3A_1000 : vector<16xi32> to vector<16xi32>
    %swap3A_1002 = vector.shape_cast %add3A_998 : vector<16xi32> to vector<16xi32>
    tpu.vector_store %arg8[%swap3A_999], %swap3A_1002 {strides = array<i32>} : memref<848xi32, #tpu.memory_space<vmem>>, vector<16xi32>,
    %get3A_1003 = arith.constant 368 : index
    %get3A_1004 = tpu.vector_load %arg6[%get3A_1003] {strides = array<i32>} : memref<832xf32, #tpu.memory_space<vmem>>, vector<16xf32>,
    %get3A_1005 = vector.shape_cast %get3A_1004 : vector<16xf32> to vector<16xf32>
    %mul3A_1006 = arith.constant 9.900000e+01 : f32
    %mul3A_1007 = vector.broadcast %mul3A_1006 : f32 to vector<16xf32>
    %mul3A_1008 = arith.mulf %get3A_1005, %mul3A_1007 : vector<16xf32>
    %convert_element_type3A_1009 = arith.fptosi %mul3A_1008 : vector<16xf32> to vector<16xi32>
    %convert_element_type3A_1010 = arith.sitofp %convert_element_type3A_1009 : vector<16xi32> to vector<16xf32>
    %sub3A_1011 = arith.subf %mul3A_1008, %convert_element_type3A_1010 : vector<16xf32>
    %broadcast_in_dim3A_1012 = arith.constant 1 : i32
    %broadcast_in_dim3A_1013 = vector.broadcast %broadcast_in_dim3A_1012 : i32 to vector<16xi32>
    %broadcast_in_dim3A_1014 = arith.constant 0 : i32
    %broadcast_in_dim3A_1015 = vector.broadcast %broadcast_in_dim3A_1014 : i32 to vector<16xi32>
    %gt3A_1016 = arith.constant 5.000000e-01 : f32
    %gt3A_1017 = vector.broadcast %gt3A_1016 : f32 to vector<16xf32>
    %gt3A_1018 = arith.cmpf ogt, %sub3A_1011, %gt3A_1017 : vector<16xf32>
    %select_n3A_1019 = arith.select %gt3A_1018, %broadcast_in_dim3A_1013, %broadcast_in_dim3A_1015 : vector<16xi1>, vector<16xi32>
    %eq3A_1020 = arith.constant 5.000000e-01 : f32
    %eq3A_1021 = vector.broadcast %eq3A_1020 : f32 to vector<16xf32>
    %eq3A_1022 = arith.cmpf oeq, %sub3A_1011, %eq3A_1021 : vector<16xf32>
    %and3A_1023 = arith.constant 1 : i32
    %and3A_1024 = vector.broadcast %and3A_1023 : i32 to vector<16xi32>
    %and3A_1025 = arith.andi %convert_element_type3A_1009, %and3A_1024 : vector<16xi32>
    %eq3A_1026 = arith.constant 1 : i32
    %eq3A_1027 = vector.broadcast %eq3A_1026 : i32 to vector<16xi32>
    %eq3A_1028 = arith.cmpi eq, %and3A_1025, %eq3A_1027 : vector<16xi32>
    %and3A_1029 = arith.andi %eq3A_1022, %eq3A_1028 : vector<16xi1>
    %select_n3A_1030 = arith.select %and3A_1029, %broadcast_in_dim3A_1013, %broadcast_in_dim3A_1015 : vector<16xi1>, vector<16xi32>
    %add3A_1031 = arith.addi %convert_element_type3A_1009, %select_n3A_1019 : vector<16xi32>
    %add3A_1032 = arith.addi %add3A_1031, %select_n3A_1030 : vector<16xi32>
    %jit3A_1033 = arith.constant 0 : i32
    %jit3A_1034 = arith.constant 99 : i32
    %max3A_1035 = vector.broadcast %jit3A_1033 : i32 to vector<16xi32>
    %max3A_1036 = arith.maxsi %max3A_1035, %add3A_1032 : vector<16xi32>
    %min3A_1037 = vector.broadcast %jit3A_1034 : i32 to vector<16xi32>
    %min3A_1038 = arith.minsi %min3A_1037, %max3A_1036 : vector<16xi32>
    %get3A_1039 = arith.constant 368 : index
    %get3A_1040 = tpu.vector_load %arg7[%get3A_1039] {strides = array<i32>} : memref<832xi32, #tpu.memory_space<vmem>>, vector<16xi32>,
    %get3A_1041 = vector.shape_cast %get3A_1040 : vector<16xi32> to vector<16xi32>
    %add3A_1042 = arith.addi %min3A_1038, %get3A_1041 : vector<16xi32>
    %swap3A_1043 = arith.constant 368 : index
    %swap3A_1044 = tpu.vector_load %arg8[%swap3A_1043] {strides = array<i32>} : memref<848xi32, #tpu.memory_space<vmem>>, vector<16xi32>,
    %swap3A_1045 = vector.shape_cast %swap3A_1044 : vector<16xi32> to vector<16xi32>
    %swap3A_1046 = vector.shape_cast %add3A_1042 : vector<16xi32> to vector<16xi32>
    tpu.vector_store %arg8[%swap3A_1043], %swap3A_1046 {strides = array<i32>} : memref<848xi32, #tpu.memory_space<vmem>>, vector<16xi32>,
    %get3A_1047 = arith.constant 384 : index
    %get3A_1048 = tpu.vector_load %arg6[%get3A_1047] {strides = array<i32>} : memref<832xf32, #tpu.memory_space<vmem>>, vector<16xf32>,
    %get3A_1049 = vector.shape_cast %get3A_1048 : vector<16xf32> to vector<16xf32>
    %mul3A_1050 = arith.constant 9.900000e+01 : f32
    %mul3A_1051 = vector.broadcast %mul3A_1050 : f32 to vector<16xf32>
    %mul3A_1052 = arith.mulf %get3A_1049, %mul3A_1051 : vector<16xf32>
    %convert_element_type3A_1053 = arith.fptosi %mul3A_1052 : vector<16xf32> to vector<16xi32>
    %convert_element_type3A_1054 = arith.sitofp %convert_element_type3A_1053 : vector<16xi32> to vector<16xf32>
    %sub3A_1055 = arith.subf %mul3A_1052, %convert_element_type3A_1054 : vector<16xf32>
    %broadcast_in_dim3A_1056 = arith.constant 1 : i32
    %broadcast_in_dim3A_1057 = vector.broadcast %broadcast_in_dim3A_1056 : i32 to vector<16xi32>
    %broadcast_in_dim3A_1058 = arith.constant 0 : i32
    %broadcast_in_dim3A_1059 = vector.broadcast %broadcast_in_dim3A_1058 : i32 to vector<16xi32>
    %gt3A_1060 = arith.constant 5.000000e-01 : f32
    %gt3A_1061 = vector.broadcast %gt3A_1060 : f32 to vector<16xf32>
    %gt3A_1062 = arith.cmpf ogt, %sub3A_1055, %gt3A_1061 : vector<16xf32>
    %select_n3A_1063 = arith.select %gt3A_1062, %broadcast_in_dim3A_1057, %broadcast_in_dim3A_1059 : vector<16xi1>, vector<16xi32>
    %eq3A_1064 = arith.constant 5.000000e-01 : f32
    %eq3A_1065 = vector.broadcast %eq3A_1064 : f32 to vector<16xf32>
    %eq3A_1066 = arith.cmpf oeq, %sub3A_1055, %eq3A_1065 : vector<16xf32>
    %and3A_1067 = arith.constant 1 : i32
    %and3A_1068 = vector.broadcast %and3A_1067 : i32 to vector<16xi32>
    %and3A_1069 = arith.andi %convert_element_type3A_1053, %and3A_1068 : vector<16xi32>
    %eq3A_1070 = arith.constant 1 : i32
    %eq3A_1071 = vector.broadcast %eq3A_1070 : i32 to vector<16xi32>
    %eq3A_1072 = arith.cmpi eq, %and3A_1069, %eq3A_1071 : vector<16xi32>
    %and3A_1073 = arith.andi %eq3A_1066, %eq3A_1072 : vector<16xi1>
    %select_n3A_1074 = arith.select %and3A_1073, %broadcast_in_dim3A_1057, %broadcast_in_dim3A_1059 : vector<16xi1>, vector<16xi32>
    %add3A_1075 = arith.addi %convert_element_type3A_1053, %select_n3A_1063 : vector<16xi32>
    %add3A_1076 = arith.addi %add3A_1075, %select_n3A_1074 : vector<16xi32>
    %jit3A_1077 = arith.constant 0 : i32
    %jit3A_1078 = arith.constant 99 : i32
    %max3A_1079 = vector.broadcast %jit3A_1077 : i32 to vector<16xi32>
    %max3A_1080 = arith.maxsi %max3A_1079, %add3A_1076 : vector<16xi32>
    %min3A_1081 = vector.broadcast %jit3A_1078 : i32 to vector<16xi32>
    %min3A_1082 = arith.minsi %min3A_1081, %max3A_1080 : vector<16xi32>
    %get3A_1083 = arith.constant 384 : index
    %get3A_1084 = tpu.vector_load %arg7[%get3A_1083] {strides = array<i32>} : memref<832xi32, #tpu.memory_space<vmem>>, vector<16xi32>,
    %get3A_1085 = vector.shape_cast %get3A_1084 : vector<16xi32> to vector<16xi32>
    %add3A_1086 = arith.addi %min3A_1082, %get3A_1085 : vector<16xi32>
    %swap3A_1087 = arith.constant 384 : index
    %swap3A_1088 = tpu.vector_load %arg8[%swap3A_1087] {strides = array<i32>} : memref<848xi32, #tpu.memory_space<vmem>>, vector<16xi32>,
    %swap3A_1089 = vector.shape_cast %swap3A_1088 : vector<16xi32> to vector<16xi32>
    %swap3A_1090 = vector.shape_cast %add3A_1086 : vector<16xi32> to vector<16xi32>
    tpu.vector_store %arg8[%swap3A_1087], %swap3A_1090 {strides = array<i32>} : memref<848xi32, #tpu.memory_space<vmem>>, vector<16xi32>,
    %get3A_1091 = arith.constant 400 : index
    %get3A_1092 = tpu.vector_load %arg6[%get3A_1091] {strides = array<i32>} : memref<832xf32, #tpu.memory_space<vmem>>, vector<16xf32>,
    %get3A_1093 = vector.shape_cast %get3A_1092 : vector<16xf32> to vector<16xf32>
    %mul3A_1094 = arith.constant 9.900000e+01 : f32
    %mul3A_1095 = vector.broadcast %mul3A_1094 : f32 to vector<16xf32>
    %mul3A_1096 = arith.mulf %get3A_1093, %mul3A_1095 : vector<16xf32>
    %convert_element_type3A_1097 = arith.fptosi %mul3A_1096 : vector<16xf32> to vector<16xi32>
    %convert_element_type3A_1098 = arith.sitofp %convert_element_type3A_1097 : vector<16xi32> to vector<16xf32>
    %sub3A_1099 = arith.subf %mul3A_1096, %convert_element_type3A_1098 : vector<16xf32>
    %broadcast_in_dim3A_1100 = arith.constant 1 : i32
    %broadcast_in_dim3A_1101 = vector.broadcast %broadcast_in_dim3A_1100 : i32 to vector<16xi32>
    %broadcast_in_dim3A_1102 = arith.constant 0 : i32
    %broadcast_in_dim3A_1103 = vector.broadcast %broadcast_in_dim3A_1102 : i32 to vector<16xi32>
    %gt3A_1104 = arith.constant 5.000000e-01 : f32
    %gt3A_1105 = vector.broadcast %gt3A_1104 : f32 to vector<16xf32>
    %gt3A_1106 = arith.cmpf ogt, %sub3A_1099, %gt3A_1105 : vector<16xf32>
    %select_n3A_1107 = arith.select %gt3A_1106, %broadcast_in_dim3A_1101, %broadcast_in_dim3A_1103 : vector<16xi1>, vector<16xi32>
    %eq3A_1108 = arith.constant 5.000000e-01 : f32
    %eq3A_1109 = vector.broadcast %eq3A_1108 : f32 to vector<16xf32>
    %eq3A_1110 = arith.cmpf oeq, %sub3A_1099, %eq3A_1109 : vector<16xf32>
    %and3A_1111 = arith.constant 1 : i32
    %and3A_1112 = vector.broadcast %and3A_1111 : i32 to vector<16xi32>
    %and3A_1113 = arith.andi %convert_element_type3A_1097, %and3A_1112 : vector<16xi32>
    %eq3A_1114 = arith.constant 1 : i32
    %eq3A_1115 = vector.broadcast %eq3A_1114 : i32 to vector<16xi32>
    %eq3A_1116 = arith.cmpi eq, %and3A_1113, %eq3A_1115 : vector<16xi32>
    %and3A_1117 = arith.andi %eq3A_1110, %eq3A_1116 : vector<16xi1>
    %select_n3A_1118 = arith.select %and3A_1117, %broadcast_in_dim3A_1101, %broadcast_in_dim3A_1103 : vector<16xi1>, vector<16xi32>
    %add3A_1119 = arith.addi %convert_element_type3A_1097, %select_n3A_1107 : vector<16xi32>
    %add3A_1120 = arith.addi %add3A_1119, %select_n3A_1118 : vector<16xi32>
    %jit3A_1121 = arith.constant 0 : i32
    %jit3A_1122 = arith.constant 99 : i32
    %max3A_1123 = vector.broadcast %jit3A_1121 : i32 to vector<16xi32>
    %max3A_1124 = arith.maxsi %max3A_1123, %add3A_1120 : vector<16xi32>
    %min3A_1125 = vector.broadcast %jit3A_1122 : i32 to vector<16xi32>
    %min3A_1126 = arith.minsi %min3A_1125, %max3A_1124 : vector<16xi32>
    %get3A_1127 = arith.constant 400 : index
    %get3A_1128 = tpu.vector_load %arg7[%get3A_1127] {strides = array<i32>} : memref<832xi32, #tpu.memory_space<vmem>>, vector<16xi32>,
    %get3A_1129 = vector.shape_cast %get3A_1128 : vector<16xi32> to vector<16xi32>
    %add3A_1130 = arith.addi %min3A_1126, %get3A_1129 : vector<16xi32>
    %swap3A_1131 = arith.constant 400 : index
    %swap3A_1132 = tpu.vector_load %arg8[%swap3A_1131] {strides = array<i32>} : memref<848xi32, #tpu.memory_space<vmem>>, vector<16xi32>,
    %swap3A_1133 = vector.shape_cast %swap3A_1132 : vector<16xi32> to vector<16xi32>
    %swap3A_1134 = vector.shape_cast %add3A_1130 : vector<16xi32> to vector<16xi32>
    tpu.vector_store %arg8[%swap3A_1131], %swap3A_1134 {strides = array<i32>} : memref<848xi32, #tpu.memory_space<vmem>>, vector<16xi32>,
    %get3A_1135 = arith.constant 416 : index
    %get3A_1136 = tpu.vector_load %arg6[%get3A_1135] {strides = array<i32>} : memref<832xf32, #tpu.memory_space<vmem>>, vector<16xf32>,
    %get3A_1137 = vector.shape_cast %get3A_1136 : vector<16xf32> to vector<16xf32>
    %mul3A_1138 = arith.constant 9.900000e+01 : f32
    %mul3A_1139 = vector.broadcast %mul3A_1138 : f32 to vector<16xf32>
    %mul3A_1140 = arith.mulf %get3A_1137, %mul3A_1139 : vector<16xf32>
    %convert_element_type3A_1141 = arith.fptosi %mul3A_1140 : vector<16xf32> to vector<16xi32>
    %convert_element_type3A_1142 = arith.sitofp %convert_element_type3A_1141 : vector<16xi32> to vector<16xf32>
    %sub3A_1143 = arith.subf %mul3A_1140, %convert_element_type3A_1142 : vector<16xf32>
    %broadcast_in_dim3A_1144 = arith.constant 1 : i32
    %broadcast_in_dim3A_1145 = vector.broadcast %broadcast_in_dim3A_1144 : i32 to vector<16xi32>
    %broadcast_in_dim3A_1146 = arith.constant 0 : i32
    %broadcast_in_dim3A_1147 = vector.broadcast %broadcast_in_dim3A_1146 : i32 to vector<16xi32>
    %gt3A_1148 = arith.constant 5.000000e-01 : f32
    %gt3A_1149 = vector.broadcast %gt3A_1148 : f32 to vector<16xf32>
    %gt3A_1150 = arith.cmpf ogt, %sub3A_1143, %gt3A_1149 : vector<16xf32>
    %select_n3A_1151 = arith.select %gt3A_1150, %broadcast_in_dim3A_1145, %broadcast_in_dim3A_1147 : vector<16xi1>, vector<16xi32>
    %eq3A_1152 = arith.constant 5.000000e-01 : f32
    %eq3A_1153 = vector.broadcast %eq3A_1152 : f32 to vector<16xf32>
    %eq3A_1154 = arith.cmpf oeq, %sub3A_1143, %eq3A_1153 : vector<16xf32>
    %and3A_1155 = arith.constant 1 : i32
    %and3A_1156 = vector.broadcast %and3A_1155 : i32 to vector<16xi32>
    %and3A_1157 = arith.andi %convert_element_type3A_1141, %and3A_1156 : vector<16xi32>
    %eq3A_1158 = arith.constant 1 : i32
    %eq3A_1159 = vector.broadcast %eq3A_1158 : i32 to vector<16xi32>
    %eq3A_1160 = arith.cmpi eq, %and3A_1157, %eq3A_1159 : vector<16xi32>
    %and3A_1161 = arith.andi %eq3A_1154, %eq3A_1160 : vector<16xi1>
    %select_n3A_1162 = arith.select %and3A_1161, %broadcast_in_dim3A_1145, %broadcast_in_dim3A_1147 : vector<16xi1>, vector<16xi32>
    %add3A_1163 = arith.addi %convert_element_type3A_1141, %select_n3A_1151 : vector<16xi32>
    %add3A_1164 = arith.addi %add3A_1163, %select_n3A_1162 : vector<16xi32>
    %jit3A_1165 = arith.constant 0 : i32
    %jit3A_1166 = arith.constant 99 : i32
    %max3A_1167 = vector.broadcast %jit3A_1165 : i32 to vector<16xi32>
    %max3A_1168 = arith.maxsi %max3A_1167, %add3A_1164 : vector<16xi32>
    %min3A_1169 = vector.broadcast %jit3A_1166 : i32 to vector<16xi32>
    %min3A_1170 = arith.minsi %min3A_1169, %max3A_1168 : vector<16xi32>
    %get3A_1171 = arith.constant 416 : index
    %get3A_1172 = tpu.vector_load %arg7[%get3A_1171] {strides = array<i32>} : memref<832xi32, #tpu.memory_space<vmem>>, vector<16xi32>,
    %get3A_1173 = vector.shape_cast %get3A_1172 : vector<16xi32> to vector<16xi32>
    %add3A_1174 = arith.addi %min3A_1170, %get3A_1173 : vector<16xi32>
    %swap3A_1175 = arith.constant 416 : index
    %swap3A_1176 = tpu.vector_load %arg8[%swap3A_1175] {strides = array<i32>} : memref<848xi32, #tpu.memory_space<vmem>>, vector<16xi32>,
    %swap3A_1177 = vector.shape_cast %swap3A_1176 : vector<16xi32> to vector<16xi32>
    %swap3A_1178 = vector.shape_cast %add3A_1174 : vector<16xi32> to vector<16xi32>
    tpu.vector_store %arg8[%swap3A_1175], %swap3A_1178 {strides = array<i32>} : memref<848xi32, #tpu.memory_space<vmem>>, vector<16xi32>,
    %get3A_1179 = arith.constant 432 : index
    %get3A_1180 = tpu.vector_load %arg6[%get3A_1179] {strides = array<i32>} : memref<832xf32, #tpu.memory_space<vmem>>, vector<16xf32>,
    %get3A_1181 = vector.shape_cast %get3A_1180 : vector<16xf32> to vector<16xf32>
    %mul3A_1182 = arith.constant 9.900000e+01 : f32
    %mul3A_1183 = vector.broadcast %mul3A_1182 : f32 to vector<16xf32>
    %mul3A_1184 = arith.mulf %get3A_1181, %mul3A_1183 : vector<16xf32>
    %convert_element_type3A_1185 = arith.fptosi %mul3A_1184 : vector<16xf32> to vector<16xi32>
    %convert_element_type3A_1186 = arith.sitofp %convert_element_type3A_1185 : vector<16xi32> to vector<16xf32>
    %sub3A_1187 = arith.subf %mul3A_1184, %convert_element_type3A_1186 : vector<16xf32>
    %broadcast_in_dim3A_1188 = arith.constant 1 : i32
    %broadcast_in_dim3A_1189 = vector.broadcast %broadcast_in_dim3A_1188 : i32 to vector<16xi32>
    %broadcast_in_dim3A_1190 = arith.constant 0 : i32
    %broadcast_in_dim3A_1191 = vector.broadcast %broadcast_in_dim3A_1190 : i32 to vector<16xi32>
    %gt3A_1192 = arith.constant 5.000000e-01 : f32
    %gt3A_1193 = vector.broadcast %gt3A_1192 : f32 to vector<16xf32>
    %gt3A_1194 = arith.cmpf ogt, %sub3A_1187, %gt3A_1193 : vector<16xf32>
    %select_n3A_1195 = arith.select %gt3A_1194, %broadcast_in_dim3A_1189, %broadcast_in_dim3A_1191 : vector<16xi1>, vector<16xi32>
    %eq3A_1196 = arith.constant 5.000000e-01 : f32
    %eq3A_1197 = vector.broadcast %eq3A_1196 : f32 to vector<16xf32>
    %eq3A_1198 = arith.cmpf oeq, %sub3A_1187, %eq3A_1197 : vector<16xf32>
    %and3A_1199 = arith.constant 1 : i32
    %and3A_1200 = vector.broadcast %and3A_1199 : i32 to vector<16xi32>
    %and3A_1201 = arith.andi %convert_element_type3A_1185, %and3A_1200 : vector<16xi32>
    %eq3A_1202 = arith.constant 1 : i32
    %eq3A_1203 = vector.broadcast %eq3A_1202 : i32 to vector<16xi32>
    %eq3A_1204 = arith.cmpi eq, %and3A_1201, %eq3A_1203 : vector<16xi32>
    %and3A_1205 = arith.andi %eq3A_1198, %eq3A_1204 : vector<16xi1>
    %select_n3A_1206 = arith.select %and3A_1205, %broadcast_in_dim3A_1189, %broadcast_in_dim3A_1191 : vector<16xi1>, vector<16xi32>
    %add3A_1207 = arith.addi %convert_element_type3A_1185, %select_n3A_1195 : vector<16xi32>
    %add3A_1208 = arith.addi %add3A_1207, %select_n3A_1206 : vector<16xi32>
    %jit3A_1209 = arith.constant 0 : i32
    %jit3A_1210 = arith.constant 99 : i32
    %max3A_1211 = vector.broadcast %jit3A_1209 : i32 to vector<16xi32>
    %max3A_1212 = arith.maxsi %max3A_1211, %add3A_1208 : vector<16xi32>
    %min3A_1213 = vector.broadcast %jit3A_1210 : i32 to vector<16xi32>
    %min3A_1214 = arith.minsi %min3A_1213, %max3A_1212 : vector<16xi32>
    %get3A_1215 = arith.constant 432 : index
    %get3A_1216 = tpu.vector_load %arg7[%get3A_1215] {strides = array<i32>} : memref<832xi32, #tpu.memory_space<vmem>>, vector<16xi32>,
    %get3A_1217 = vector.shape_cast %get3A_1216 : vector<16xi32> to vector<16xi32>
    %add3A_1218 = arith.addi %min3A_1214, %get3A_1217 : vector<16xi32>
    %swap3A_1219 = arith.constant 432 : index
    %swap3A_1220 = tpu.vector_load %arg8[%swap3A_1219] {strides = array<i32>} : memref<848xi32, #tpu.memory_space<vmem>>, vector<16xi32>,
    %swap3A_1221 = vector.shape_cast %swap3A_1220 : vector<16xi32> to vector<16xi32>
    %swap3A_1222 = vector.shape_cast %add3A_1218 : vector<16xi32> to vector<16xi32>
    tpu.vector_store %arg8[%swap3A_1219], %swap3A_1222 {strides = array<i32>} : memref<848xi32, #tpu.memory_space<vmem>>, vector<16xi32>,
    %get3A_1223 = arith.constant 448 : index
    %get3A_1224 = tpu.vector_load %arg6[%get3A_1223] {strides = array<i32>} : memref<832xf32, #tpu.memory_space<vmem>>, vector<16xf32>,
    %get3A_1225 = vector.shape_cast %get3A_1224 : vector<16xf32> to vector<16xf32>
    %mul3A_1226 = arith.constant 9.900000e+01 : f32
    %mul3A_1227 = vector.broadcast %mul3A_1226 : f32 to vector<16xf32>
    %mul3A_1228 = arith.mulf %get3A_1225, %mul3A_1227 : vector<16xf32>
    %convert_element_type3A_1229 = arith.fptosi %mul3A_1228 : vector<16xf32> to vector<16xi32>
    %convert_element_type3A_1230 = arith.sitofp %convert_element_type3A_1229 : vector<16xi32> to vector<16xf32>
    %sub3A_1231 = arith.subf %mul3A_1228, %convert_element_type3A_1230 : vector<16xf32>
    %broadcast_in_dim3A_1232 = arith.constant 1 : i32
    %broadcast_in_dim3A_1233 = vector.broadcast %broadcast_in_dim3A_1232 : i32 to vector<16xi32>
    %broadcast_in_dim3A_1234 = arith.constant 0 : i32
    %broadcast_in_dim3A_1235 = vector.broadcast %broadcast_in_dim3A_1234 : i32 to vector<16xi32>
    %gt3A_1236 = arith.constant 5.000000e-01 : f32
    %gt3A_1237 = vector.broadcast %gt3A_1236 : f32 to vector<16xf32>
    %gt3A_1238 = arith.cmpf ogt, %sub3A_1231, %gt3A_1237 : vector<16xf32>
    %select_n3A_1239 = arith.select %gt3A_1238, %broadcast_in_dim3A_1233, %broadcast_in_dim3A_1235 : vector<16xi1>, vector<16xi32>
    %eq3A_1240 = arith.constant 5.000000e-01 : f32
    %eq3A_1241 = vector.broadcast %eq3A_1240 : f32 to vector<16xf32>
    %eq3A_1242 = arith.cmpf oeq, %sub3A_1231, %eq3A_1241 : vector<16xf32>
    %and3A_1243 = arith.constant 1 : i32
    %and3A_1244 = vector.broadcast %and3A_1243 : i32 to vector<16xi32>
    %and3A_1245 = arith.andi %convert_element_type3A_1229, %and3A_1244 : vector<16xi32>
    %eq3A_1246 = arith.constant 1 : i32
    %eq3A_1247 = vector.broadcast %eq3A_1246 : i32 to vector<16xi32>
    %eq3A_1248 = arith.cmpi eq, %and3A_1245, %eq3A_1247 : vector<16xi32>
    %and3A_1249 = arith.andi %eq3A_1242, %eq3A_1248 : vector<16xi1>
    %select_n3A_1250 = arith.select %and3A_1249, %broadcast_in_dim3A_1233, %broadcast_in_dim3A_1235 : vector<16xi1>, vector<16xi32>
    %add3A_1251 = arith.addi %convert_element_type3A_1229, %select_n3A_1239 : vector<16xi32>
    %add3A_1252 = arith.addi %add3A_1251, %select_n3A_1250 : vector<16xi32>
    %jit3A_1253 = arith.constant 0 : i32
    %jit3A_1254 = arith.constant 99 : i32
    %max3A_1255 = vector.broadcast %jit3A_1253 : i32 to vector<16xi32>
    %max3A_1256 = arith.maxsi %max3A_1255, %add3A_1252 : vector<16xi32>
    %min3A_1257 = vector.broadcast %jit3A_1254 : i32 to vector<16xi32>
    %min3A_1258 = arith.minsi %min3A_1257, %max3A_1256 : vector<16xi32>
    %get3A_1259 = arith.constant 448 : index
    %get3A_1260 = tpu.vector_load %arg7[%get3A_1259] {strides = array<i32>} : memref<832xi32, #tpu.memory_space<vmem>>, vector<16xi32>,
    %get3A_1261 = vector.shape_cast %get3A_1260 : vector<16xi32> to vector<16xi32>
    %add3A_1262 = arith.addi %min3A_1258, %get3A_1261 : vector<16xi32>
    %swap3A_1263 = arith.constant 448 : index
    %swap3A_1264 = tpu.vector_load %arg8[%swap3A_1263] {strides = array<i32>} : memref<848xi32, #tpu.memory_space<vmem>>, vector<16xi32>,
    %swap3A_1265 = vector.shape_cast %swap3A_1264 : vector<16xi32> to vector<16xi32>
    %swap3A_1266 = vector.shape_cast %add3A_1262 : vector<16xi32> to vector<16xi32>
    tpu.vector_store %arg8[%swap3A_1263], %swap3A_1266 {strides = array<i32>} : memref<848xi32, #tpu.memory_space<vmem>>, vector<16xi32>,
    %get3A_1267 = arith.constant 464 : index
    %get3A_1268 = tpu.vector_load %arg6[%get3A_1267] {strides = array<i32>} : memref<832xf32, #tpu.memory_space<vmem>>, vector<16xf32>,
    %get3A_1269 = vector.shape_cast %get3A_1268 : vector<16xf32> to vector<16xf32>
    %mul3A_1270 = arith.constant 9.900000e+01 : f32
    %mul3A_1271 = vector.broadcast %mul3A_1270 : f32 to vector<16xf32>
    %mul3A_1272 = arith.mulf %get3A_1269, %mul3A_1271 : vector<16xf32>
    %convert_element_type3A_1273 = arith.fptosi %mul3A_1272 : vector<16xf32> to vector<16xi32>
    %convert_element_type3A_1274 = arith.sitofp %convert_element_type3A_1273 : vector<16xi32> to vector<16xf32>
    %sub3A_1275 = arith.subf %mul3A_1272, %convert_element_type3A_1274 : vector<16xf32>
    %broadcast_in_dim3A_1276 = arith.constant 1 : i32
    %broadcast_in_dim3A_1277 = vector.broadcast %broadcast_in_dim3A_1276 : i32 to vector<16xi32>
    %broadcast_in_dim3A_1278 = arith.constant 0 : i32
    %broadcast_in_dim3A_1279 = vector.broadcast %broadcast_in_dim3A_1278 : i32 to vector<16xi32>
    %gt3A_1280 = arith.constant 5.000000e-01 : f32
    %gt3A_1281 = vector.broadcast %gt3A_1280 : f32 to vector<16xf32>
    %gt3A_1282 = arith.cmpf ogt, %sub3A_1275, %gt3A_1281 : vector<16xf32>
    %select_n3A_1283 = arith.select %gt3A_1282, %broadcast_in_dim3A_1277, %broadcast_in_dim3A_1279 : vector<16xi1>, vector<16xi32>
    %eq3A_1284 = arith.constant 5.000000e-01 : f32
    %eq3A_1285 = vector.broadcast %eq3A_1284 : f32 to vector<16xf32>
    %eq3A_1286 = arith.cmpf oeq, %sub3A_1275, %eq3A_1285 : vector<16xf32>
    %and3A_1287 = arith.constant 1 : i32
    %and3A_1288 = vector.broadcast %and3A_1287 : i32 to vector<16xi32>
    %and3A_1289 = arith.andi %convert_element_type3A_1273, %and3A_1288 : vector<16xi32>
    %eq3A_1290 = arith.constant 1 : i32
    %eq3A_1291 = vector.broadcast %eq3A_1290 : i32 to vector<16xi32>
    %eq3A_1292 = arith.cmpi eq, %and3A_1289, %eq3A_1291 : vector<16xi32>
    %and3A_1293 = arith.andi %eq3A_1286, %eq3A_1292 : vector<16xi1>
    %select_n3A_1294 = arith.select %and3A_1293, %broadcast_in_dim3A_1277, %broadcast_in_dim3A_1279 : vector<16xi1>, vector<16xi32>
    %add3A_1295 = arith.addi %convert_element_type3A_1273, %select_n3A_1283 : vector<16xi32>
    %add3A_1296 = arith.addi %add3A_1295, %select_n3A_1294 : vector<16xi32>
    %jit3A_1297 = arith.constant 0 : i32
    %jit3A_1298 = arith.constant 99 : i32
    %max3A_1299 = vector.broadcast %jit3A_1297 : i32 to vector<16xi32>
    %max3A_1300 = arith.maxsi %max3A_1299, %add3A_1296 : vector<16xi32>
    %min3A_1301 = vector.broadcast %jit3A_1298 : i32 to vector<16xi32>
    %min3A_1302 = arith.minsi %min3A_1301, %max3A_1300 : vector<16xi32>
    %get3A_1303 = arith.constant 464 : index
    %get3A_1304 = tpu.vector_load %arg7[%get3A_1303] {strides = array<i32>} : memref<832xi32, #tpu.memory_space<vmem>>, vector<16xi32>,
    %get3A_1305 = vector.shape_cast %get3A_1304 : vector<16xi32> to vector<16xi32>
    %add3A_1306 = arith.addi %min3A_1302, %get3A_1305 : vector<16xi32>
    %swap3A_1307 = arith.constant 464 : index
    %swap3A_1308 = tpu.vector_load %arg8[%swap3A_1307] {strides = array<i32>} : memref<848xi32, #tpu.memory_space<vmem>>, vector<16xi32>,
    %swap3A_1309 = vector.shape_cast %swap3A_1308 : vector<16xi32> to vector<16xi32>
    %swap3A_1310 = vector.shape_cast %add3A_1306 : vector<16xi32> to vector<16xi32>
    tpu.vector_store %arg8[%swap3A_1307], %swap3A_1310 {strides = array<i32>} : memref<848xi32, #tpu.memory_space<vmem>>, vector<16xi32>,
    %get3A_1311 = arith.constant 480 : index
    %get3A_1312 = tpu.vector_load %arg6[%get3A_1311] {strides = array<i32>} : memref<832xf32, #tpu.memory_space<vmem>>, vector<16xf32>,
    %get3A_1313 = vector.shape_cast %get3A_1312 : vector<16xf32> to vector<16xf32>
    %mul3A_1314 = arith.constant 9.900000e+01 : f32
    %mul3A_1315 = vector.broadcast %mul3A_1314 : f32 to vector<16xf32>
    %mul3A_1316 = arith.mulf %get3A_1313, %mul3A_1315 : vector<16xf32>
    %convert_element_type3A_1317 = arith.fptosi %mul3A_1316 : vector<16xf32> to vector<16xi32>
    %convert_element_type3A_1318 = arith.sitofp %convert_element_type3A_1317 : vector<16xi32> to vector<16xf32>
    %sub3A_1319 = arith.subf %mul3A_1316, %convert_element_type3A_1318 : vector<16xf32>
    %broadcast_in_dim3A_1320 = arith.constant 1 : i32
    %broadcast_in_dim3A_1321 = vector.broadcast %broadcast_in_dim3A_1320 : i32 to vector<16xi32>
    %broadcast_in_dim3A_1322 = arith.constant 0 : i32
    %broadcast_in_dim3A_1323 = vector.broadcast %broadcast_in_dim3A_1322 : i32 to vector<16xi32>
    %gt3A_1324 = arith.constant 5.000000e-01 : f32
    %gt3A_1325 = vector.broadcast %gt3A_1324 : f32 to vector<16xf32>
    %gt3A_1326 = arith.cmpf ogt, %sub3A_1319, %gt3A_1325 : vector<16xf32>
    %select_n3A_1327 = arith.select %gt3A_1326, %broadcast_in_dim3A_1321, %broadcast_in_dim3A_1323 : vector<16xi1>, vector<16xi32>
    %eq3A_1328 = arith.constant 5.000000e-01 : f32
    %eq3A_1329 = vector.broadcast %eq3A_1328 : f32 to vector<16xf32>
    %eq3A_1330 = arith.cmpf oeq, %sub3A_1319, %eq3A_1329 : vector<16xf32>
    %and3A_1331 = arith.constant 1 : i32
    %and3A_1332 = vector.broadcast %and3A_1331 : i32 to vector<16xi32>
    %and3A_1333 = arith.andi %convert_element_type3A_1317, %and3A_1332 : vector<16xi32>
    %eq3A_1334 = arith.constant 1 : i32
    %eq3A_1335 = vector.broadcast %eq3A_1334 : i32 to vector<16xi32>
    %eq3A_1336 = arith.cmpi eq, %and3A_1333, %eq3A_1335 : vector<16xi32>
    %and3A_1337 = arith.andi %eq3A_1330, %eq3A_1336 : vector<16xi1>
    %select_n3A_1338 = arith.select %and3A_1337, %broadcast_in_dim3A_1321, %broadcast_in_dim3A_1323 : vector<16xi1>, vector<16xi32>
    %add3A_1339 = arith.addi %convert_element_type3A_1317, %select_n3A_1327 : vector<16xi32>
    %add3A_1340 = arith.addi %add3A_1339, %select_n3A_1338 : vector<16xi32>
    %jit3A_1341 = arith.constant 0 : i32
    %jit3A_1342 = arith.constant 99 : i32
    %max3A_1343 = vector.broadcast %jit3A_1341 : i32 to vector<16xi32>
    %max3A_1344 = arith.maxsi %max3A_1343, %add3A_1340 : vector<16xi32>
    %min3A_1345 = vector.broadcast %jit3A_1342 : i32 to vector<16xi32>
    %min3A_1346 = arith.minsi %min3A_1345, %max3A_1344 : vector<16xi32>
    %get3A_1347 = arith.constant 480 : index
    %get3A_1348 = tpu.vector_load %arg7[%get3A_1347] {strides = array<i32>} : memref<832xi32, #tpu.memory_space<vmem>>, vector<16xi32>,
    %get3A_1349 = vector.shape_cast %get3A_1348 : vector<16xi32> to vector<16xi32>
    %add3A_1350 = arith.addi %min3A_1346, %get3A_1349 : vector<16xi32>
    %swap3A_1351 = arith.constant 480 : index
    %swap3A_1352 = tpu.vector_load %arg8[%swap3A_1351] {strides = array<i32>} : memref<848xi32, #tpu.memory_space<vmem>>, vector<16xi32>,
    %swap3A_1353 = vector.shape_cast %swap3A_1352 : vector<16xi32> to vector<16xi32>
    %swap3A_1354 = vector.shape_cast %add3A_1350 : vector<16xi32> to vector<16xi32>
    tpu.vector_store %arg8[%swap3A_1351], %swap3A_1354 {strides = array<i32>} : memref<848xi32, #tpu.memory_space<vmem>>, vector<16xi32>,
    %get3A_1355 = arith.constant 496 : index
    %get3A_1356 = tpu.vector_load %arg6[%get3A_1355] {strides = array<i32>} : memref<832xf32, #tpu.memory_space<vmem>>, vector<16xf32>,
    %get3A_1357 = vector.shape_cast %get3A_1356 : vector<16xf32> to vector<16xf32>
    %mul3A_1358 = arith.constant 9.900000e+01 : f32
    %mul3A_1359 = vector.broadcast %mul3A_1358 : f32 to vector<16xf32>
    %mul3A_1360 = arith.mulf %get3A_1357, %mul3A_1359 : vector<16xf32>
    %convert_element_type3A_1361 = arith.fptosi %mul3A_1360 : vector<16xf32> to vector<16xi32>
    %convert_element_type3A_1362 = arith.sitofp %convert_element_type3A_1361 : vector<16xi32> to vector<16xf32>
    %sub3A_1363 = arith.subf %mul3A_1360, %convert_element_type3A_1362 : vector<16xf32>
    %broadcast_in_dim3A_1364 = arith.constant 1 : i32
    %broadcast_in_dim3A_1365 = vector.broadcast %broadcast_in_dim3A_1364 : i32 to vector<16xi32>
    %broadcast_in_dim3A_1366 = arith.constant 0 : i32
    %broadcast_in_dim3A_1367 = vector.broadcast %broadcast_in_dim3A_1366 : i32 to vector<16xi32>
    %gt3A_1368 = arith.constant 5.000000e-01 : f32
    %gt3A_1369 = vector.broadcast %gt3A_1368 : f32 to vector<16xf32>
    %gt3A_1370 = arith.cmpf ogt, %sub3A_1363, %gt3A_1369 : vector<16xf32>
    %select_n3A_1371 = arith.select %gt3A_1370, %broadcast_in_dim3A_1365, %broadcast_in_dim3A_1367 : vector<16xi1>, vector<16xi32>
    %eq3A_1372 = arith.constant 5.000000e-01 : f32
    %eq3A_1373 = vector.broadcast %eq3A_1372 : f32 to vector<16xf32>
    %eq3A_1374 = arith.cmpf oeq, %sub3A_1363, %eq3A_1373 : vector<16xf32>
    %and3A_1375 = arith.constant 1 : i32
    %and3A_1376 = vector.broadcast %and3A_1375 : i32 to vector<16xi32>
    %and3A_1377 = arith.andi %convert_element_type3A_1361, %and3A_1376 : vector<16xi32>
    %eq3A_1378 = arith.constant 1 : i32
    %eq3A_1379 = vector.broadcast %eq3A_1378 : i32 to vector<16xi32>
    %eq3A_1380 = arith.cmpi eq, %and3A_1377, %eq3A_1379 : vector<16xi32>
    %and3A_1381 = arith.andi %eq3A_1374, %eq3A_1380 : vector<16xi1>
    %select_n3A_1382 = arith.select %and3A_1381, %broadcast_in_dim3A_1365, %broadcast_in_dim3A_1367 : vector<16xi1>, vector<16xi32>
    %add3A_1383 = arith.addi %convert_element_type3A_1361, %select_n3A_1371 : vector<16xi32>
    %add3A_1384 = arith.addi %add3A_1383, %select_n3A_1382 : vector<16xi32>
    %jit3A_1385 = arith.constant 0 : i32
    %jit3A_1386 = arith.constant 99 : i32
    %max3A_1387 = vector.broadcast %jit3A_1385 : i32 to vector<16xi32>
    %max3A_1388 = arith.maxsi %max3A_1387, %add3A_1384 : vector<16xi32>
    %min3A_1389 = vector.broadcast %jit3A_1386 : i32 to vector<16xi32>
    %min3A_1390 = arith.minsi %min3A_1389, %max3A_1388 : vector<16xi32>
    %get3A_1391 = arith.constant 496 : index
    %get3A_1392 = tpu.vector_load %arg7[%get3A_1391] {strides = array<i32>} : memref<832xi32, #tpu.memory_space<vmem>>, vector<16xi32>,
    %get3A_1393 = vector.shape_cast %get3A_1392 : vector<16xi32> to vector<16xi32>
    %add3A_1394 = arith.addi %min3A_1390, %get3A_1393 : vector<16xi32>
    %swap3A_1395 = arith.constant 496 : index
    %swap3A_1396 = tpu.vector_load %arg8[%swap3A_1395] {strides = array<i32>} : memref<848xi32, #tpu.memory_space<vmem>>, vector<16xi32>,
    %swap3A_1397 = vector.shape_cast %swap3A_1396 : vector<16xi32> to vector<16xi32>
    %swap3A_1398 = vector.shape_cast %add3A_1394 : vector<16xi32> to vector<16xi32>
    tpu.vector_store %arg8[%swap3A_1395], %swap3A_1398 {strides = array<i32>} : memref<848xi32, #tpu.memory_space<vmem>>, vector<16xi32>,
    %get3A_1399 = arith.constant 512 : index
    %get3A_1400 = tpu.vector_load %arg6[%get3A_1399] {strides = array<i32>} : memref<832xf32, #tpu.memory_space<vmem>>, vector<16xf32>,
    %get3A_1401 = vector.shape_cast %get3A_1400 : vector<16xf32> to vector<16xf32>
    %mul3A_1402 = arith.constant 9.900000e+01 : f32
    %mul3A_1403 = vector.broadcast %mul3A_1402 : f32 to vector<16xf32>
    %mul3A_1404 = arith.mulf %get3A_1401, %mul3A_1403 : vector<16xf32>
    %convert_element_type3A_1405 = arith.fptosi %mul3A_1404 : vector<16xf32> to vector<16xi32>
    %convert_element_type3A_1406 = arith.sitofp %convert_element_type3A_1405 : vector<16xi32> to vector<16xf32>
    %sub3A_1407 = arith.subf %mul3A_1404, %convert_element_type3A_1406 : vector<16xf32>
    %broadcast_in_dim3A_1408 = arith.constant 1 : i32
    %broadcast_in_dim3A_1409 = vector.broadcast %broadcast_in_dim3A_1408 : i32 to vector<16xi32>
    %broadcast_in_dim3A_1410 = arith.constant 0 : i32
    %broadcast_in_dim3A_1411 = vector.broadcast %broadcast_in_dim3A_1410 : i32 to vector<16xi32>
    %gt3A_1412 = arith.constant 5.000000e-01 : f32
    %gt3A_1413 = vector.broadcast %gt3A_1412 : f32 to vector<16xf32>
    %gt3A_1414 = arith.cmpf ogt, %sub3A_1407, %gt3A_1413 : vector<16xf32>
    %select_n3A_1415 = arith.select %gt3A_1414, %broadcast_in_dim3A_1409, %broadcast_in_dim3A_1411 : vector<16xi1>, vector<16xi32>
    %eq3A_1416 = arith.constant 5.000000e-01 : f32
    %eq3A_1417 = vector.broadcast %eq3A_1416 : f32 to vector<16xf32>
    %eq3A_1418 = arith.cmpf oeq, %sub3A_1407, %eq3A_1417 : vector<16xf32>
    %and3A_1419 = arith.constant 1 : i32
    %and3A_1420 = vector.broadcast %and3A_1419 : i32 to vector<16xi32>
    %and3A_1421 = arith.andi %convert_element_type3A_1405, %and3A_1420 : vector<16xi32>
    %eq3A_1422 = arith.constant 1 : i32
    %eq3A_1423 = vector.broadcast %eq3A_1422 : i32 to vector<16xi32>
    %eq3A_1424 = arith.cmpi eq, %and3A_1421, %eq3A_1423 : vector<16xi32>
    %and3A_1425 = arith.andi %eq3A_1418, %eq3A_1424 : vector<16xi1>
    %select_n3A_1426 = arith.select %and3A_1425, %broadcast_in_dim3A_1409, %broadcast_in_dim3A_1411 : vector<16xi1>, vector<16xi32>
    %add3A_1427 = arith.addi %convert_element_type3A_1405, %select_n3A_1415 : vector<16xi32>
    %add3A_1428 = arith.addi %add3A_1427, %select_n3A_1426 : vector<16xi32>
    %jit3A_1429 = arith.constant 0 : i32
    %jit3A_1430 = arith.constant 99 : i32
    %max3A_1431 = vector.broadcast %jit3A_1429 : i32 to vector<16xi32>
    %max3A_1432 = arith.maxsi %max3A_1431, %add3A_1428 : vector<16xi32>
    %min3A_1433 = vector.broadcast %jit3A_1430 : i32 to vector<16xi32>
    %min3A_1434 = arith.minsi %min3A_1433, %max3A_1432 : vector<16xi32>
    %get3A_1435 = arith.constant 512 : index
    %get3A_1436 = tpu.vector_load %arg7[%get3A_1435] {strides = array<i32>} : memref<832xi32, #tpu.memory_space<vmem>>, vector<16xi32>,
    %get3A_1437 = vector.shape_cast %get3A_1436 : vector<16xi32> to vector<16xi32>
    %add3A_1438 = arith.addi %min3A_1434, %get3A_1437 : vector<16xi32>
    %swap3A_1439 = arith.constant 512 : index
    %swap3A_1440 = tpu.vector_load %arg8[%swap3A_1439] {strides = array<i32>} : memref<848xi32, #tpu.memory_space<vmem>>, vector<16xi32>,
    %swap3A_1441 = vector.shape_cast %swap3A_1440 : vector<16xi32> to vector<16xi32>
    %swap3A_1442 = vector.shape_cast %add3A_1438 : vector<16xi32> to vector<16xi32>
    tpu.vector_store %arg8[%swap3A_1439], %swap3A_1442 {strides = array<i32>} : memref<848xi32, #tpu.memory_space<vmem>>, vector<16xi32>,
    %get3A_1443 = arith.constant 528 : index
    %get3A_1444 = tpu.vector_load %arg6[%get3A_1443] {strides = array<i32>} : memref<832xf32, #tpu.memory_space<vmem>>, vector<16xf32>,
    %get3A_1445 = vector.shape_cast %get3A_1444 : vector<16xf32> to vector<16xf32>
    %mul3A_1446 = arith.constant 9.900000e+01 : f32
    %mul3A_1447 = vector.broadcast %mul3A_1446 : f32 to vector<16xf32>
    %mul3A_1448 = arith.mulf %get3A_1445, %mul3A_1447 : vector<16xf32>
    %convert_element_type3A_1449 = arith.fptosi %mul3A_1448 : vector<16xf32> to vector<16xi32>
    %convert_element_type3A_1450 = arith.sitofp %convert_element_type3A_1449 : vector<16xi32> to vector<16xf32>
    %sub3A_1451 = arith.subf %mul3A_1448, %convert_element_type3A_1450 : vector<16xf32>
    %broadcast_in_dim3A_1452 = arith.constant 1 : i32
    %broadcast_in_dim3A_1453 = vector.broadcast %broadcast_in_dim3A_1452 : i32 to vector<16xi32>
    %broadcast_in_dim3A_1454 = arith.constant 0 : i32
    %broadcast_in_dim3A_1455 = vector.broadcast %broadcast_in_dim3A_1454 : i32 to vector<16xi32>
    %gt3A_1456 = arith.constant 5.000000e-01 : f32
    %gt3A_1457 = vector.broadcast %gt3A_1456 : f32 to vector<16xf32>
    %gt3A_1458 = arith.cmpf ogt, %sub3A_1451, %gt3A_1457 : vector<16xf32>
    %select_n3A_1459 = arith.select %gt3A_1458, %broadcast_in_dim3A_1453, %broadcast_in_dim3A_1455 : vector<16xi1>, vector<16xi32>
    %eq3A_1460 = arith.constant 5.000000e-01 : f32
    %eq3A_1461 = vector.broadcast %eq3A_1460 : f32 to vector<16xf32>
    %eq3A_1462 = arith.cmpf oeq, %sub3A_1451, %eq3A_1461 : vector<16xf32>
    %and3A_1463 = arith.constant 1 : i32
    %and3A_1464 = vector.broadcast %and3A_1463 : i32 to vector<16xi32>
    %and3A_1465 = arith.andi %convert_element_type3A_1449, %and3A_1464 : vector<16xi32>
    %eq3A_1466 = arith.constant 1 : i32
    %eq3A_1467 = vector.broadcast %eq3A_1466 : i32 to vector<16xi32>
    %eq3A_1468 = arith.cmpi eq, %and3A_1465, %eq3A_1467 : vector<16xi32>
    %and3A_1469 = arith.andi %eq3A_1462, %eq3A_1468 : vector<16xi1>
    %select_n3A_1470 = arith.select %and3A_1469, %broadcast_in_dim3A_1453, %broadcast_in_dim3A_1455 : vector<16xi1>, vector<16xi32>
    %add3A_1471 = arith.addi %convert_element_type3A_1449, %select_n3A_1459 : vector<16xi32>
    %add3A_1472 = arith.addi %add3A_1471, %select_n3A_1470 : vector<16xi32>
    %jit3A_1473 = arith.constant 0 : i32
    %jit3A_1474 = arith.constant 99 : i32
    %max3A_1475 = vector.broadcast %jit3A_1473 : i32 to vector<16xi32>
    %max3A_1476 = arith.maxsi %max3A_1475, %add3A_1472 : vector<16xi32>
    %min3A_1477 = vector.broadcast %jit3A_1474 : i32 to vector<16xi32>
    %min3A_1478 = arith.minsi %min3A_1477, %max3A_1476 : vector<16xi32>
    %get3A_1479 = arith.constant 528 : index
    %get3A_1480 = tpu.vector_load %arg7[%get3A_1479] {strides = array<i32>} : memref<832xi32, #tpu.memory_space<vmem>>, vector<16xi32>,
    %get3A_1481 = vector.shape_cast %get3A_1480 : vector<16xi32> to vector<16xi32>
    %add3A_1482 = arith.addi %min3A_1478, %get3A_1481 : vector<16xi32>
    %swap3A_1483 = arith.constant 528 : index
    %swap3A_1484 = tpu.vector_load %arg8[%swap3A_1483] {strides = array<i32>} : memref<848xi32, #tpu.memory_space<vmem>>, vector<16xi32>,
    %swap3A_1485 = vector.shape_cast %swap3A_1484 : vector<16xi32> to vector<16xi32>
    %swap3A_1486 = vector.shape_cast %add3A_1482 : vector<16xi32> to vector<16xi32>
    tpu.vector_store %arg8[%swap3A_1483], %swap3A_1486 {strides = array<i32>} : memref<848xi32, #tpu.memory_space<vmem>>, vector<16xi32>,
    %get3A_1487 = arith.constant 544 : index
    %get3A_1488 = tpu.vector_load %arg6[%get3A_1487] {strides = array<i32>} : memref<832xf32, #tpu.memory_space<vmem>>, vector<16xf32>,
    %get3A_1489 = vector.shape_cast %get3A_1488 : vector<16xf32> to vector<16xf32>
    %mul3A_1490 = arith.constant 9.900000e+01 : f32
    %mul3A_1491 = vector.broadcast %mul3A_1490 : f32 to vector<16xf32>
    %mul3A_1492 = arith.mulf %get3A_1489, %mul3A_1491 : vector<16xf32>
    %convert_element_type3A_1493 = arith.fptosi %mul3A_1492 : vector<16xf32> to vector<16xi32>
    %convert_element_type3A_1494 = arith.sitofp %convert_element_type3A_1493 : vector<16xi32> to vector<16xf32>
    %sub3A_1495 = arith.subf %mul3A_1492, %convert_element_type3A_1494 : vector<16xf32>
    %broadcast_in_dim3A_1496 = arith.constant 1 : i32
    %broadcast_in_dim3A_1497 = vector.broadcast %broadcast_in_dim3A_1496 : i32 to vector<16xi32>
    %broadcast_in_dim3A_1498 = arith.constant 0 : i32
    %broadcast_in_dim3A_1499 = vector.broadcast %broadcast_in_dim3A_1498 : i32 to vector<16xi32>
    %gt3A_1500 = arith.constant 5.000000e-01 : f32
    %gt3A_1501 = vector.broadcast %gt3A_1500 : f32 to vector<16xf32>
    %gt3A_1502 = arith.cmpf ogt, %sub3A_1495, %gt3A_1501 : vector<16xf32>
    %select_n3A_1503 = arith.select %gt3A_1502, %broadcast_in_dim3A_1497, %broadcast_in_dim3A_1499 : vector<16xi1>, vector<16xi32>
    %eq3A_1504 = arith.constant 5.000000e-01 : f32
    %eq3A_1505 = vector.broadcast %eq3A_1504 : f32 to vector<16xf32>
    %eq3A_1506 = arith.cmpf oeq, %sub3A_1495, %eq3A_1505 : vector<16xf32>
    %and3A_1507 = arith.constant 1 : i32
    %and3A_1508 = vector.broadcast %and3A_1507 : i32 to vector<16xi32>
    %and3A_1509 = arith.andi %convert_element_type3A_1493, %and3A_1508 : vector<16xi32>
    %eq3A_1510 = arith.constant 1 : i32
    %eq3A_1511 = vector.broadcast %eq3A_1510 : i32 to vector<16xi32>
    %eq3A_1512 = arith.cmpi eq, %and3A_1509, %eq3A_1511 : vector<16xi32>
    %and3A_1513 = arith.andi %eq3A_1506, %eq3A_1512 : vector<16xi1>
    %select_n3A_1514 = arith.select %and3A_1513, %broadcast_in_dim3A_1497, %broadcast_in_dim3A_1499 : vector<16xi1>, vector<16xi32>
    %add3A_1515 = arith.addi %convert_element_type3A_1493, %select_n3A_1503 : vector<16xi32>
    %add3A_1516 = arith.addi %add3A_1515, %select_n3A_1514 : vector<16xi32>
    %jit3A_1517 = arith.constant 0 : i32
    %jit3A_1518 = arith.constant 99 : i32
    %max3A_1519 = vector.broadcast %jit3A_1517 : i32 to vector<16xi32>
    %max3A_1520 = arith.maxsi %max3A_1519, %add3A_1516 : vector<16xi32>
    %min3A_1521 = vector.broadcast %jit3A_1518 : i32 to vector<16xi32>
    %min3A_1522 = arith.minsi %min3A_1521, %max3A_1520 : vector<16xi32>
    %get3A_1523 = arith.constant 544 : index
    %get3A_1524 = tpu.vector_load %arg7[%get3A_1523] {strides = array<i32>} : memref<832xi32, #tpu.memory_space<vmem>>, vector<16xi32>,
    %get3A_1525 = vector.shape_cast %get3A_1524 : vector<16xi32> to vector<16xi32>
    %add3A_1526 = arith.addi %min3A_1522, %get3A_1525 : vector<16xi32>
    %swap3A_1527 = arith.constant 544 : index
    %swap3A_1528 = tpu.vector_load %arg8[%swap3A_1527] {strides = array<i32>} : memref<848xi32, #tpu.memory_space<vmem>>, vector<16xi32>,
    %swap3A_1529 = vector.shape_cast %swap3A_1528 : vector<16xi32> to vector<16xi32>
    %swap3A_1530 = vector.shape_cast %add3A_1526 : vector<16xi32> to vector<16xi32>
    tpu.vector_store %arg8[%swap3A_1527], %swap3A_1530 {strides = array<i32>} : memref<848xi32, #tpu.memory_space<vmem>>, vector<16xi32>,
    %get3A_1531 = arith.constant 560 : index
    %get3A_1532 = tpu.vector_load %arg6[%get3A_1531] {strides = array<i32>} : memref<832xf32, #tpu.memory_space<vmem>>, vector<16xf32>,
    %get3A_1533 = vector.shape_cast %get3A_1532 : vector<16xf32> to vector<16xf32>
    %mul3A_1534 = arith.constant 9.900000e+01 : f32
    %mul3A_1535 = vector.broadcast %mul3A_1534 : f32 to vector<16xf32>
    %mul3A_1536 = arith.mulf %get3A_1533, %mul3A_1535 : vector<16xf32>
    %convert_element_type3A_1537 = arith.fptosi %mul3A_1536 : vector<16xf32> to vector<16xi32>
    %convert_element_type3A_1538 = arith.sitofp %convert_element_type3A_1537 : vector<16xi32> to vector<16xf32>
    %sub3A_1539 = arith.subf %mul3A_1536, %convert_element_type3A_1538 : vector<16xf32>
    %broadcast_in_dim3A_1540 = arith.constant 1 : i32
    %broadcast_in_dim3A_1541 = vector.broadcast %broadcast_in_dim3A_1540 : i32 to vector<16xi32>
    %broadcast_in_dim3A_1542 = arith.constant 0 : i32
    %broadcast_in_dim3A_1543 = vector.broadcast %broadcast_in_dim3A_1542 : i32 to vector<16xi32>
    %gt3A_1544 = arith.constant 5.000000e-01 : f32
    %gt3A_1545 = vector.broadcast %gt3A_1544 : f32 to vector<16xf32>
    %gt3A_1546 = arith.cmpf ogt, %sub3A_1539, %gt3A_1545 : vector<16xf32>
    %select_n3A_1547 = arith.select %gt3A_1546, %broadcast_in_dim3A_1541, %broadcast_in_dim3A_1543 : vector<16xi1>, vector<16xi32>
    %eq3A_1548 = arith.constant 5.000000e-01 : f32
    %eq3A_1549 = vector.broadcast %eq3A_1548 : f32 to vector<16xf32>
    %eq3A_1550 = arith.cmpf oeq, %sub3A_1539, %eq3A_1549 : vector<16xf32>
    %and3A_1551 = arith.constant 1 : i32
    %and3A_1552 = vector.broadcast %and3A_1551 : i32 to vector<16xi32>
    %and3A_1553 = arith.andi %convert_element_type3A_1537, %and3A_1552 : vector<16xi32>
    %eq3A_1554 = arith.constant 1 : i32
    %eq3A_1555 = vector.broadcast %eq3A_1554 : i32 to vector<16xi32>
    %eq3A_1556 = arith.cmpi eq, %and3A_1553, %eq3A_1555 : vector<16xi32>
    %and3A_1557 = arith.andi %eq3A_1550, %eq3A_1556 : vector<16xi1>
    %select_n3A_1558 = arith.select %and3A_1557, %broadcast_in_dim3A_1541, %broadcast_in_dim3A_1543 : vector<16xi1>, vector<16xi32>
    %add3A_1559 = arith.addi %convert_element_type3A_1537, %select_n3A_1547 : vector<16xi32>
    %add3A_1560 = arith.addi %add3A_1559, %select_n3A_1558 : vector<16xi32>
    %jit3A_1561 = arith.constant 0 : i32
    %jit3A_1562 = arith.constant 99 : i32
    %max3A_1563 = vector.broadcast %jit3A_1561 : i32 to vector<16xi32>
    %max3A_1564 = arith.maxsi %max3A_1563, %add3A_1560 : vector<16xi32>
    %min3A_1565 = vector.broadcast %jit3A_1562 : i32 to vector<16xi32>
    %min3A_1566 = arith.minsi %min3A_1565, %max3A_1564 : vector<16xi32>
    %get3A_1567 = arith.constant 560 : index
    %get3A_1568 = tpu.vector_load %arg7[%get3A_1567] {strides = array<i32>} : memref<832xi32, #tpu.memory_space<vmem>>, vector<16xi32>,
    %get3A_1569 = vector.shape_cast %get3A_1568 : vector<16xi32> to vector<16xi32>
    %add3A_1570 = arith.addi %min3A_1566, %get3A_1569 : vector<16xi32>
    %swap3A_1571 = arith.constant 560 : index
    %swap3A_1572 = tpu.vector_load %arg8[%swap3A_1571] {strides = array<i32>} : memref<848xi32, #tpu.memory_space<vmem>>, vector<16xi32>,
    %swap3A_1573 = vector.shape_cast %swap3A_1572 : vector<16xi32> to vector<16xi32>
    %swap3A_1574 = vector.shape_cast %add3A_1570 : vector<16xi32> to vector<16xi32>
    tpu.vector_store %arg8[%swap3A_1571], %swap3A_1574 {strides = array<i32>} : memref<848xi32, #tpu.memory_space<vmem>>, vector<16xi32>,
    %get3A_1575 = arith.constant 576 : index
    %get3A_1576 = tpu.vector_load %arg6[%get3A_1575] {strides = array<i32>} : memref<832xf32, #tpu.memory_space<vmem>>, vector<16xf32>,
    %get3A_1577 = vector.shape_cast %get3A_1576 : vector<16xf32> to vector<16xf32>
    %mul3A_1578 = arith.constant 9.900000e+01 : f32
    %mul3A_1579 = vector.broadcast %mul3A_1578 : f32 to vector<16xf32>
    %mul3A_1580 = arith.mulf %get3A_1577, %mul3A_1579 : vector<16xf32>
    %convert_element_type3A_1581 = arith.fptosi %mul3A_1580 : vector<16xf32> to vector<16xi32>
    %convert_element_type3A_1582 = arith.sitofp %convert_element_type3A_1581 : vector<16xi32> to vector<16xf32>
    %sub3A_1583 = arith.subf %mul3A_1580, %convert_element_type3A_1582 : vector<16xf32>
    %broadcast_in_dim3A_1584 = arith.constant 1 : i32
    %broadcast_in_dim3A_1585 = vector.broadcast %broadcast_in_dim3A_1584 : i32 to vector<16xi32>
    %broadcast_in_dim3A_1586 = arith.constant 0 : i32
    %broadcast_in_dim3A_1587 = vector.broadcast %broadcast_in_dim3A_1586 : i32 to vector<16xi32>
    %gt3A_1588 = arith.constant 5.000000e-01 : f32
    %gt3A_1589 = vector.broadcast %gt3A_1588 : f32 to vector<16xf32>
    %gt3A_1590 = arith.cmpf ogt, %sub3A_1583, %gt3A_1589 : vector<16xf32>
    %select_n3A_1591 = arith.select %gt3A_1590, %broadcast_in_dim3A_1585, %broadcast_in_dim3A_1587 : vector<16xi1>, vector<16xi32>
    %eq3A_1592 = arith.constant 5.000000e-01 : f32
    %eq3A_1593 = vector.broadcast %eq3A_1592 : f32 to vector<16xf32>
    %eq3A_1594 = arith.cmpf oeq, %sub3A_1583, %eq3A_1593 : vector<16xf32>
    %and3A_1595 = arith.constant 1 : i32
    %and3A_1596 = vector.broadcast %and3A_1595 : i32 to vector<16xi32>
    %and3A_1597 = arith.andi %convert_element_type3A_1581, %and3A_1596 : vector<16xi32>
    %eq3A_1598 = arith.constant 1 : i32
    %eq3A_1599 = vector.broadcast %eq3A_1598 : i32 to vector<16xi32>
    %eq3A_1600 = arith.cmpi eq, %and3A_1597, %eq3A_1599 : vector<16xi32>
    %and3A_1601 = arith.andi %eq3A_1594, %eq3A_1600 : vector<16xi1>
    %select_n3A_1602 = arith.select %and3A_1601, %broadcast_in_dim3A_1585, %broadcast_in_dim3A_1587 : vector<16xi1>, vector<16xi32>
    %add3A_1603 = arith.addi %convert_element_type3A_1581, %select_n3A_1591 : vector<16xi32>
    %add3A_1604 = arith.addi %add3A_1603, %select_n3A_1602 : vector<16xi32>
    %jit3A_1605 = arith.constant 0 : i32
    %jit3A_1606 = arith.constant 99 : i32
    %max3A_1607 = vector.broadcast %jit3A_1605 : i32 to vector<16xi32>
    %max3A_1608 = arith.maxsi %max3A_1607, %add3A_1604 : vector<16xi32>
    %min3A_1609 = vector.broadcast %jit3A_1606 : i32 to vector<16xi32>
    %min3A_1610 = arith.minsi %min3A_1609, %max3A_1608 : vector<16xi32>
    %get3A_1611 = arith.constant 576 : index
    %get3A_1612 = tpu.vector_load %arg7[%get3A_1611] {strides = array<i32>} : memref<832xi32, #tpu.memory_space<vmem>>, vector<16xi32>,
    %get3A_1613 = vector.shape_cast %get3A_1612 : vector<16xi32> to vector<16xi32>
    %add3A_1614 = arith.addi %min3A_1610, %get3A_1613 : vector<16xi32>
    %swap3A_1615 = arith.constant 576 : index
    %swap3A_1616 = tpu.vector_load %arg8[%swap3A_1615] {strides = array<i32>} : memref<848xi32, #tpu.memory_space<vmem>>, vector<16xi32>,
    %swap3A_1617 = vector.shape_cast %swap3A_1616 : vector<16xi32> to vector<16xi32>
    %swap3A_1618 = vector.shape_cast %add3A_1614 : vector<16xi32> to vector<16xi32>
    tpu.vector_store %arg8[%swap3A_1615], %swap3A_1618 {strides = array<i32>} : memref<848xi32, #tpu.memory_space<vmem>>, vector<16xi32>,
    %get3A_1619 = arith.constant 592 : index
    %get3A_1620 = tpu.vector_load %arg6[%get3A_1619] {strides = array<i32>} : memref<832xf32, #tpu.memory_space<vmem>>, vector<16xf32>,
    %get3A_1621 = vector.shape_cast %get3A_1620 : vector<16xf32> to vector<16xf32>
    %mul3A_1622 = arith.constant 9.900000e+01 : f32
    %mul3A_1623 = vector.broadcast %mul3A_1622 : f32 to vector<16xf32>
    %mul3A_1624 = arith.mulf %get3A_1621, %mul3A_1623 : vector<16xf32>
    %convert_element_type3A_1625 = arith.fptosi %mul3A_1624 : vector<16xf32> to vector<16xi32>
    %convert_element_type3A_1626 = arith.sitofp %convert_element_type3A_1625 : vector<16xi32> to vector<16xf32>
    %sub3A_1627 = arith.subf %mul3A_1624, %convert_element_type3A_1626 : vector<16xf32>
    %broadcast_in_dim3A_1628 = arith.constant 1 : i32
    %broadcast_in_dim3A_1629 = vector.broadcast %broadcast_in_dim3A_1628 : i32 to vector<16xi32>
    %broadcast_in_dim3A_1630 = arith.constant 0 : i32
    %broadcast_in_dim3A_1631 = vector.broadcast %broadcast_in_dim3A_1630 : i32 to vector<16xi32>
    %gt3A_1632 = arith.constant 5.000000e-01 : f32
    %gt3A_1633 = vector.broadcast %gt3A_1632 : f32 to vector<16xf32>
    %gt3A_1634 = arith.cmpf ogt, %sub3A_1627, %gt3A_1633 : vector<16xf32>
    %select_n3A_1635 = arith.select %gt3A_1634, %broadcast_in_dim3A_1629, %broadcast_in_dim3A_1631 : vector<16xi1>, vector<16xi32>
    %eq3A_1636 = arith.constant 5.000000e-01 : f32
    %eq3A_1637 = vector.broadcast %eq3A_1636 : f32 to vector<16xf32>
    %eq3A_1638 = arith.cmpf oeq, %sub3A_1627, %eq3A_1637 : vector<16xf32>
    %and3A_1639 = arith.constant 1 : i32
    %and3A_1640 = vector.broadcast %and3A_1639 : i32 to vector<16xi32>
    %and3A_1641 = arith.andi %convert_element_type3A_1625, %and3A_1640 : vector<16xi32>
    %eq3A_1642 = arith.constant 1 : i32
    %eq3A_1643 = vector.broadcast %eq3A_1642 : i32 to vector<16xi32>
    %eq3A_1644 = arith.cmpi eq, %and3A_1641, %eq3A_1643 : vector<16xi32>
    %and3A_1645 = arith.andi %eq3A_1638, %eq3A_1644 : vector<16xi1>
    %select_n3A_1646 = arith.select %and3A_1645, %broadcast_in_dim3A_1629, %broadcast_in_dim3A_1631 : vector<16xi1>, vector<16xi32>
    %add3A_1647 = arith.addi %convert_element_type3A_1625, %select_n3A_1635 : vector<16xi32>
    %add3A_1648 = arith.addi %add3A_1647, %select_n3A_1646 : vector<16xi32>
    %jit3A_1649 = arith.constant 0 : i32
    %jit3A_1650 = arith.constant 99 : i32
    %max3A_1651 = vector.broadcast %jit3A_1649 : i32 to vector<16xi32>
    %max3A_1652 = arith.maxsi %max3A_1651, %add3A_1648 : vector<16xi32>
    %min3A_1653 = vector.broadcast %jit3A_1650 : i32 to vector<16xi32>
    %min3A_1654 = arith.minsi %min3A_1653, %max3A_1652 : vector<16xi32>
    %get3A_1655 = arith.constant 592 : index
    %get3A_1656 = tpu.vector_load %arg7[%get3A_1655] {strides = array<i32>} : memref<832xi32, #tpu.memory_space<vmem>>, vector<16xi32>,
    %get3A_1657 = vector.shape_cast %get3A_1656 : vector<16xi32> to vector<16xi32>
    %add3A_1658 = arith.addi %min3A_1654, %get3A_1657 : vector<16xi32>
    %swap3A_1659 = arith.constant 592 : index
    %swap3A_1660 = tpu.vector_load %arg8[%swap3A_1659] {strides = array<i32>} : memref<848xi32, #tpu.memory_space<vmem>>, vector<16xi32>,
    %swap3A_1661 = vector.shape_cast %swap3A_1660 : vector<16xi32> to vector<16xi32>
    %swap3A_1662 = vector.shape_cast %add3A_1658 : vector<16xi32> to vector<16xi32>
    tpu.vector_store %arg8[%swap3A_1659], %swap3A_1662 {strides = array<i32>} : memref<848xi32, #tpu.memory_space<vmem>>, vector<16xi32>,
    %get3A_1663 = arith.constant 608 : index
    %get3A_1664 = tpu.vector_load %arg6[%get3A_1663] {strides = array<i32>} : memref<832xf32, #tpu.memory_space<vmem>>, vector<16xf32>,
    %get3A_1665 = vector.shape_cast %get3A_1664 : vector<16xf32> to vector<16xf32>
    %mul3A_1666 = arith.constant 9.900000e+01 : f32
    %mul3A_1667 = vector.broadcast %mul3A_1666 : f32 to vector<16xf32>
    %mul3A_1668 = arith.mulf %get3A_1665, %mul3A_1667 : vector<16xf32>
    %convert_element_type3A_1669 = arith.fptosi %mul3A_1668 : vector<16xf32> to vector<16xi32>
    %convert_element_type3A_1670 = arith.sitofp %convert_element_type3A_1669 : vector<16xi32> to vector<16xf32>
    %sub3A_1671 = arith.subf %mul3A_1668, %convert_element_type3A_1670 : vector<16xf32>
    %broadcast_in_dim3A_1672 = arith.constant 1 : i32
    %broadcast_in_dim3A_1673 = vector.broadcast %broadcast_in_dim3A_1672 : i32 to vector<16xi32>
    %broadcast_in_dim3A_1674 = arith.constant 0 : i32
    %broadcast_in_dim3A_1675 = vector.broadcast %broadcast_in_dim3A_1674 : i32 to vector<16xi32>
    %gt3A_1676 = arith.constant 5.000000e-01 : f32
    %gt3A_1677 = vector.broadcast %gt3A_1676 : f32 to vector<16xf32>
    %gt3A_1678 = arith.cmpf ogt, %sub3A_1671, %gt3A_1677 : vector<16xf32>
    %select_n3A_1679 = arith.select %gt3A_1678, %broadcast_in_dim3A_1673, %broadcast_in_dim3A_1675 : vector<16xi1>, vector<16xi32>
    %eq3A_1680 = arith.constant 5.000000e-01 : f32
    %eq3A_1681 = vector.broadcast %eq3A_1680 : f32 to vector<16xf32>
    %eq3A_1682 = arith.cmpf oeq, %sub3A_1671, %eq3A_1681 : vector<16xf32>
    %and3A_1683 = arith.constant 1 : i32
    %and3A_1684 = vector.broadcast %and3A_1683 : i32 to vector<16xi32>
    %and3A_1685 = arith.andi %convert_element_type3A_1669, %and3A_1684 : vector<16xi32>
    %eq3A_1686 = arith.constant 1 : i32
    %eq3A_1687 = vector.broadcast %eq3A_1686 : i32 to vector<16xi32>
    %eq3A_1688 = arith.cmpi eq, %and3A_1685, %eq3A_1687 : vector<16xi32>
    %and3A_1689 = arith.andi %eq3A_1682, %eq3A_1688 : vector<16xi1>
    %select_n3A_1690 = arith.select %and3A_1689, %broadcast_in_dim3A_1673, %broadcast_in_dim3A_1675 : vector<16xi1>, vector<16xi32>
    %add3A_1691 = arith.addi %convert_element_type3A_1669, %select_n3A_1679 : vector<16xi32>
    %add3A_1692 = arith.addi %add3A_1691, %select_n3A_1690 : vector<16xi32>
    %jit3A_1693 = arith.constant 0 : i32
    %jit3A_1694 = arith.constant 99 : i32
    %max3A_1695 = vector.broadcast %jit3A_1693 : i32 to vector<16xi32>
    %max3A_1696 = arith.maxsi %max3A_1695, %add3A_1692 : vector<16xi32>
    %min3A_1697 = vector.broadcast %jit3A_1694 : i32 to vector<16xi32>
    %min3A_1698 = arith.minsi %min3A_1697, %max3A_1696 : vector<16xi32>
    %get3A_1699 = arith.constant 608 : index
    %get3A_1700 = tpu.vector_load %arg7[%get3A_1699] {strides = array<i32>} : memref<832xi32, #tpu.memory_space<vmem>>, vector<16xi32>,
    %get3A_1701 = vector.shape_cast %get3A_1700 : vector<16xi32> to vector<16xi32>
    %add3A_1702 = arith.addi %min3A_1698, %get3A_1701 : vector<16xi32>
    %swap3A_1703 = arith.constant 608 : index
    %swap3A_1704 = tpu.vector_load %arg8[%swap3A_1703] {strides = array<i32>} : memref<848xi32, #tpu.memory_space<vmem>>, vector<16xi32>,
    %swap3A_1705 = vector.shape_cast %swap3A_1704 : vector<16xi32> to vector<16xi32>
    %swap3A_1706 = vector.shape_cast %add3A_1702 : vector<16xi32> to vector<16xi32>
    tpu.vector_store %arg8[%swap3A_1703], %swap3A_1706 {strides = array<i32>} : memref<848xi32, #tpu.memory_space<vmem>>, vector<16xi32>,
    %get3A_1707 = arith.constant 624 : index
    %get3A_1708 = tpu.vector_load %arg6[%get3A_1707] {strides = array<i32>} : memref<832xf32, #tpu.memory_space<vmem>>, vector<16xf32>,
    %get3A_1709 = vector.shape_cast %get3A_1708 : vector<16xf32> to vector<16xf32>
    %mul3A_1710 = arith.constant 9.900000e+01 : f32
    %mul3A_1711 = vector.broadcast %mul3A_1710 : f32 to vector<16xf32>
    %mul3A_1712 = arith.mulf %get3A_1709, %mul3A_1711 : vector<16xf32>
    %convert_element_type3A_1713 = arith.fptosi %mul3A_1712 : vector<16xf32> to vector<16xi32>
    %convert_element_type3A_1714 = arith.sitofp %convert_element_type3A_1713 : vector<16xi32> to vector<16xf32>
    %sub3A_1715 = arith.subf %mul3A_1712, %convert_element_type3A_1714 : vector<16xf32>
    %broadcast_in_dim3A_1716 = arith.constant 1 : i32
    %broadcast_in_dim3A_1717 = vector.broadcast %broadcast_in_dim3A_1716 : i32 to vector<16xi32>
    %broadcast_in_dim3A_1718 = arith.constant 0 : i32
    %broadcast_in_dim3A_1719 = vector.broadcast %broadcast_in_dim3A_1718 : i32 to vector<16xi32>
    %gt3A_1720 = arith.constant 5.000000e-01 : f32
    %gt3A_1721 = vector.broadcast %gt3A_1720 : f32 to vector<16xf32>
    %gt3A_1722 = arith.cmpf ogt, %sub3A_1715, %gt3A_1721 : vector<16xf32>
    %select_n3A_1723 = arith.select %gt3A_1722, %broadcast_in_dim3A_1717, %broadcast_in_dim3A_1719 : vector<16xi1>, vector<16xi32>
    %eq3A_1724 = arith.constant 5.000000e-01 : f32
    %eq3A_1725 = vector.broadcast %eq3A_1724 : f32 to vector<16xf32>
    %eq3A_1726 = arith.cmpf oeq, %sub3A_1715, %eq3A_1725 : vector<16xf32>
    %and3A_1727 = arith.constant 1 : i32
    %and3A_1728 = vector.broadcast %and3A_1727 : i32 to vector<16xi32>
    %and3A_1729 = arith.andi %convert_element_type3A_1713, %and3A_1728 : vector<16xi32>
    %eq3A_1730 = arith.constant 1 : i32
    %eq3A_1731 = vector.broadcast %eq3A_1730 : i32 to vector<16xi32>
    %eq3A_1732 = arith.cmpi eq, %and3A_1729, %eq3A_1731 : vector<16xi32>
    %and3A_1733 = arith.andi %eq3A_1726, %eq3A_1732 : vector<16xi1>
    %select_n3A_1734 = arith.select %and3A_1733, %broadcast_in_dim3A_1717, %broadcast_in_dim3A_1719 : vector<16xi1>, vector<16xi32>
    %add3A_1735 = arith.addi %convert_element_type3A_1713, %select_n3A_1723 : vector<16xi32>
    %add3A_1736 = arith.addi %add3A_1735, %select_n3A_1734 : vector<16xi32>
    %jit3A_1737 = arith.constant 0 : i32
    %jit3A_1738 = arith.constant 99 : i32
    %max3A_1739 = vector.broadcast %jit3A_1737 : i32 to vector<16xi32>
    %max3A_1740 = arith.maxsi %max3A_1739, %add3A_1736 : vector<16xi32>
    %min3A_1741 = vector.broadcast %jit3A_1738 : i32 to vector<16xi32>
    %min3A_1742 = arith.minsi %min3A_1741, %max3A_1740 : vector<16xi32>
    %get3A_1743 = arith.constant 624 : index
    %get3A_1744 = tpu.vector_load %arg7[%get3A_1743] {strides = array<i32>} : memref<832xi32, #tpu.memory_space<vmem>>, vector<16xi32>,
    %get3A_1745 = vector.shape_cast %get3A_1744 : vector<16xi32> to vector<16xi32>
    %add3A_1746 = arith.addi %min3A_1742, %get3A_1745 : vector<16xi32>
    %swap3A_1747 = arith.constant 624 : index
    %swap3A_1748 = tpu.vector_load %arg8[%swap3A_1747] {strides = array<i32>} : memref<848xi32, #tpu.memory_space<vmem>>, vector<16xi32>,
    %swap3A_1749 = vector.shape_cast %swap3A_1748 : vector<16xi32> to vector<16xi32>
    %swap3A_1750 = vector.shape_cast %add3A_1746 : vector<16xi32> to vector<16xi32>
    tpu.vector_store %arg8[%swap3A_1747], %swap3A_1750 {strides = array<i32>} : memref<848xi32, #tpu.memory_space<vmem>>, vector<16xi32>,
    %get3A_1751 = arith.constant 640 : index
    %get3A_1752 = tpu.vector_load %arg6[%get3A_1751] {strides = array<i32>} : memref<832xf32, #tpu.memory_space<vmem>>, vector<16xf32>,
    %get3A_1753 = vector.shape_cast %get3A_1752 : vector<16xf32> to vector<16xf32>
    %mul3A_1754 = arith.constant 9.900000e+01 : f32
    %mul3A_1755 = vector.broadcast %mul3A_1754 : f32 to vector<16xf32>
    %mul3A_1756 = arith.mulf %get3A_1753, %mul3A_1755 : vector<16xf32>
    %convert_element_type3A_1757 = arith.fptosi %mul3A_1756 : vector<16xf32> to vector<16xi32>
    %convert_element_type3A_1758 = arith.sitofp %convert_element_type3A_1757 : vector<16xi32> to vector<16xf32>
    %sub3A_1759 = arith.subf %mul3A_1756, %convert_element_type3A_1758 : vector<16xf32>
    %broadcast_in_dim3A_1760 = arith.constant 1 : i32
    %broadcast_in_dim3A_1761 = vector.broadcast %broadcast_in_dim3A_1760 : i32 to vector<16xi32>
    %broadcast_in_dim3A_1762 = arith.constant 0 : i32
    %broadcast_in_dim3A_1763 = vector.broadcast %broadcast_in_dim3A_1762 : i32 to vector<16xi32>
    %gt3A_1764 = arith.constant 5.000000e-01 : f32
    %gt3A_1765 = vector.broadcast %gt3A_1764 : f32 to vector<16xf32>
    %gt3A_1766 = arith.cmpf ogt, %sub3A_1759, %gt3A_1765 : vector<16xf32>
    %select_n3A_1767 = arith.select %gt3A_1766, %broadcast_in_dim3A_1761, %broadcast_in_dim3A_1763 : vector<16xi1>, vector<16xi32>
    %eq3A_1768 = arith.constant 5.000000e-01 : f32
    %eq3A_1769 = vector.broadcast %eq3A_1768 : f32 to vector<16xf32>
    %eq3A_1770 = arith.cmpf oeq, %sub3A_1759, %eq3A_1769 : vector<16xf32>
    %and3A_1771 = arith.constant 1 : i32
    %and3A_1772 = vector.broadcast %and3A_1771 : i32 to vector<16xi32>
    %and3A_1773 = arith.andi %convert_element_type3A_1757, %and3A_1772 : vector<16xi32>
    %eq3A_1774 = arith.constant 1 : i32
    %eq3A_1775 = vector.broadcast %eq3A_1774 : i32 to vector<16xi32>
    %eq3A_1776 = arith.cmpi eq, %and3A_1773, %eq3A_1775 : vector<16xi32>
    %and3A_1777 = arith.andi %eq3A_1770, %eq3A_1776 : vector<16xi1>
    %select_n3A_1778 = arith.select %and3A_1777, %broadcast_in_dim3A_1761, %broadcast_in_dim3A_1763 : vector<16xi1>, vector<16xi32>
    %add3A_1779 = arith.addi %convert_element_type3A_1757, %select_n3A_1767 : vector<16xi32>
    %add3A_1780 = arith.addi %add3A_1779, %select_n3A_1778 : vector<16xi32>
    %jit3A_1781 = arith.constant 0 : i32
    %jit3A_1782 = arith.constant 99 : i32
    %max3A_1783 = vector.broadcast %jit3A_1781 : i32 to vector<16xi32>
    %max3A_1784 = arith.maxsi %max3A_1783, %add3A_1780 : vector<16xi32>
    %min3A_1785 = vector.broadcast %jit3A_1782 : i32 to vector<16xi32>
    %min3A_1786 = arith.minsi %min3A_1785, %max3A_1784 : vector<16xi32>
    %get3A_1787 = arith.constant 640 : index
    %get3A_1788 = tpu.vector_load %arg7[%get3A_1787] {strides = array<i32>} : memref<832xi32, #tpu.memory_space<vmem>>, vector<16xi32>,
    %get3A_1789 = vector.shape_cast %get3A_1788 : vector<16xi32> to vector<16xi32>
    %add3A_1790 = arith.addi %min3A_1786, %get3A_1789 : vector<16xi32>
    %swap3A_1791 = arith.constant 640 : index
    %swap3A_1792 = tpu.vector_load %arg8[%swap3A_1791] {strides = array<i32>} : memref<848xi32, #tpu.memory_space<vmem>>, vector<16xi32>,
    %swap3A_1793 = vector.shape_cast %swap3A_1792 : vector<16xi32> to vector<16xi32>
    %swap3A_1794 = vector.shape_cast %add3A_1790 : vector<16xi32> to vector<16xi32>
    tpu.vector_store %arg8[%swap3A_1791], %swap3A_1794 {strides = array<i32>} : memref<848xi32, #tpu.memory_space<vmem>>, vector<16xi32>,
    %get3A_1795 = arith.constant 656 : index
    %get3A_1796 = tpu.vector_load %arg6[%get3A_1795] {strides = array<i32>} : memref<832xf32, #tpu.memory_space<vmem>>, vector<16xf32>,
    %get3A_1797 = vector.shape_cast %get3A_1796 : vector<16xf32> to vector<16xf32>
    %mul3A_1798 = arith.constant 9.900000e+01 : f32
    %mul3A_1799 = vector.broadcast %mul3A_1798 : f32 to vector<16xf32>
    %mul3A_1800 = arith.mulf %get3A_1797, %mul3A_1799 : vector<16xf32>
    %convert_element_type3A_1801 = arith.fptosi %mul3A_1800 : vector<16xf32> to vector<16xi32>
    %convert_element_type3A_1802 = arith.sitofp %convert_element_type3A_1801 : vector<16xi32> to vector<16xf32>
    %sub3A_1803 = arith.subf %mul3A_1800, %convert_element_type3A_1802 : vector<16xf32>
    %broadcast_in_dim3A_1804 = arith.constant 1 : i32
    %broadcast_in_dim3A_1805 = vector.broadcast %broadcast_in_dim3A_1804 : i32 to vector<16xi32>
    %broadcast_in_dim3A_1806 = arith.constant 0 : i32
    %broadcast_in_dim3A_1807 = vector.broadcast %broadcast_in_dim3A_1806 : i32 to vector<16xi32>
    %gt3A_1808 = arith.constant 5.000000e-01 : f32
    %gt3A_1809 = vector.broadcast %gt3A_1808 : f32 to vector<16xf32>
    %gt3A_1810 = arith.cmpf ogt, %sub3A_1803, %gt3A_1809 : vector<16xf32>
    %select_n3A_1811 = arith.select %gt3A_1810, %broadcast_in_dim3A_1805, %broadcast_in_dim3A_1807 : vector<16xi1>, vector<16xi32>
    %eq3A_1812 = arith.constant 5.000000e-01 : f32
    %eq3A_1813 = vector.broadcast %eq3A_1812 : f32 to vector<16xf32>
    %eq3A_1814 = arith.cmpf oeq, %sub3A_1803, %eq3A_1813 : vector<16xf32>
    %and3A_1815 = arith.constant 1 : i32
    %and3A_1816 = vector.broadcast %and3A_1815 : i32 to vector<16xi32>
    %and3A_1817 = arith.andi %convert_element_type3A_1801, %and3A_1816 : vector<16xi32>
    %eq3A_1818 = arith.constant 1 : i32
    %eq3A_1819 = vector.broadcast %eq3A_1818 : i32 to vector<16xi32>
    %eq3A_1820 = arith.cmpi eq, %and3A_1817, %eq3A_1819 : vector<16xi32>
    %and3A_1821 = arith.andi %eq3A_1814, %eq3A_1820 : vector<16xi1>
    %select_n3A_1822 = arith.select %and3A_1821, %broadcast_in_dim3A_1805, %broadcast_in_dim3A_1807 : vector<16xi1>, vector<16xi32>
    %add3A_1823 = arith.addi %convert_element_type3A_1801, %select_n3A_1811 : vector<16xi32>
    %add3A_1824 = arith.addi %add3A_1823, %select_n3A_1822 : vector<16xi32>
    %jit3A_1825 = arith.constant 0 : i32
    %jit3A_1826 = arith.constant 99 : i32
    %max3A_1827 = vector.broadcast %jit3A_1825 : i32 to vector<16xi32>
    %max3A_1828 = arith.maxsi %max3A_1827, %add3A_1824 : vector<16xi32>
    %min3A_1829 = vector.broadcast %jit3A_1826 : i32 to vector<16xi32>
    %min3A_1830 = arith.minsi %min3A_1829, %max3A_1828 : vector<16xi32>
    %get3A_1831 = arith.constant 656 : index
    %get3A_1832 = tpu.vector_load %arg7[%get3A_1831] {strides = array<i32>} : memref<832xi32, #tpu.memory_space<vmem>>, vector<16xi32>,
    %get3A_1833 = vector.shape_cast %get3A_1832 : vector<16xi32> to vector<16xi32>
    %add3A_1834 = arith.addi %min3A_1830, %get3A_1833 : vector<16xi32>
    %swap3A_1835 = arith.constant 656 : index
    %swap3A_1836 = tpu.vector_load %arg8[%swap3A_1835] {strides = array<i32>} : memref<848xi32, #tpu.memory_space<vmem>>, vector<16xi32>,
    %swap3A_1837 = vector.shape_cast %swap3A_1836 : vector<16xi32> to vector<16xi32>
    %swap3A_1838 = vector.shape_cast %add3A_1834 : vector<16xi32> to vector<16xi32>
    tpu.vector_store %arg8[%swap3A_1835], %swap3A_1838 {strides = array<i32>} : memref<848xi32, #tpu.memory_space<vmem>>, vector<16xi32>,
    %get3A_1839 = arith.constant 672 : index
    %get3A_1840 = tpu.vector_load %arg6[%get3A_1839] {strides = array<i32>} : memref<832xf32, #tpu.memory_space<vmem>>, vector<16xf32>,
    %get3A_1841 = vector.shape_cast %get3A_1840 : vector<16xf32> to vector<16xf32>
    %mul3A_1842 = arith.constant 9.900000e+01 : f32
    %mul3A_1843 = vector.broadcast %mul3A_1842 : f32 to vector<16xf32>
    %mul3A_1844 = arith.mulf %get3A_1841, %mul3A_1843 : vector<16xf32>
    %convert_element_type3A_1845 = arith.fptosi %mul3A_1844 : vector<16xf32> to vector<16xi32>
    %convert_element_type3A_1846 = arith.sitofp %convert_element_type3A_1845 : vector<16xi32> to vector<16xf32>
    %sub3A_1847 = arith.subf %mul3A_1844, %convert_element_type3A_1846 : vector<16xf32>
    %broadcast_in_dim3A_1848 = arith.constant 1 : i32
    %broadcast_in_dim3A_1849 = vector.broadcast %broadcast_in_dim3A_1848 : i32 to vector<16xi32>
    %broadcast_in_dim3A_1850 = arith.constant 0 : i32
    %broadcast_in_dim3A_1851 = vector.broadcast %broadcast_in_dim3A_1850 : i32 to vector<16xi32>
    %gt3A_1852 = arith.constant 5.000000e-01 : f32
    %gt3A_1853 = vector.broadcast %gt3A_1852 : f32 to vector<16xf32>
    %gt3A_1854 = arith.cmpf ogt, %sub3A_1847, %gt3A_1853 : vector<16xf32>
    %select_n3A_1855 = arith.select %gt3A_1854, %broadcast_in_dim3A_1849, %broadcast_in_dim3A_1851 : vector<16xi1>, vector<16xi32>
    %eq3A_1856 = arith.constant 5.000000e-01 : f32
    %eq3A_1857 = vector.broadcast %eq3A_1856 : f32 to vector<16xf32>
    %eq3A_1858 = arith.cmpf oeq, %sub3A_1847, %eq3A_1857 : vector<16xf32>
    %and3A_1859 = arith.constant 1 : i32
    %and3A_1860 = vector.broadcast %and3A_1859 : i32 to vector<16xi32>
    %and3A_1861 = arith.andi %convert_element_type3A_1845, %and3A_1860 : vector<16xi32>
    %eq3A_1862 = arith.constant 1 : i32
    %eq3A_1863 = vector.broadcast %eq3A_1862 : i32 to vector<16xi32>
    %eq3A_1864 = arith.cmpi eq, %and3A_1861, %eq3A_1863 : vector<16xi32>
    %and3A_1865 = arith.andi %eq3A_1858, %eq3A_1864 : vector<16xi1>
    %select_n3A_1866 = arith.select %and3A_1865, %broadcast_in_dim3A_1849, %broadcast_in_dim3A_1851 : vector<16xi1>, vector<16xi32>
    %add3A_1867 = arith.addi %convert_element_type3A_1845, %select_n3A_1855 : vector<16xi32>
    %add3A_1868 = arith.addi %add3A_1867, %select_n3A_1866 : vector<16xi32>
    %jit3A_1869 = arith.constant 0 : i32
    %jit3A_1870 = arith.constant 99 : i32
    %max3A_1871 = vector.broadcast %jit3A_1869 : i32 to vector<16xi32>
    %max3A_1872 = arith.maxsi %max3A_1871, %add3A_1868 : vector<16xi32>
    %min3A_1873 = vector.broadcast %jit3A_1870 : i32 to vector<16xi32>
    %min3A_1874 = arith.minsi %min3A_1873, %max3A_1872 : vector<16xi32>
    %get3A_1875 = arith.constant 672 : index
    %get3A_1876 = tpu.vector_load %arg7[%get3A_1875] {strides = array<i32>} : memref<832xi32, #tpu.memory_space<vmem>>, vector<16xi32>,
    %get3A_1877 = vector.shape_cast %get3A_1876 : vector<16xi32> to vector<16xi32>
    %add3A_1878 = arith.addi %min3A_1874, %get3A_1877 : vector<16xi32>
    %swap3A_1879 = arith.constant 672 : index
    %swap3A_1880 = tpu.vector_load %arg8[%swap3A_1879] {strides = array<i32>} : memref<848xi32, #tpu.memory_space<vmem>>, vector<16xi32>,
    %swap3A_1881 = vector.shape_cast %swap3A_1880 : vector<16xi32> to vector<16xi32>
    %swap3A_1882 = vector.shape_cast %add3A_1878 : vector<16xi32> to vector<16xi32>
    tpu.vector_store %arg8[%swap3A_1879], %swap3A_1882 {strides = array<i32>} : memref<848xi32, #tpu.memory_space<vmem>>, vector<16xi32>,
    %get3A_1883 = arith.constant 688 : index
    %get3A_1884 = tpu.vector_load %arg6[%get3A_1883] {strides = array<i32>} : memref<832xf32, #tpu.memory_space<vmem>>, vector<16xf32>,
    %get3A_1885 = vector.shape_cast %get3A_1884 : vector<16xf32> to vector<16xf32>
    %mul3A_1886 = arith.constant 9.900000e+01 : f32
    %mul3A_1887 = vector.broadcast %mul3A_1886 : f32 to vector<16xf32>
    %mul3A_1888 = arith.mulf %get3A_1885, %mul3A_1887 : vector<16xf32>
    %convert_element_type3A_1889 = arith.fptosi %mul3A_1888 : vector<16xf32> to vector<16xi32>
    %convert_element_type3A_1890 = arith.sitofp %convert_element_type3A_1889 : vector<16xi32> to vector<16xf32>
    %sub3A_1891 = arith.subf %mul3A_1888, %convert_element_type3A_1890 : vector<16xf32>
    %broadcast_in_dim3A_1892 = arith.constant 1 : i32
    %broadcast_in_dim3A_1893 = vector.broadcast %broadcast_in_dim3A_1892 : i32 to vector<16xi32>
    %broadcast_in_dim3A_1894 = arith.constant 0 : i32
    %broadcast_in_dim3A_1895 = vector.broadcast %broadcast_in_dim3A_1894 : i32 to vector<16xi32>
    %gt3A_1896 = arith.constant 5.000000e-01 : f32
    %gt3A_1897 = vector.broadcast %gt3A_1896 : f32 to vector<16xf32>
    %gt3A_1898 = arith.cmpf ogt, %sub3A_1891, %gt3A_1897 : vector<16xf32>
    %select_n3A_1899 = arith.select %gt3A_1898, %broadcast_in_dim3A_1893, %broadcast_in_dim3A_1895 : vector<16xi1>, vector<16xi32>
    %eq3A_1900 = arith.constant 5.000000e-01 : f32
    %eq3A_1901 = vector.broadcast %eq3A_1900 : f32 to vector<16xf32>
    %eq3A_1902 = arith.cmpf oeq, %sub3A_1891, %eq3A_1901 : vector<16xf32>
    %and3A_1903 = arith.constant 1 : i32
    %and3A_1904 = vector.broadcast %and3A_1903 : i32 to vector<16xi32>
    %and3A_1905 = arith.andi %convert_element_type3A_1889, %and3A_1904 : vector<16xi32>
    %eq3A_1906 = arith.constant 1 : i32
    %eq3A_1907 = vector.broadcast %eq3A_1906 : i32 to vector<16xi32>
    %eq3A_1908 = arith.cmpi eq, %and3A_1905, %eq3A_1907 : vector<16xi32>
    %and3A_1909 = arith.andi %eq3A_1902, %eq3A_1908 : vector<16xi1>
    %select_n3A_1910 = arith.select %and3A_1909, %broadcast_in_dim3A_1893, %broadcast_in_dim3A_1895 : vector<16xi1>, vector<16xi32>
    %add3A_1911 = arith.addi %convert_element_type3A_1889, %select_n3A_1899 : vector<16xi32>
    %add3A_1912 = arith.addi %add3A_1911, %select_n3A_1910 : vector<16xi32>
    %jit3A_1913 = arith.constant 0 : i32
    %jit3A_1914 = arith.constant 99 : i32
    %max3A_1915 = vector.broadcast %jit3A_1913 : i32 to vector<16xi32>
    %max3A_1916 = arith.maxsi %max3A_1915, %add3A_1912 : vector<16xi32>
    %min3A_1917 = vector.broadcast %jit3A_1914 : i32 to vector<16xi32>
    %min3A_1918 = arith.minsi %min3A_1917, %max3A_1916 : vector<16xi32>
    %get3A_1919 = arith.constant 688 : index
    %get3A_1920 = tpu.vector_load %arg7[%get3A_1919] {strides = array<i32>} : memref<832xi32, #tpu.memory_space<vmem>>, vector<16xi32>,
    %get3A_1921 = vector.shape_cast %get3A_1920 : vector<16xi32> to vector<16xi32>
    %add3A_1922 = arith.addi %min3A_1918, %get3A_1921 : vector<16xi32>
    %swap3A_1923 = arith.constant 688 : index
    %swap3A_1924 = tpu.vector_load %arg8[%swap3A_1923] {strides = array<i32>} : memref<848xi32, #tpu.memory_space<vmem>>, vector<16xi32>,
    %swap3A_1925 = vector.shape_cast %swap3A_1924 : vector<16xi32> to vector<16xi32>
    %swap3A_1926 = vector.shape_cast %add3A_1922 : vector<16xi32> to vector<16xi32>
    tpu.vector_store %arg8[%swap3A_1923], %swap3A_1926 {strides = array<i32>} : memref<848xi32, #tpu.memory_space<vmem>>, vector<16xi32>,
    %get3A_1927 = arith.constant 704 : index
    %get3A_1928 = tpu.vector_load %arg6[%get3A_1927] {strides = array<i32>} : memref<832xf32, #tpu.memory_space<vmem>>, vector<16xf32>,
    %get3A_1929 = vector.shape_cast %get3A_1928 : vector<16xf32> to vector<16xf32>
    %mul3A_1930 = arith.constant 9.900000e+01 : f32
    %mul3A_1931 = vector.broadcast %mul3A_1930 : f32 to vector<16xf32>
    %mul3A_1932 = arith.mulf %get3A_1929, %mul3A_1931 : vector<16xf32>
    %convert_element_type3A_1933 = arith.fptosi %mul3A_1932 : vector<16xf32> to vector<16xi32>
    %convert_element_type3A_1934 = arith.sitofp %convert_element_type3A_1933 : vector<16xi32> to vector<16xf32>
    %sub3A_1935 = arith.subf %mul3A_1932, %convert_element_type3A_1934 : vector<16xf32>
    %broadcast_in_dim3A_1936 = arith.constant 1 : i32
    %broadcast_in_dim3A_1937 = vector.broadcast %broadcast_in_dim3A_1936 : i32 to vector<16xi32>
    %broadcast_in_dim3A_1938 = arith.constant 0 : i32
    %broadcast_in_dim3A_1939 = vector.broadcast %broadcast_in_dim3A_1938 : i32 to vector<16xi32>
    %gt3A_1940 = arith.constant 5.000000e-01 : f32
    %gt3A_1941 = vector.broadcast %gt3A_1940 : f32 to vector<16xf32>
    %gt3A_1942 = arith.cmpf ogt, %sub3A_1935, %gt3A_1941 : vector<16xf32>
    %select_n3A_1943 = arith.select %gt3A_1942, %broadcast_in_dim3A_1937, %broadcast_in_dim3A_1939 : vector<16xi1>, vector<16xi32>
    %eq3A_1944 = arith.constant 5.000000e-01 : f32
    %eq3A_1945 = vector.broadcast %eq3A_1944 : f32 to vector<16xf32>
    %eq3A_1946 = arith.cmpf oeq, %sub3A_1935, %eq3A_1945 : vector<16xf32>
    %and3A_1947 = arith.constant 1 : i32
    %and3A_1948 = vector.broadcast %and3A_1947 : i32 to vector<16xi32>
    %and3A_1949 = arith.andi %convert_element_type3A_1933, %and3A_1948 : vector<16xi32>
    %eq3A_1950 = arith.constant 1 : i32
    %eq3A_1951 = vector.broadcast %eq3A_1950 : i32 to vector<16xi32>
    %eq3A_1952 = arith.cmpi eq, %and3A_1949, %eq3A_1951 : vector<16xi32>
    %and3A_1953 = arith.andi %eq3A_1946, %eq3A_1952 : vector<16xi1>
    %select_n3A_1954 = arith.select %and3A_1953, %broadcast_in_dim3A_1937, %broadcast_in_dim3A_1939 : vector<16xi1>, vector<16xi32>
    %add3A_1955 = arith.addi %convert_element_type3A_1933, %select_n3A_1943 : vector<16xi32>
    %add3A_1956 = arith.addi %add3A_1955, %select_n3A_1954 : vector<16xi32>
    %jit3A_1957 = arith.constant 0 : i32
    %jit3A_1958 = arith.constant 99 : i32
    %max3A_1959 = vector.broadcast %jit3A_1957 : i32 to vector<16xi32>
    %max3A_1960 = arith.maxsi %max3A_1959, %add3A_1956 : vector<16xi32>
    %min3A_1961 = vector.broadcast %jit3A_1958 : i32 to vector<16xi32>
    %min3A_1962 = arith.minsi %min3A_1961, %max3A_1960 : vector<16xi32>
    %get3A_1963 = arith.constant 704 : index
    %get3A_1964 = tpu.vector_load %arg7[%get3A_1963] {strides = array<i32>} : memref<832xi32, #tpu.memory_space<vmem>>, vector<16xi32>,
    %get3A_1965 = vector.shape_cast %get3A_1964 : vector<16xi32> to vector<16xi32>
    %add3A_1966 = arith.addi %min3A_1962, %get3A_1965 : vector<16xi32>
    %swap3A_1967 = arith.constant 704 : index
    %swap3A_1968 = tpu.vector_load %arg8[%swap3A_1967] {strides = array<i32>} : memref<848xi32, #tpu.memory_space<vmem>>, vector<16xi32>,
    %swap3A_1969 = vector.shape_cast %swap3A_1968 : vector<16xi32> to vector<16xi32>
    %swap3A_1970 = vector.shape_cast %add3A_1966 : vector<16xi32> to vector<16xi32>
    tpu.vector_store %arg8[%swap3A_1967], %swap3A_1970 {strides = array<i32>} : memref<848xi32, #tpu.memory_space<vmem>>, vector<16xi32>,
    %get3A_1971 = arith.constant 720 : index
    %get3A_1972 = tpu.vector_load %arg6[%get3A_1971] {strides = array<i32>} : memref<832xf32, #tpu.memory_space<vmem>>, vector<16xf32>,
    %get3A_1973 = vector.shape_cast %get3A_1972 : vector<16xf32> to vector<16xf32>
    %mul3A_1974 = arith.constant 9.900000e+01 : f32
    %mul3A_1975 = vector.broadcast %mul3A_1974 : f32 to vector<16xf32>
    %mul3A_1976 = arith.mulf %get3A_1973, %mul3A_1975 : vector<16xf32>
    %convert_element_type3A_1977 = arith.fptosi %mul3A_1976 : vector<16xf32> to vector<16xi32>
    %convert_element_type3A_1978 = arith.sitofp %convert_element_type3A_1977 : vector<16xi32> to vector<16xf32>
    %sub3A_1979 = arith.subf %mul3A_1976, %convert_element_type3A_1978 : vector<16xf32>
    %broadcast_in_dim3A_1980 = arith.constant 1 : i32
    %broadcast_in_dim3A_1981 = vector.broadcast %broadcast_in_dim3A_1980 : i32 to vector<16xi32>
    %broadcast_in_dim3A_1982 = arith.constant 0 : i32
    %broadcast_in_dim3A_1983 = vector.broadcast %broadcast_in_dim3A_1982 : i32 to vector<16xi32>
    %gt3A_1984 = arith.constant 5.000000e-01 : f32
    %gt3A_1985 = vector.broadcast %gt3A_1984 : f32 to vector<16xf32>
    %gt3A_1986 = arith.cmpf ogt, %sub3A_1979, %gt3A_1985 : vector<16xf32>
    %select_n3A_1987 = arith.select %gt3A_1986, %broadcast_in_dim3A_1981, %broadcast_in_dim3A_1983 : vector<16xi1>, vector<16xi32>
    %eq3A_1988 = arith.constant 5.000000e-01 : f32
    %eq3A_1989 = vector.broadcast %eq3A_1988 : f32 to vector<16xf32>
    %eq3A_1990 = arith.cmpf oeq, %sub3A_1979, %eq3A_1989 : vector<16xf32>
    %and3A_1991 = arith.constant 1 : i32
    %and3A_1992 = vector.broadcast %and3A_1991 : i32 to vector<16xi32>
    %and3A_1993 = arith.andi %convert_element_type3A_1977, %and3A_1992 : vector<16xi32>
    %eq3A_1994 = arith.constant 1 : i32
    %eq3A_1995 = vector.broadcast %eq3A_1994 : i32 to vector<16xi32>
    %eq3A_1996 = arith.cmpi eq, %and3A_1993, %eq3A_1995 : vector<16xi32>
    %and3A_1997 = arith.andi %eq3A_1990, %eq3A_1996 : vector<16xi1>
    %select_n3A_1998 = arith.select %and3A_1997, %broadcast_in_dim3A_1981, %broadcast_in_dim3A_1983 : vector<16xi1>, vector<16xi32>
    %add3A_1999 = arith.addi %convert_element_type3A_1977, %select_n3A_1987 : vector<16xi32>
    %add3A_2000 = arith.addi %add3A_1999, %select_n3A_1998 : vector<16xi32>
    %jit3A_2001 = arith.constant 0 : i32
    %jit3A_2002 = arith.constant 99 : i32
    %max3A_2003 = vector.broadcast %jit3A_2001 : i32 to vector<16xi32>
    %max3A_2004 = arith.maxsi %max3A_2003, %add3A_2000 : vector<16xi32>
    %min3A_2005 = vector.broadcast %jit3A_2002 : i32 to vector<16xi32>
    %min3A_2006 = arith.minsi %min3A_2005, %max3A_2004 : vector<16xi32>
    %get3A_2007 = arith.constant 720 : index
    %get3A_2008 = tpu.vector_load %arg7[%get3A_2007] {strides = array<i32>} : memref<832xi32, #tpu.memory_space<vmem>>, vector<16xi32>,
    %get3A_2009 = vector.shape_cast %get3A_2008 : vector<16xi32> to vector<16xi32>
    %add3A_2010 = arith.addi %min3A_2006, %get3A_2009 : vector<16xi32>
    %swap3A_2011 = arith.constant 720 : index
    %swap3A_2012 = tpu.vector_load %arg8[%swap3A_2011] {strides = array<i32>} : memref<848xi32, #tpu.memory_space<vmem>>, vector<16xi32>,
    %swap3A_2013 = vector.shape_cast %swap3A_2012 : vector<16xi32> to vector<16xi32>
    %swap3A_2014 = vector.shape_cast %add3A_2010 : vector<16xi32> to vector<16xi32>
    tpu.vector_store %arg8[%swap3A_2011], %swap3A_2014 {strides = array<i32>} : memref<848xi32, #tpu.memory_space<vmem>>, vector<16xi32>,
    %get3A_2015 = arith.constant 736 : index
    %get3A_2016 = tpu.vector_load %arg6[%get3A_2015] {strides = array<i32>} : memref<832xf32, #tpu.memory_space<vmem>>, vector<16xf32>,
    %get3A_2017 = vector.shape_cast %get3A_2016 : vector<16xf32> to vector<16xf32>
    %mul3A_2018 = arith.constant 9.900000e+01 : f32
    %mul3A_2019 = vector.broadcast %mul3A_2018 : f32 to vector<16xf32>
    %mul3A_2020 = arith.mulf %get3A_2017, %mul3A_2019 : vector<16xf32>
    %convert_element_type3A_2021 = arith.fptosi %mul3A_2020 : vector<16xf32> to vector<16xi32>
    %convert_element_type3A_2022 = arith.sitofp %convert_element_type3A_2021 : vector<16xi32> to vector<16xf32>
    %sub3A_2023 = arith.subf %mul3A_2020, %convert_element_type3A_2022 : vector<16xf32>
    %broadcast_in_dim3A_2024 = arith.constant 1 : i32
    %broadcast_in_dim3A_2025 = vector.broadcast %broadcast_in_dim3A_2024 : i32 to vector<16xi32>
    %broadcast_in_dim3A_2026 = arith.constant 0 : i32
    %broadcast_in_dim3A_2027 = vector.broadcast %broadcast_in_dim3A_2026 : i32 to vector<16xi32>
    %gt3A_2028 = arith.constant 5.000000e-01 : f32
    %gt3A_2029 = vector.broadcast %gt3A_2028 : f32 to vector<16xf32>
    %gt3A_2030 = arith.cmpf ogt, %sub3A_2023, %gt3A_2029 : vector<16xf32>
    %select_n3A_2031 = arith.select %gt3A_2030, %broadcast_in_dim3A_2025, %broadcast_in_dim3A_2027 : vector<16xi1>, vector<16xi32>
    %eq3A_2032 = arith.constant 5.000000e-01 : f32
    %eq3A_2033 = vector.broadcast %eq3A_2032 : f32 to vector<16xf32>
    %eq3A_2034 = arith.cmpf oeq, %sub3A_2023, %eq3A_2033 : vector<16xf32>
    %and3A_2035 = arith.constant 1 : i32
    %and3A_2036 = vector.broadcast %and3A_2035 : i32 to vector<16xi32>
    %and3A_2037 = arith.andi %convert_element_type3A_2021, %and3A_2036 : vector<16xi32>
    %eq3A_2038 = arith.constant 1 : i32
    %eq3A_2039 = vector.broadcast %eq3A_2038 : i32 to vector<16xi32>
    %eq3A_2040 = arith.cmpi eq, %and3A_2037, %eq3A_2039 : vector<16xi32>
    %and3A_2041 = arith.andi %eq3A_2034, %eq3A_2040 : vector<16xi1>
    %select_n3A_2042 = arith.select %and3A_2041, %broadcast_in_dim3A_2025, %broadcast_in_dim3A_2027 : vector<16xi1>, vector<16xi32>
    %add3A_2043 = arith.addi %convert_element_type3A_2021, %select_n3A_2031 : vector<16xi32>
    %add3A_2044 = arith.addi %add3A_2043, %select_n3A_2042 : vector<16xi32>
    %jit3A_2045 = arith.constant 0 : i32
    %jit3A_2046 = arith.constant 99 : i32
    %max3A_2047 = vector.broadcast %jit3A_2045 : i32 to vector<16xi32>
    %max3A_2048 = arith.maxsi %max3A_2047, %add3A_2044 : vector<16xi32>
    %min3A_2049 = vector.broadcast %jit3A_2046 : i32 to vector<16xi32>
    %min3A_2050 = arith.minsi %min3A_2049, %max3A_2048 : vector<16xi32>
    %get3A_2051 = arith.constant 736 : index
    %get3A_2052 = tpu.vector_load %arg7[%get3A_2051] {strides = array<i32>} : memref<832xi32, #tpu.memory_space<vmem>>, vector<16xi32>,
    %get3A_2053 = vector.shape_cast %get3A_2052 : vector<16xi32> to vector<16xi32>
    %add3A_2054 = arith.addi %min3A_2050, %get3A_2053 : vector<16xi32>
    %swap3A_2055 = arith.constant 736 : index
    %swap3A_2056 = tpu.vector_load %arg8[%swap3A_2055] {strides = array<i32>} : memref<848xi32, #tpu.memory_space<vmem>>, vector<16xi32>,
    %swap3A_2057 = vector.shape_cast %swap3A_2056 : vector<16xi32> to vector<16xi32>
    %swap3A_2058 = vector.shape_cast %add3A_2054 : vector<16xi32> to vector<16xi32>
    tpu.vector_store %arg8[%swap3A_2055], %swap3A_2058 {strides = array<i32>} : memref<848xi32, #tpu.memory_space<vmem>>, vector<16xi32>,
    %get3A_2059 = arith.constant 752 : index
    %get3A_2060 = tpu.vector_load %arg6[%get3A_2059] {strides = array<i32>} : memref<832xf32, #tpu.memory_space<vmem>>, vector<16xf32>,
    %get3A_2061 = vector.shape_cast %get3A_2060 : vector<16xf32> to vector<16xf32>
    %mul3A_2062 = arith.constant 9.900000e+01 : f32
    %mul3A_2063 = vector.broadcast %mul3A_2062 : f32 to vector<16xf32>
    %mul3A_2064 = arith.mulf %get3A_2061, %mul3A_2063 : vector<16xf32>
    %convert_element_type3A_2065 = arith.fptosi %mul3A_2064 : vector<16xf32> to vector<16xi32>
    %convert_element_type3A_2066 = arith.sitofp %convert_element_type3A_2065 : vector<16xi32> to vector<16xf32>
    %sub3A_2067 = arith.subf %mul3A_2064, %convert_element_type3A_2066 : vector<16xf32>
    %broadcast_in_dim3A_2068 = arith.constant 1 : i32
    %broadcast_in_dim3A_2069 = vector.broadcast %broadcast_in_dim3A_2068 : i32 to vector<16xi32>
    %broadcast_in_dim3A_2070 = arith.constant 0 : i32
    %broadcast_in_dim3A_2071 = vector.broadcast %broadcast_in_dim3A_2070 : i32 to vector<16xi32>
    %gt3A_2072 = arith.constant 5.000000e-01 : f32
    %gt3A_2073 = vector.broadcast %gt3A_2072 : f32 to vector<16xf32>
    %gt3A_2074 = arith.cmpf ogt, %sub3A_2067, %gt3A_2073 : vector<16xf32>
    %select_n3A_2075 = arith.select %gt3A_2074, %broadcast_in_dim3A_2069, %broadcast_in_dim3A_2071 : vector<16xi1>, vector<16xi32>
    %eq3A_2076 = arith.constant 5.000000e-01 : f32
    %eq3A_2077 = vector.broadcast %eq3A_2076 : f32 to vector<16xf32>
    %eq3A_2078 = arith.cmpf oeq, %sub3A_2067, %eq3A_2077 : vector<16xf32>
    %and3A_2079 = arith.constant 1 : i32
    %and3A_2080 = vector.broadcast %and3A_2079 : i32 to vector<16xi32>
    %and3A_2081 = arith.andi %convert_element_type3A_2065, %and3A_2080 : vector<16xi32>
    %eq3A_2082 = arith.constant 1 : i32
    %eq3A_2083 = vector.broadcast %eq3A_2082 : i32 to vector<16xi32>
    %eq3A_2084 = arith.cmpi eq, %and3A_2081, %eq3A_2083 : vector<16xi32>
    %and3A_2085 = arith.andi %eq3A_2078, %eq3A_2084 : vector<16xi1>
    %select_n3A_2086 = arith.select %and3A_2085, %broadcast_in_dim3A_2069, %broadcast_in_dim3A_2071 : vector<16xi1>, vector<16xi32>
    %add3A_2087 = arith.addi %convert_element_type3A_2065, %select_n3A_2075 : vector<16xi32>
    %add3A_2088 = arith.addi %add3A_2087, %select_n3A_2086 : vector<16xi32>
    %jit3A_2089 = arith.constant 0 : i32
    %jit3A_2090 = arith.constant 99 : i32
    %max3A_2091 = vector.broadcast %jit3A_2089 : i32 to vector<16xi32>
    %max3A_2092 = arith.maxsi %max3A_2091, %add3A_2088 : vector<16xi32>
    %min3A_2093 = vector.broadcast %jit3A_2090 : i32 to vector<16xi32>
    %min3A_2094 = arith.minsi %min3A_2093, %max3A_2092 : vector<16xi32>
    %get3A_2095 = arith.constant 752 : index
    %get3A_2096 = tpu.vector_load %arg7[%get3A_2095] {strides = array<i32>} : memref<832xi32, #tpu.memory_space<vmem>>, vector<16xi32>,
    %get3A_2097 = vector.shape_cast %get3A_2096 : vector<16xi32> to vector<16xi32>
    %add3A_2098 = arith.addi %min3A_2094, %get3A_2097 : vector<16xi32>
    %swap3A_2099 = arith.constant 752 : index
    %swap3A_2100 = tpu.vector_load %arg8[%swap3A_2099] {strides = array<i32>} : memref<848xi32, #tpu.memory_space<vmem>>, vector<16xi32>,
    %swap3A_2101 = vector.shape_cast %swap3A_2100 : vector<16xi32> to vector<16xi32>
    %swap3A_2102 = vector.shape_cast %add3A_2098 : vector<16xi32> to vector<16xi32>
    tpu.vector_store %arg8[%swap3A_2099], %swap3A_2102 {strides = array<i32>} : memref<848xi32, #tpu.memory_space<vmem>>, vector<16xi32>,
    %get3A_2103 = arith.constant 768 : index
    %get3A_2104 = tpu.vector_load %arg6[%get3A_2103] {strides = array<i32>} : memref<832xf32, #tpu.memory_space<vmem>>, vector<16xf32>,
    %get3A_2105 = vector.shape_cast %get3A_2104 : vector<16xf32> to vector<16xf32>
    %mul3A_2106 = arith.constant 9.900000e+01 : f32
    %mul3A_2107 = vector.broadcast %mul3A_2106 : f32 to vector<16xf32>
    %mul3A_2108 = arith.mulf %get3A_2105, %mul3A_2107 : vector<16xf32>
    %convert_element_type3A_2109 = arith.fptosi %mul3A_2108 : vector<16xf32> to vector<16xi32>
    %convert_element_type3A_2110 = arith.sitofp %convert_element_type3A_2109 : vector<16xi32> to vector<16xf32>
    %sub3A_2111 = arith.subf %mul3A_2108, %convert_element_type3A_2110 : vector<16xf32>
    %broadcast_in_dim3A_2112 = arith.constant 1 : i32
    %broadcast_in_dim3A_2113 = vector.broadcast %broadcast_in_dim3A_2112 : i32 to vector<16xi32>
    %broadcast_in_dim3A_2114 = arith.constant 0 : i32
    %broadcast_in_dim3A_2115 = vector.broadcast %broadcast_in_dim3A_2114 : i32 to vector<16xi32>
    %gt3A_2116 = arith.constant 5.000000e-01 : f32
    %gt3A_2117 = vector.broadcast %gt3A_2116 : f32 to vector<16xf32>
    %gt3A_2118 = arith.cmpf ogt, %sub3A_2111, %gt3A_2117 : vector<16xf32>
    %select_n3A_2119 = arith.select %gt3A_2118, %broadcast_in_dim3A_2113, %broadcast_in_dim3A_2115 : vector<16xi1>, vector<16xi32>
    %eq3A_2120 = arith.constant 5.000000e-01 : f32
    %eq3A_2121 = vector.broadcast %eq3A_2120 : f32 to vector<16xf32>
    %eq3A_2122 = arith.cmpf oeq, %sub3A_2111, %eq3A_2121 : vector<16xf32>
    %and3A_2123 = arith.constant 1 : i32
    %and3A_2124 = vector.broadcast %and3A_2123 : i32 to vector<16xi32>
    %and3A_2125 = arith.andi %convert_element_type3A_2109, %and3A_2124 : vector<16xi32>
    %eq3A_2126 = arith.constant 1 : i32
    %eq3A_2127 = vector.broadcast %eq3A_2126 : i32 to vector<16xi32>
    %eq3A_2128 = arith.cmpi eq, %and3A_2125, %eq3A_2127 : vector<16xi32>
    %and3A_2129 = arith.andi %eq3A_2122, %eq3A_2128 : vector<16xi1>
    %select_n3A_2130 = arith.select %and3A_2129, %broadcast_in_dim3A_2113, %broadcast_in_dim3A_2115 : vector<16xi1>, vector<16xi32>
    %add3A_2131 = arith.addi %convert_element_type3A_2109, %select_n3A_2119 : vector<16xi32>
    %add3A_2132 = arith.addi %add3A_2131, %select_n3A_2130 : vector<16xi32>
    %jit3A_2133 = arith.constant 0 : i32
    %jit3A_2134 = arith.constant 99 : i32
    %max3A_2135 = vector.broadcast %jit3A_2133 : i32 to vector<16xi32>
    %max3A_2136 = arith.maxsi %max3A_2135, %add3A_2132 : vector<16xi32>
    %min3A_2137 = vector.broadcast %jit3A_2134 : i32 to vector<16xi32>
    %min3A_2138 = arith.minsi %min3A_2137, %max3A_2136 : vector<16xi32>
    %get3A_2139 = arith.constant 768 : index
    %get3A_2140 = tpu.vector_load %arg7[%get3A_2139] {strides = array<i32>} : memref<832xi32, #tpu.memory_space<vmem>>, vector<16xi32>,
    %get3A_2141 = vector.shape_cast %get3A_2140 : vector<16xi32> to vector<16xi32>
    %add3A_2142 = arith.addi %min3A_2138, %get3A_2141 : vector<16xi32>
    %swap3A_2143 = arith.constant 768 : index
    %swap3A_2144 = tpu.vector_load %arg8[%swap3A_2143] {strides = array<i32>} : memref<848xi32, #tpu.memory_space<vmem>>, vector<16xi32>,
    %swap3A_2145 = vector.shape_cast %swap3A_2144 : vector<16xi32> to vector<16xi32>
    %swap3A_2146 = vector.shape_cast %add3A_2142 : vector<16xi32> to vector<16xi32>
    tpu.vector_store %arg8[%swap3A_2143], %swap3A_2146 {strides = array<i32>} : memref<848xi32, #tpu.memory_space<vmem>>, vector<16xi32>,
    %get3A_2147 = arith.constant 784 : index
    %get3A_2148 = tpu.vector_load %arg6[%get3A_2147] {strides = array<i32>} : memref<832xf32, #tpu.memory_space<vmem>>, vector<16xf32>,
    %get3A_2149 = vector.shape_cast %get3A_2148 : vector<16xf32> to vector<16xf32>
    %mul3A_2150 = arith.constant 9.900000e+01 : f32
    %mul3A_2151 = vector.broadcast %mul3A_2150 : f32 to vector<16xf32>
    %mul3A_2152 = arith.mulf %get3A_2149, %mul3A_2151 : vector<16xf32>
    %convert_element_type3A_2153 = arith.fptosi %mul3A_2152 : vector<16xf32> to vector<16xi32>
    %convert_element_type3A_2154 = arith.sitofp %convert_element_type3A_2153 : vector<16xi32> to vector<16xf32>
    %sub3A_2155 = arith.subf %mul3A_2152, %convert_element_type3A_2154 : vector<16xf32>
    %broadcast_in_dim3A_2156 = arith.constant 1 : i32
    %broadcast_in_dim3A_2157 = vector.broadcast %broadcast_in_dim3A_2156 : i32 to vector<16xi32>
    %broadcast_in_dim3A_2158 = arith.constant 0 : i32
    %broadcast_in_dim3A_2159 = vector.broadcast %broadcast_in_dim3A_2158 : i32 to vector<16xi32>
    %gt3A_2160 = arith.constant 5.000000e-01 : f32
    %gt3A_2161 = vector.broadcast %gt3A_2160 : f32 to vector<16xf32>
    %gt3A_2162 = arith.cmpf ogt, %sub3A_2155, %gt3A_2161 : vector<16xf32>
    %select_n3A_2163 = arith.select %gt3A_2162, %broadcast_in_dim3A_2157, %broadcast_in_dim3A_2159 : vector<16xi1>, vector<16xi32>
    %eq3A_2164 = arith.constant 5.000000e-01 : f32
    %eq3A_2165 = vector.broadcast %eq3A_2164 : f32 to vector<16xf32>
    %eq3A_2166 = arith.cmpf oeq, %sub3A_2155, %eq3A_2165 : vector<16xf32>
    %and3A_2167 = arith.constant 1 : i32
    %and3A_2168 = vector.broadcast %and3A_2167 : i32 to vector<16xi32>
    %and3A_2169 = arith.andi %convert_element_type3A_2153, %and3A_2168 : vector<16xi32>
    %eq3A_2170 = arith.constant 1 : i32
    %eq3A_2171 = vector.broadcast %eq3A_2170 : i32 to vector<16xi32>
    %eq3A_2172 = arith.cmpi eq, %and3A_2169, %eq3A_2171 : vector<16xi32>
    %and3A_2173 = arith.andi %eq3A_2166, %eq3A_2172 : vector<16xi1>
    %select_n3A_2174 = arith.select %and3A_2173, %broadcast_in_dim3A_2157, %broadcast_in_dim3A_2159 : vector<16xi1>, vector<16xi32>
    %add3A_2175 = arith.addi %convert_element_type3A_2153, %select_n3A_2163 : vector<16xi32>
    %add3A_2176 = arith.addi %add3A_2175, %select_n3A_2174 : vector<16xi32>
    %jit3A_2177 = arith.constant 0 : i32
    %jit3A_2178 = arith.constant 99 : i32
    %max3A_2179 = vector.broadcast %jit3A_2177 : i32 to vector<16xi32>
    %max3A_2180 = arith.maxsi %max3A_2179, %add3A_2176 : vector<16xi32>
    %min3A_2181 = vector.broadcast %jit3A_2178 : i32 to vector<16xi32>
    %min3A_2182 = arith.minsi %min3A_2181, %max3A_2180 : vector<16xi32>
    %get3A_2183 = arith.constant 784 : index
    %get3A_2184 = tpu.vector_load %arg7[%get3A_2183] {strides = array<i32>} : memref<832xi32, #tpu.memory_space<vmem>>, vector<16xi32>,
    %get3A_2185 = vector.shape_cast %get3A_2184 : vector<16xi32> to vector<16xi32>
    %add3A_2186 = arith.addi %min3A_2182, %get3A_2185 : vector<16xi32>
    %swap3A_2187 = arith.constant 784 : index
    %swap3A_2188 = tpu.vector_load %arg8[%swap3A_2187] {strides = array<i32>} : memref<848xi32, #tpu.memory_space<vmem>>, vector<16xi32>,
    %swap3A_2189 = vector.shape_cast %swap3A_2188 : vector<16xi32> to vector<16xi32>
    %swap3A_2190 = vector.shape_cast %add3A_2186 : vector<16xi32> to vector<16xi32>
    tpu.vector_store %arg8[%swap3A_2187], %swap3A_2190 {strides = array<i32>} : memref<848xi32, #tpu.memory_space<vmem>>, vector<16xi32>,
    %get3A_2191 = arith.constant 800 : index
    %get3A_2192 = tpu.vector_load %arg6[%get3A_2191] {strides = array<i32>} : memref<832xf32, #tpu.memory_space<vmem>>, vector<16xf32>,
    %get3A_2193 = vector.shape_cast %get3A_2192 : vector<16xf32> to vector<16xf32>
    %mul3A_2194 = arith.constant 9.900000e+01 : f32
    %mul3A_2195 = vector.broadcast %mul3A_2194 : f32 to vector<16xf32>
    %mul3A_2196 = arith.mulf %get3A_2193, %mul3A_2195 : vector<16xf32>
    %convert_element_type3A_2197 = arith.fptosi %mul3A_2196 : vector<16xf32> to vector<16xi32>
    %convert_element_type3A_2198 = arith.sitofp %convert_element_type3A_2197 : vector<16xi32> to vector<16xf32>
    %sub3A_2199 = arith.subf %mul3A_2196, %convert_element_type3A_2198 : vector<16xf32>
    %broadcast_in_dim3A_2200 = arith.constant 1 : i32
    %broadcast_in_dim3A_2201 = vector.broadcast %broadcast_in_dim3A_2200 : i32 to vector<16xi32>
    %broadcast_in_dim3A_2202 = arith.constant 0 : i32
    %broadcast_in_dim3A_2203 = vector.broadcast %broadcast_in_dim3A_2202 : i32 to vector<16xi32>
    %gt3A_2204 = arith.constant 5.000000e-01 : f32
    %gt3A_2205 = vector.broadcast %gt3A_2204 : f32 to vector<16xf32>
    %gt3A_2206 = arith.cmpf ogt, %sub3A_2199, %gt3A_2205 : vector<16xf32>
    %select_n3A_2207 = arith.select %gt3A_2206, %broadcast_in_dim3A_2201, %broadcast_in_dim3A_2203 : vector<16xi1>, vector<16xi32>
    %eq3A_2208 = arith.constant 5.000000e-01 : f32
    %eq3A_2209 = vector.broadcast %eq3A_2208 : f32 to vector<16xf32>
    %eq3A_2210 = arith.cmpf oeq, %sub3A_2199, %eq3A_2209 : vector<16xf32>
    %and3A_2211 = arith.constant 1 : i32
    %and3A_2212 = vector.broadcast %and3A_2211 : i32 to vector<16xi32>
    %and3A_2213 = arith.andi %convert_element_type3A_2197, %and3A_2212 : vector<16xi32>
    %eq3A_2214 = arith.constant 1 : i32
    %eq3A_2215 = vector.broadcast %eq3A_2214 : i32 to vector<16xi32>
    %eq3A_2216 = arith.cmpi eq, %and3A_2213, %eq3A_2215 : vector<16xi32>
    %and3A_2217 = arith.andi %eq3A_2210, %eq3A_2216 : vector<16xi1>
    %select_n3A_2218 = arith.select %and3A_2217, %broadcast_in_dim3A_2201, %broadcast_in_dim3A_2203 : vector<16xi1>, vector<16xi32>
    %add3A_2219 = arith.addi %convert_element_type3A_2197, %select_n3A_2207 : vector<16xi32>
    %add3A_2220 = arith.addi %add3A_2219, %select_n3A_2218 : vector<16xi32>
    %jit3A_2221 = arith.constant 0 : i32
    %jit3A_2222 = arith.constant 99 : i32
    %max3A_2223 = vector.broadcast %jit3A_2221 : i32 to vector<16xi32>
    %max3A_2224 = arith.maxsi %max3A_2223, %add3A_2220 : vector<16xi32>
    %min3A_2225 = vector.broadcast %jit3A_2222 : i32 to vector<16xi32>
    %min3A_2226 = arith.minsi %min3A_2225, %max3A_2224 : vector<16xi32>
    %get3A_2227 = arith.constant 800 : index
    %get3A_2228 = tpu.vector_load %arg7[%get3A_2227] {strides = array<i32>} : memref<832xi32, #tpu.memory_space<vmem>>, vector<16xi32>,
    %get3A_2229 = vector.shape_cast %get3A_2228 : vector<16xi32> to vector<16xi32>
    %add3A_2230 = arith.addi %min3A_2226, %get3A_2229 : vector<16xi32>
    %swap3A_2231 = arith.constant 800 : index
    %swap3A_2232 = tpu.vector_load %arg8[%swap3A_2231] {strides = array<i32>} : memref<848xi32, #tpu.memory_space<vmem>>, vector<16xi32>,
    %swap3A_2233 = vector.shape_cast %swap3A_2232 : vector<16xi32> to vector<16xi32>
    %swap3A_2234 = vector.shape_cast %add3A_2230 : vector<16xi32> to vector<16xi32>
    tpu.vector_store %arg8[%swap3A_2231], %swap3A_2234 {strides = array<i32>} : memref<848xi32, #tpu.memory_space<vmem>>, vector<16xi32>,
    %get3A_2235 = arith.constant 816 : index
    %get3A_2236 = tpu.vector_load %arg6[%get3A_2235] {strides = array<i32>} : memref<832xf32, #tpu.memory_space<vmem>>, vector<16xf32>,
    %get3A_2237 = vector.shape_cast %get3A_2236 : vector<16xf32> to vector<16xf32>
    %mul3A_2238 = arith.constant 9.900000e+01 : f32
    %mul3A_2239 = vector.broadcast %mul3A_2238 : f32 to vector<16xf32>
    %mul3A_2240 = arith.mulf %get3A_2237, %mul3A_2239 : vector<16xf32>
    %convert_element_type3A_2241 = arith.fptosi %mul3A_2240 : vector<16xf32> to vector<16xi32>
    %convert_element_type3A_2242 = arith.sitofp %convert_element_type3A_2241 : vector<16xi32> to vector<16xf32>
    %sub3A_2243 = arith.subf %mul3A_2240, %convert_element_type3A_2242 : vector<16xf32>
    %broadcast_in_dim3A_2244 = arith.constant 1 : i32
    %broadcast_in_dim3A_2245 = vector.broadcast %broadcast_in_dim3A_2244 : i32 to vector<16xi32>
    %broadcast_in_dim3A_2246 = arith.constant 0 : i32
    %broadcast_in_dim3A_2247 = vector.broadcast %broadcast_in_dim3A_2246 : i32 to vector<16xi32>
    %gt3A_2248 = arith.constant 5.000000e-01 : f32
    %gt3A_2249 = vector.broadcast %gt3A_2248 : f32 to vector<16xf32>
    %gt3A_2250 = arith.cmpf ogt, %sub3A_2243, %gt3A_2249 : vector<16xf32>
    %select_n3A_2251 = arith.select %gt3A_2250, %broadcast_in_dim3A_2245, %broadcast_in_dim3A_2247 : vector<16xi1>, vector<16xi32>
    %eq3A_2252 = arith.constant 5.000000e-01 : f32
    %eq3A_2253 = vector.broadcast %eq3A_2252 : f32 to vector<16xf32>
    %eq3A_2254 = arith.cmpf oeq, %sub3A_2243, %eq3A_2253 : vector<16xf32>
    %and3A_2255 = arith.constant 1 : i32
    %and3A_2256 = vector.broadcast %and3A_2255 : i32 to vector<16xi32>
    %and3A_2257 = arith.andi %convert_element_type3A_2241, %and3A_2256 : vector<16xi32>
    %eq3A_2258 = arith.constant 1 : i32
    %eq3A_2259 = vector.broadcast %eq3A_2258 : i32 to vector<16xi32>
    %eq3A_2260 = arith.cmpi eq, %and3A_2257, %eq3A_2259 : vector<16xi32>
    %and3A_2261 = arith.andi %eq3A_2254, %eq3A_2260 : vector<16xi1>
    %select_n3A_2262 = arith.select %and3A_2261, %broadcast_in_dim3A_2245, %broadcast_in_dim3A_2247 : vector<16xi1>, vector<16xi32>
    %add3A_2263 = arith.addi %convert_element_type3A_2241, %select_n3A_2251 : vector<16xi32>
    %add3A_2264 = arith.addi %add3A_2263, %select_n3A_2262 : vector<16xi32>
    %jit3A_2265 = arith.constant 0 : i32
    %jit3A_2266 = arith.constant 99 : i32
    %max3A_2267 = vector.broadcast %jit3A_2265 : i32 to vector<16xi32>
    %max3A_2268 = arith.maxsi %max3A_2267, %add3A_2264 : vector<16xi32>
    %min3A_2269 = vector.broadcast %jit3A_2266 : i32 to vector<16xi32>
    %min3A_2270 = arith.minsi %min3A_2269, %max3A_2268 : vector<16xi32>
    %get3A_2271 = arith.constant 816 : index
    %get3A_2272 = tpu.vector_load %arg7[%get3A_2271] {strides = array<i32>} : memref<832xi32, #tpu.memory_space<vmem>>, vector<16xi32>,
    %get3A_2273 = vector.shape_cast %get3A_2272 : vector<16xi32> to vector<16xi32>
    %add3A_2274 = arith.addi %min3A_2270, %get3A_2273 : vector<16xi32>
    %swap3A_2275 = arith.constant 816 : index
    %swap3A_2276 = tpu.vector_load %arg8[%swap3A_2275] {strides = array<i32>} : memref<848xi32, #tpu.memory_space<vmem>>, vector<16xi32>,
    %swap3A_2277 = vector.shape_cast %swap3A_2276 : vector<16xi32> to vector<16xi32>
    %swap3A_2278 = vector.shape_cast %add3A_2274 : vector<16xi32> to vector<16xi32>
    tpu.vector_store %arg8[%swap3A_2275], %swap3A_2278 {strides = array<i32>} : memref<848xi32, #tpu.memory_space<vmem>>, vector<16xi32>,
    %iota3A = tpu.iota {dimensions = array<i32: 0>} : vector<16xi32>
    %scan3A = arith.constant 0 : i32
    %scan3A_2279 = arith.constant 0 : i32
    %scan3A_2280 = arith.constant 32 : i32
    %scan3A_2281 = arith.addi %scan3A_2279, %scan3A_2280 : i32
    %scan3A_2282 = arith.constant 1 : i32
    scf.for %scan3A_2284 = %scan3A_2279 to %scan3A_2281 step %scan3A_2282  : i32 {
      %mul3A_2285 = arith.constant 26 : i32
      %mul3A_2286 = arith.muli %scan3A_2284, %mul3A_2285 : i32
      %get3A_2287 = arith.index_cast %mul3A_2286 : i32 to index
      %get3A_2288 = tpu.vector_load %arg8[%get3A_2287] {strides = array<i32>} : memref<848xi32, #tpu.memory_space<vmem>>, vector<16xi32>,
      %get3A_2289 = vector.shape_cast %get3A_2288 : vector<16xi32> to vector<16xi32>
      %mul3A_2290 = arith.constant 26 : i32
      %mul3A_2291 = arith.muli %scan3A_2284, %mul3A_2290 : i32
      %add3A_2292 = arith.constant 16 : i32
      %add3A_2293 = arith.addi %mul3A_2291, %add3A_2292 : i32
      %get3A_2294 = arith.index_cast %add3A_2293 : i32 to index
      %get3A_2295 = tpu.vector_load %arg8[%get3A_2294] {strides = array<i32>} : memref<848xi32, #tpu.memory_space<vmem>>, vector<16xi32>,
      %get3A_2296 = vector.shape_cast %get3A_2295 : vector<16xi32> to vector<16xi32>
      %lt3A = arith.constant 10 : i32
      %lt3A_2297 = vector.broadcast %lt3A : i32 to vector<16xi32>
      %lt3A_2298 = arith.cmpi slt, %iota3A, %lt3A_2297 : vector<16xi32>
      %jit3A_2299 = arith.constant 103 : i32
      %broadcast_in_dim3A_2300 = vector.broadcast %jit3A_2299 : i32 to vector<16xi32>
      %select_n3A_2301 = arith.select %lt3A_2298, %get3A_2296, %broadcast_in_dim3A_2300 : vector<16xi1>, vector<16xi32>
      %dma_start3A = arith.constant 0 : i32
      %dma_start3A_2302 = arith.constant 0 : i32
      %dma_start3A_2303 = tpu.memref_slice %arg2[%dma_start3A, %dma_start3A_2302] : memref<2704x2048xf32, #tpu.memory_space<hbm>> -> memref<2704x2048xf32, #tpu.memory_space<hbm>>
      tpu.enqueue_indirect_dma source(%dma_start3A_2303 : memref<2704x2048xf32, #tpu.memory_space<hbm>>) target(%arg9 : memref<16x2048xf32, #tpu.memory_space<vmem>>) offsets(%get3A_2289 : vector<16xi32>) semaphore(%arg12 : memref<!tpu.dma_semaphore, #tpu.memory_space<semaphore_mem>>)
      %dma_wait3A = arith.constant 0 : i32
      %dma_wait3A_2304 = arith.constant 0 : i32
      %dma_wait3A_2305 = tpu.memref_slice %arg2[%dma_wait3A, %dma_wait3A_2304] : memref<2704x2048xf32, #tpu.memory_space<hbm>> -> memref<2704x2048xf32, #tpu.memory_space<hbm>>
      tpu.wait_indirect_dma semaphore(%arg12 : memref<!tpu.dma_semaphore, #tpu.memory_space<semaphore_mem>>) src(%dma_wait3A_2305 : memref<2704x2048xf32, #tpu.memory_space<hbm>>) dst(%arg9 : memref<16x2048xf32, #tpu.memory_space<vmem>>)
      %dma_start3A_2306 = arith.constant 0 : i32
      %dma_start3A_2307 = arith.constant 0 : i32
      %dma_start3A_2308 = tpu.memref_slice %arg2[%dma_start3A_2306, %dma_start3A_2307] : memref<2704x2048xf32, #tpu.memory_space<hbm>> -> memref<2704x2048xf32, #tpu.memory_space<hbm>>
      tpu.enqueue_indirect_dma source(%dma_start3A_2308 : memref<2704x2048xf32, #tpu.memory_space<hbm>>) target(%arg10 : memref<16x2048xf32, #tpu.memory_space<vmem>>) offsets(%select_n3A_2301 : vector<16xi32>) semaphore(%arg12 : memref<!tpu.dma_semaphore, #tpu.memory_space<semaphore_mem>>)
      %dma_wait3A_2309 = arith.constant 0 : i32
      %dma_wait3A_2310 = arith.constant 0 : i32
      %dma_wait3A_2311 = tpu.memref_slice %arg2[%dma_wait3A_2309, %dma_wait3A_2310] : memref<2704x2048xf32, #tpu.memory_space<hbm>> -> memref<2704x2048xf32, #tpu.memory_space<hbm>>
      tpu.wait_indirect_dma semaphore(%arg12 : memref<!tpu.dma_semaphore, #tpu.memory_space<semaphore_mem>>) src(%dma_wait3A_2311 : memref<2704x2048xf32, #tpu.memory_space<hbm>>) dst(%arg10 : memref<16x2048xf32, #tpu.memory_space<vmem>>)
      %scan3A_2312 = arith.constant 0 : i32
      %scan3A_2313 = arith.constant 0 : i32
      %scan3A_2314 = arith.constant 128 : i32
      %scan3A_2315 = arith.addi %scan3A_2313, %scan3A_2314 : i32
      %scan3A_2316 = arith.constant 1 : i32
      scf.for %scan3A_2321 = %scan3A_2313 to %scan3A_2315 step %scan3A_2316  : i32 {
        %mul3A_2322 = arith.constant 16 : i32
        %mul3A_2323 = arith.muli %scan3A_2321, %mul3A_2322 : i32
        %get3A_2324 = arith.constant 0 : i32
        %get3A_2325 = arith.index_cast %get3A_2324 : i32 to index
        %get3A_2326 = arith.index_cast %mul3A_2323 : i32 to index
        %get3A_2327 = tpu.vector_load %arg9[%get3A_2325, %get3A_2326] {strides = array<i32>} : memref<16x2048xf32, #tpu.memory_space<vmem>>, vector<1x16xf32>,
        %get3A_2328 = vector.shape_cast %get3A_2327 : vector<1x16xf32> to vector<16xf32>
        %mul3A_2329 = arith.constant 16 : i32
        %mul3A_2330 = arith.muli %scan3A_2321, %mul3A_2329 : i32
        %get3A_2331 = arith.constant 1 : i32
        %get3A_2332 = arith.index_cast %get3A_2331 : i32 to index
        %get3A_2333 = arith.index_cast %mul3A_2330 : i32 to index
        %get3A_2334 = tpu.vector_load %arg9[%get3A_2332, %get3A_2333] {strides = array<i32>} : memref<16x2048xf32, #tpu.memory_space<vmem>>, vector<1x16xf32>,
        %get3A_2335 = vector.shape_cast %get3A_2334 : vector<1x16xf32> to vector<16xf32>
        %add3A_2336 = arith.addf %get3A_2328, %get3A_2335 : vector<16xf32>
        %mul3A_2337 = arith.constant 16 : i32
        %mul3A_2338 = arith.muli %scan3A_2321, %mul3A_2337 : i32
        %get3A_2339 = arith.constant 2 : i32
        %get3A_2340 = arith.index_cast %get3A_2339 : i32 to index
        %get3A_2341 = arith.index_cast %mul3A_2338 : i32 to index
        %get3A_2342 = tpu.vector_load %arg9[%get3A_2340, %get3A_2341] {strides = array<i32>} : memref<16x2048xf32, #tpu.memory_space<vmem>>, vector<1x16xf32>,
        %get3A_2343 = vector.shape_cast %get3A_2342 : vector<1x16xf32> to vector<16xf32>
        %add3A_2344 = arith.addf %add3A_2336, %get3A_2343 : vector<16xf32>
        %mul3A_2345 = arith.constant 16 : i32
        %mul3A_2346 = arith.muli %scan3A_2321, %mul3A_2345 : i32
        %get3A_2347 = arith.constant 3 : i32
        %get3A_2348 = arith.index_cast %get3A_2347 : i32 to index
        %get3A_2349 = arith.index_cast %mul3A_2346 : i32 to index
        %get3A_2350 = tpu.vector_load %arg9[%get3A_2348, %get3A_2349] {strides = array<i32>} : memref<16x2048xf32, #tpu.memory_space<vmem>>, vector<1x16xf32>,
        %get3A_2351 = vector.shape_cast %get3A_2350 : vector<1x16xf32> to vector<16xf32>
        %add3A_2352 = arith.addf %add3A_2344, %get3A_2351 : vector<16xf32>
        %mul3A_2353 = arith.constant 16 : i32
        %mul3A_2354 = arith.muli %scan3A_2321, %mul3A_2353 : i32
        %get3A_2355 = arith.constant 4 : i32
        %get3A_2356 = arith.index_cast %get3A_2355 : i32 to index
        %get3A_2357 = arith.index_cast %mul3A_2354 : i32 to index
        %get3A_2358 = tpu.vector_load %arg9[%get3A_2356, %get3A_2357] {strides = array<i32>} : memref<16x2048xf32, #tpu.memory_space<vmem>>, vector<1x16xf32>,
        %get3A_2359 = vector.shape_cast %get3A_2358 : vector<1x16xf32> to vector<16xf32>
        %add3A_2360 = arith.addf %add3A_2352, %get3A_2359 : vector<16xf32>
        %mul3A_2361 = arith.constant 16 : i32
        %mul3A_2362 = arith.muli %scan3A_2321, %mul3A_2361 : i32
        %get3A_2363 = arith.constant 5 : i32
        %get3A_2364 = arith.index_cast %get3A_2363 : i32 to index
        %get3A_2365 = arith.index_cast %mul3A_2362 : i32 to index
        %get3A_2366 = tpu.vector_load %arg9[%get3A_2364, %get3A_2365] {strides = array<i32>} : memref<16x2048xf32, #tpu.memory_space<vmem>>, vector<1x16xf32>,
        %get3A_2367 = vector.shape_cast %get3A_2366 : vector<1x16xf32> to vector<16xf32>
        %add3A_2368 = arith.addf %add3A_2360, %get3A_2367 : vector<16xf32>
        %mul3A_2369 = arith.constant 16 : i32
        %mul3A_2370 = arith.muli %scan3A_2321, %mul3A_2369 : i32
        %get3A_2371 = arith.constant 6 : i32
        %get3A_2372 = arith.index_cast %get3A_2371 : i32 to index
        %get3A_2373 = arith.index_cast %mul3A_2370 : i32 to index
        %get3A_2374 = tpu.vector_load %arg9[%get3A_2372, %get3A_2373] {strides = array<i32>} : memref<16x2048xf32, #tpu.memory_space<vmem>>, vector<1x16xf32>,
        %get3A_2375 = vector.shape_cast %get3A_2374 : vector<1x16xf32> to vector<16xf32>
        %add3A_2376 = arith.addf %add3A_2368, %get3A_2375 : vector<16xf32>
        %mul3A_2377 = arith.constant 16 : i32
        %mul3A_2378 = arith.muli %scan3A_2321, %mul3A_2377 : i32
        %get3A_2379 = arith.constant 7 : i32
        %get3A_2380 = arith.index_cast %get3A_2379 : i32 to index
        %get3A_2381 = arith.index_cast %mul3A_2378 : i32 to index
        %get3A_2382 = tpu.vector_load %arg9[%get3A_2380, %get3A_2381] {strides = array<i32>} : memref<16x2048xf32, #tpu.memory_space<vmem>>, vector<1x16xf32>,
        %get3A_2383 = vector.shape_cast %get3A_2382 : vector<1x16xf32> to vector<16xf32>
        %add3A_2384 = arith.addf %add3A_2376, %get3A_2383 : vector<16xf32>
        %mul3A_2385 = arith.constant 16 : i32
        %mul3A_2386 = arith.muli %scan3A_2321, %mul3A_2385 : i32
        %get3A_2387 = arith.constant 8 : i32
        %get3A_2388 = arith.index_cast %get3A_2387 : i32 to index
        %get3A_2389 = arith.index_cast %mul3A_2386 : i32 to index
        %get3A_2390 = tpu.vector_load %arg9[%get3A_2388, %get3A_2389] {strides = array<i32>} : memref<16x2048xf32, #tpu.memory_space<vmem>>, vector<1x16xf32>,
        %get3A_2391 = vector.shape_cast %get3A_2390 : vector<1x16xf32> to vector<16xf32>
        %add3A_2392 = arith.addf %add3A_2384, %get3A_2391 : vector<16xf32>
        %mul3A_2393 = arith.constant 16 : i32
        %mul3A_2394 = arith.muli %scan3A_2321, %mul3A_2393 : i32
        %get3A_2395 = arith.constant 9 : i32
        %get3A_2396 = arith.index_cast %get3A_2395 : i32 to index
        %get3A_2397 = arith.index_cast %mul3A_2394 : i32 to index
        %get3A_2398 = tpu.vector_load %arg9[%get3A_2396, %get3A_2397] {strides = array<i32>} : memref<16x2048xf32, #tpu.memory_space<vmem>>, vector<1x16xf32>,
        %get3A_2399 = vector.shape_cast %get3A_2398 : vector<1x16xf32> to vector<16xf32>
        %add3A_2400 = arith.addf %add3A_2392, %get3A_2399 : vector<16xf32>
        %mul3A_2401 = arith.constant 16 : i32
        %mul3A_2402 = arith.muli %scan3A_2321, %mul3A_2401 : i32
        %get3A_2403 = arith.constant 10 : i32
        %get3A_2404 = arith.index_cast %get3A_2403 : i32 to index
        %get3A_2405 = arith.index_cast %mul3A_2402 : i32 to index
        %get3A_2406 = tpu.vector_load %arg9[%get3A_2404, %get3A_2405] {strides = array<i32>} : memref<16x2048xf32, #tpu.memory_space<vmem>>, vector<1x16xf32>,
        %get3A_2407 = vector.shape_cast %get3A_2406 : vector<1x16xf32> to vector<16xf32>
        %add3A_2408 = arith.addf %add3A_2400, %get3A_2407 : vector<16xf32>
        %mul3A_2409 = arith.constant 16 : i32
        %mul3A_2410 = arith.muli %scan3A_2321, %mul3A_2409 : i32
        %get3A_2411 = arith.constant 11 : i32
        %get3A_2412 = arith.index_cast %get3A_2411 : i32 to index
        %get3A_2413 = arith.index_cast %mul3A_2410 : i32 to index
        %get3A_2414 = tpu.vector_load %arg9[%get3A_2412, %get3A_2413] {strides = array<i32>} : memref<16x2048xf32, #tpu.memory_space<vmem>>, vector<1x16xf32>,
        %get3A_2415 = vector.shape_cast %get3A_2414 : vector<1x16xf32> to vector<16xf32>
        %add3A_2416 = arith.addf %add3A_2408, %get3A_2415 : vector<16xf32>
        %mul3A_2417 = arith.constant 16 : i32
        %mul3A_2418 = arith.muli %scan3A_2321, %mul3A_2417 : i32
        %get3A_2419 = arith.constant 12 : i32
        %get3A_2420 = arith.index_cast %get3A_2419 : i32 to index
        %get3A_2421 = arith.index_cast %mul3A_2418 : i32 to index
        %get3A_2422 = tpu.vector_load %arg9[%get3A_2420, %get3A_2421] {strides = array<i32>} : memref<16x2048xf32, #tpu.memory_space<vmem>>, vector<1x16xf32>,
        %get3A_2423 = vector.shape_cast %get3A_2422 : vector<1x16xf32> to vector<16xf32>
        %add3A_2424 = arith.addf %add3A_2416, %get3A_2423 : vector<16xf32>
        %mul3A_2425 = arith.constant 16 : i32
        %mul3A_2426 = arith.muli %scan3A_2321, %mul3A_2425 : i32
        %get3A_2427 = arith.constant 13 : i32
        %get3A_2428 = arith.index_cast %get3A_2427 : i32 to index
        %get3A_2429 = arith.index_cast %mul3A_2426 : i32 to index
        %get3A_2430 = tpu.vector_load %arg9[%get3A_2428, %get3A_2429] {strides = array<i32>} : memref<16x2048xf32, #tpu.memory_space<vmem>>, vector<1x16xf32>,
        %get3A_2431 = vector.shape_cast %get3A_2430 : vector<1x16xf32> to vector<16xf32>
        %add3A_2432 = arith.addf %add3A_2424, %get3A_2431 : vector<16xf32>
        %mul3A_2433 = arith.constant 16 : i32
        %mul3A_2434 = arith.muli %scan3A_2321, %mul3A_2433 : i32
        %get3A_2435 = arith.constant 14 : i32
        %get3A_2436 = arith.index_cast %get3A_2435 : i32 to index
        %get3A_2437 = arith.index_cast %mul3A_2434 : i32 to index
        %get3A_2438 = tpu.vector_load %arg9[%get3A_2436, %get3A_2437] {strides = array<i32>} : memref<16x2048xf32, #tpu.memory_space<vmem>>, vector<1x16xf32>,
        %get3A_2439 = vector.shape_cast %get3A_2438 : vector<1x16xf32> to vector<16xf32>
        %add3A_2440 = arith.addf %add3A_2432, %get3A_2439 : vector<16xf32>
        %mul3A_2441 = arith.constant 16 : i32
        %mul3A_2442 = arith.muli %scan3A_2321, %mul3A_2441 : i32
        %get3A_2443 = arith.constant 15 : i32
        %get3A_2444 = arith.index_cast %get3A_2443 : i32 to index
        %get3A_2445 = arith.index_cast %mul3A_2442 : i32 to index
        %get3A_2446 = tpu.vector_load %arg9[%get3A_2444, %get3A_2445] {strides = array<i32>} : memref<16x2048xf32, #tpu.memory_space<vmem>>, vector<1x16xf32>,
        %get3A_2447 = vector.shape_cast %get3A_2446 : vector<1x16xf32> to vector<16xf32>
        %add3A_2448 = arith.addf %add3A_2440, %get3A_2447 : vector<16xf32>
        %mul3A_2449 = arith.constant 16 : i32
        %mul3A_2450 = arith.muli %scan3A_2321, %mul3A_2449 : i32
        %get3A_2451 = arith.constant 0 : i32
        %get3A_2452 = arith.index_cast %get3A_2451 : i32 to index
        %get3A_2453 = arith.index_cast %mul3A_2450 : i32 to index
        %get3A_2454 = tpu.vector_load %arg10[%get3A_2452, %get3A_2453] {strides = array<i32>} : memref<16x2048xf32, #tpu.memory_space<vmem>>, vector<1x16xf32>,
        %get3A_2455 = vector.shape_cast %get3A_2454 : vector<1x16xf32> to vector<16xf32>
        %add3A_2456 = arith.addf %add3A_2448, %get3A_2455 : vector<16xf32>
        %mul3A_2457 = arith.constant 16 : i32
        %mul3A_2458 = arith.muli %scan3A_2321, %mul3A_2457 : i32
        %get3A_2459 = arith.constant 1 : i32
        %get3A_2460 = arith.index_cast %get3A_2459 : i32 to index
        %get3A_2461 = arith.index_cast %mul3A_2458 : i32 to index
        %get3A_2462 = tpu.vector_load %arg10[%get3A_2460, %get3A_2461] {strides = array<i32>} : memref<16x2048xf32, #tpu.memory_space<vmem>>, vector<1x16xf32>,
        %get3A_2463 = vector.shape_cast %get3A_2462 : vector<1x16xf32> to vector<16xf32>
        %add3A_2464 = arith.addf %add3A_2456, %get3A_2463 : vector<16xf32>
        %mul3A_2465 = arith.constant 16 : i32
        %mul3A_2466 = arith.muli %scan3A_2321, %mul3A_2465 : i32
        %get3A_2467 = arith.constant 2 : i32
        %get3A_2468 = arith.index_cast %get3A_2467 : i32 to index
        %get3A_2469 = arith.index_cast %mul3A_2466 : i32 to index
        %get3A_2470 = tpu.vector_load %arg10[%get3A_2468, %get3A_2469] {strides = array<i32>} : memref<16x2048xf32, #tpu.memory_space<vmem>>, vector<1x16xf32>,
        %get3A_2471 = vector.shape_cast %get3A_2470 : vector<1x16xf32> to vector<16xf32>
        %add3A_2472 = arith.addf %add3A_2464, %get3A_2471 : vector<16xf32>
        %mul3A_2473 = arith.constant 16 : i32
        %mul3A_2474 = arith.muli %scan3A_2321, %mul3A_2473 : i32
        %get3A_2475 = arith.constant 3 : i32
        %get3A_2476 = arith.index_cast %get3A_2475 : i32 to index
        %get3A_2477 = arith.index_cast %mul3A_2474 : i32 to index
        %get3A_2478 = tpu.vector_load %arg10[%get3A_2476, %get3A_2477] {strides = array<i32>} : memref<16x2048xf32, #tpu.memory_space<vmem>>, vector<1x16xf32>,
        %get3A_2479 = vector.shape_cast %get3A_2478 : vector<1x16xf32> to vector<16xf32>
        %add3A_2480 = arith.addf %add3A_2472, %get3A_2479 : vector<16xf32>
        %mul3A_2481 = arith.constant 16 : i32
        %mul3A_2482 = arith.muli %scan3A_2321, %mul3A_2481 : i32
        %get3A_2483 = arith.constant 4 : i32
        %get3A_2484 = arith.index_cast %get3A_2483 : i32 to index
        %get3A_2485 = arith.index_cast %mul3A_2482 : i32 to index
        %get3A_2486 = tpu.vector_load %arg10[%get3A_2484, %get3A_2485] {strides = array<i32>} : memref<16x2048xf32, #tpu.memory_space<vmem>>, vector<1x16xf32>,
        %get3A_2487 = vector.shape_cast %get3A_2486 : vector<1x16xf32> to vector<16xf32>
        %add3A_2488 = arith.addf %add3A_2480, %get3A_2487 : vector<16xf32>
        %mul3A_2489 = arith.constant 16 : i32
        %mul3A_2490 = arith.muli %scan3A_2321, %mul3A_2489 : i32
        %get3A_2491 = arith.constant 5 : i32
        %get3A_2492 = arith.index_cast %get3A_2491 : i32 to index
        %get3A_2493 = arith.index_cast %mul3A_2490 : i32 to index
        %get3A_2494 = tpu.vector_load %arg10[%get3A_2492, %get3A_2493] {strides = array<i32>} : memref<16x2048xf32, #tpu.memory_space<vmem>>, vector<1x16xf32>,
        %get3A_2495 = vector.shape_cast %get3A_2494 : vector<1x16xf32> to vector<16xf32>
        %add3A_2496 = arith.addf %add3A_2488, %get3A_2495 : vector<16xf32>
        %mul3A_2497 = arith.constant 16 : i32
        %mul3A_2498 = arith.muli %scan3A_2321, %mul3A_2497 : i32
        %get3A_2499 = arith.constant 6 : i32
        %get3A_2500 = arith.index_cast %get3A_2499 : i32 to index
        %get3A_2501 = arith.index_cast %mul3A_2498 : i32 to index
        %get3A_2502 = tpu.vector_load %arg10[%get3A_2500, %get3A_2501] {strides = array<i32>} : memref<16x2048xf32, #tpu.memory_space<vmem>>, vector<1x16xf32>,
        %get3A_2503 = vector.shape_cast %get3A_2502 : vector<1x16xf32> to vector<16xf32>
        %add3A_2504 = arith.addf %add3A_2496, %get3A_2503 : vector<16xf32>
        %mul3A_2505 = arith.constant 16 : i32
        %mul3A_2506 = arith.muli %scan3A_2321, %mul3A_2505 : i32
        %get3A_2507 = arith.constant 7 : i32
        %get3A_2508 = arith.index_cast %get3A_2507 : i32 to index
        %get3A_2509 = arith.index_cast %mul3A_2506 : i32 to index
        %get3A_2510 = tpu.vector_load %arg10[%get3A_2508, %get3A_2509] {strides = array<i32>} : memref<16x2048xf32, #tpu.memory_space<vmem>>, vector<1x16xf32>,
        %get3A_2511 = vector.shape_cast %get3A_2510 : vector<1x16xf32> to vector<16xf32>
        %add3A_2512 = arith.addf %add3A_2504, %get3A_2511 : vector<16xf32>
        %mul3A_2513 = arith.constant 16 : i32
        %mul3A_2514 = arith.muli %scan3A_2321, %mul3A_2513 : i32
        %get3A_2515 = arith.constant 8 : i32
        %get3A_2516 = arith.index_cast %get3A_2515 : i32 to index
        %get3A_2517 = arith.index_cast %mul3A_2514 : i32 to index
        %get3A_2518 = tpu.vector_load %arg10[%get3A_2516, %get3A_2517] {strides = array<i32>} : memref<16x2048xf32, #tpu.memory_space<vmem>>, vector<1x16xf32>,
        %get3A_2519 = vector.shape_cast %get3A_2518 : vector<1x16xf32> to vector<16xf32>
        %add3A_2520 = arith.addf %add3A_2512, %get3A_2519 : vector<16xf32>
        %mul3A_2521 = arith.constant 16 : i32
        %mul3A_2522 = arith.muli %scan3A_2321, %mul3A_2521 : i32
        %get3A_2523 = arith.constant 9 : i32
        %get3A_2524 = arith.index_cast %get3A_2523 : i32 to index
        %get3A_2525 = arith.index_cast %mul3A_2522 : i32 to index
        %get3A_2526 = tpu.vector_load %arg10[%get3A_2524, %get3A_2525] {strides = array<i32>} : memref<16x2048xf32, #tpu.memory_space<vmem>>, vector<1x16xf32>,
        %get3A_2527 = vector.shape_cast %get3A_2526 : vector<1x16xf32> to vector<16xf32>
        %add3A_2528 = arith.addf %add3A_2520, %get3A_2527 : vector<16xf32>
        %mul3A_2529 = arith.constant 16 : i32
        %mul3A_2530 = arith.muli %scan3A_2321, %mul3A_2529 : i32
        %get3A_2531 = arith.constant 10 : i32
        %get3A_2532 = arith.index_cast %get3A_2531 : i32 to index
        %get3A_2533 = arith.index_cast %mul3A_2530 : i32 to index
        %get3A_2534 = tpu.vector_load %arg10[%get3A_2532, %get3A_2533] {strides = array<i32>} : memref<16x2048xf32, #tpu.memory_space<vmem>>, vector<1x16xf32>,
        %get3A_2535 = vector.shape_cast %get3A_2534 : vector<1x16xf32> to vector<16xf32>
        %add3A_2536 = arith.addf %add3A_2528, %get3A_2535 : vector<16xf32>
        %mul3A_2537 = arith.constant 16 : i32
        %mul3A_2538 = arith.muli %scan3A_2321, %mul3A_2537 : i32
        %get3A_2539 = arith.constant 11 : i32
        %get3A_2540 = arith.index_cast %get3A_2539 : i32 to index
        %get3A_2541 = arith.index_cast %mul3A_2538 : i32 to index
        %get3A_2542 = tpu.vector_load %arg10[%get3A_2540, %get3A_2541] {strides = array<i32>} : memref<16x2048xf32, #tpu.memory_space<vmem>>, vector<1x16xf32>,
        %get3A_2543 = vector.shape_cast %get3A_2542 : vector<1x16xf32> to vector<16xf32>
        %add3A_2544 = arith.addf %add3A_2536, %get3A_2543 : vector<16xf32>
        %mul3A_2545 = arith.constant 16 : i32
        %mul3A_2546 = arith.muli %scan3A_2321, %mul3A_2545 : i32
        %get3A_2547 = arith.constant 12 : i32
        %get3A_2548 = arith.index_cast %get3A_2547 : i32 to index
        %get3A_2549 = arith.index_cast %mul3A_2546 : i32 to index
        %get3A_2550 = tpu.vector_load %arg10[%get3A_2548, %get3A_2549] {strides = array<i32>} : memref<16x2048xf32, #tpu.memory_space<vmem>>, vector<1x16xf32>,
        %get3A_2551 = vector.shape_cast %get3A_2550 : vector<1x16xf32> to vector<16xf32>
        %add3A_2552 = arith.addf %add3A_2544, %get3A_2551 : vector<16xf32>
        %mul3A_2553 = arith.constant 16 : i32
        %mul3A_2554 = arith.muli %scan3A_2321, %mul3A_2553 : i32
        %get3A_2555 = arith.constant 13 : i32
        %get3A_2556 = arith.index_cast %get3A_2555 : i32 to index
        %get3A_2557 = arith.index_cast %mul3A_2554 : i32 to index
        %get3A_2558 = tpu.vector_load %arg10[%get3A_2556, %get3A_2557] {strides = array<i32>} : memref<16x2048xf32, #tpu.memory_space<vmem>>, vector<1x16xf32>,
        %get3A_2559 = vector.shape_cast %get3A_2558 : vector<1x16xf32> to vector<16xf32>
        %add3A_2560 = arith.addf %add3A_2552, %get3A_2559 : vector<16xf32>
        %mul3A_2561 = arith.constant 16 : i32
        %mul3A_2562 = arith.muli %scan3A_2321, %mul3A_2561 : i32
        %get3A_2563 = arith.constant 14 : i32
        %get3A_2564 = arith.index_cast %get3A_2563 : i32 to index
        %get3A_2565 = arith.index_cast %mul3A_2562 : i32 to index
        %get3A_2566 = tpu.vector_load %arg10[%get3A_2564, %get3A_2565] {strides = array<i32>} : memref<16x2048xf32, #tpu.memory_space<vmem>>, vector<1x16xf32>,
        %get3A_2567 = vector.shape_cast %get3A_2566 : vector<1x16xf32> to vector<16xf32>
        %add3A_2568 = arith.addf %add3A_2560, %get3A_2567 : vector<16xf32>
        %mul3A_2569 = arith.constant 16 : i32
        %mul3A_2570 = arith.muli %scan3A_2321, %mul3A_2569 : i32
        %get3A_2571 = arith.constant 15 : i32
        %get3A_2572 = arith.index_cast %get3A_2571 : i32 to index
        %get3A_2573 = arith.index_cast %mul3A_2570 : i32 to index
        %get3A_2574 = tpu.vector_load %arg10[%get3A_2572, %get3A_2573] {strides = array<i32>} : memref<16x2048xf32, #tpu.memory_space<vmem>>, vector<1x16xf32>,
        %get3A_2575 = vector.shape_cast %get3A_2574 : vector<1x16xf32> to vector<16xf32>
        %add3A_2576 = arith.addf %add3A_2568, %get3A_2575 : vector<16xf32>
        %gt3A_2577 = arith.constant 0.000000e+00 : f32
        %gt3A_2578 = vector.broadcast %gt3A_2577 : f32 to vector<16xf32>
        %gt3A_2579 = arith.cmpf ogt, %add3A_2576, %gt3A_2578 : vector<16xf32>
        %jit3A_2580 = arith.constant 1.000000e+00 : f32
        %jit3A_2581 = arith.constant -1.000000e+00 : f32
        %broadcast_in_dim3A_2582 = vector.broadcast %jit3A_2580 : f32 to vector<16xf32>
        %broadcast_in_dim3A_2583 = vector.broadcast %jit3A_2581 : f32 to vector<16xf32>
        %select_n3A_2584 = arith.select %gt3A_2579, %broadcast_in_dim3A_2582, %broadcast_in_dim3A_2583 : vector<16xi1>, vector<16xf32>
        %mul3A_2585 = arith.constant 16 : i32
        %mul3A_2586 = arith.muli %scan3A_2321, %mul3A_2585 : i32
        %swap3A_2587 = arith.index_cast %mul3A_2586 : i32 to index
        %swap3A_2588 = tpu.vector_load %arg11[%swap3A_2587] {strides = array<i32>} : memref<2048xf32, #tpu.memory_space<vmem>>, vector<16xf32>,
        %swap3A_2589 = vector.shape_cast %swap3A_2588 : vector<16xf32> to vector<16xf32>
        %swap3A_2590 = vector.shape_cast %select_n3A_2584 : vector<16xf32> to vector<16xf32>
        tpu.vector_store %arg11[%swap3A_2587], %swap3A_2590 {strides = array<i32>} : memref<2048xf32, #tpu.memory_space<vmem>>, vector<16xf32>,
      }
      %scan3A_2317 = arith.constant 128 : i32
      %mul3A_2318 = arith.constant 32 : i32
      %mul3A_2319 = arith.muli %add3A, %mul3A_2318 : i32
      %add3A_2320 = arith.addi %mul3A_2319, %scan3A_2284 : i32
      "tpu.region"() ({
        %run_scoped3A = tpu.sem_alloc : memref<!tpu.dma_semaphore, #tpu.memory_space<semaphore_mem>>
        %dma_start3A_2321 = arith.constant 0 : i32
        %dma_start3A_2322 = tpu.memref_slice %arg5[%add3A_2320, %dma_start3A_2321] : memref<1024x2048xf32, #tpu.memory_space<hbm>> -> memref<1x2048xf32, #tpu.memory_space<hbm>>
        %dma_start3A_2323 = tpu.memref_squeeze %dma_start3A_2322 : memref<1x2048xf32, #tpu.memory_space<hbm>> -> memref<2048xf32, #tpu.memory_space<hbm>>
        %dma_start3A_2324 = arith.constant 0 : i32
        %dma_start3A_2325 = tpu.memref_slice %arg5[%add3A_2320, %dma_start3A_2324] : memref<1024x2048xf32, #tpu.memory_space<hbm>> -> memref<1x2048xf32, #tpu.memory_space<hbm>>
        %dma_start3A_2326 = tpu.memref_squeeze %dma_start3A_2325 : memref<1x2048xf32, #tpu.memory_space<hbm>> -> memref<2048xf32, #tpu.memory_space<hbm>>
        tpu.enqueue_dma source(%arg11 : memref<2048xf32, #tpu.memory_space<vmem>>) target(%dma_start3A_2326 : memref<2048xf32, #tpu.memory_space<hbm>>) target_semaphore(%run_scoped3A : memref<!tpu.dma_semaphore, #tpu.memory_space<semaphore_mem>>)
        %dma_wait3A_2327 = arith.constant 0 : i32
        %dma_wait3A_2328 = tpu.memref_slice %arg5[%add3A_2320, %dma_wait3A_2327] : memref<1024x2048xf32, #tpu.memory_space<hbm>> -> memref<1x2048xf32, #tpu.memory_space<hbm>>
        %dma_wait3A_2329 = tpu.memref_squeeze %dma_wait3A_2328 : memref<1x2048xf32, #tpu.memory_space<hbm>> -> memref<2048xf32, #tpu.memory_space<hbm>>
        %dma_wait3A_2330 = arith.constant 0 : i32
        %dma_wait3A_2331 = tpu.memref_slice %arg5[%add3A_2320, %dma_wait3A_2330] : memref<1024x2048xf32, #tpu.memory_space<hbm>> -> memref<1x2048xf32, #tpu.memory_space<hbm>>
        %dma_wait3A_2332 = tpu.memref_squeeze %dma_wait3A_2331 : memref<1x2048xf32, #tpu.memory_space<hbm>> -> memref<2048xf32, #tpu.memory_space<hbm>>
        tpu.wait_dma2 semaphore(%run_scoped3A : memref<!tpu.dma_semaphore, #tpu.memory_space<semaphore_mem>>) src(%arg11 : memref<2048xf32, #tpu.memory_space<vmem>>) dst(%dma_wait3A_2332 : memref<2048xf32, #tpu.memory_space<hbm>>)
        tpu.yield
      }) : () -> ()
    }
    %scan3A_2283 = arith.constant 32 : i32
    return
  }
}

module attributes {stable_mosaic.version = 14 : i64} {
  func.func @_build_w_body(%arg0: i32, %arg1: memref<32x2048xf32, #tpu.memory_space<vmem>>, %arg2: memref<104x2048xf32, #tpu.memory_space<vmem>>, %arg3: memref<2704x2048xf32, #tpu.memory_space<vmem>>) attributes {dimension_semantics = [#tpu.dimension_semantics<arbitrary>], iteration_bounds = array<i64: 1>, scalar_prefetch = 0 : i64, scratch_operands = 0 : i64, tpu.core_type = #tpu.core_type<tc>, window_params = [{transform_indices = @transform_0, window_bounds = array<i64: 32, 2048>}, {transform_indices = @transform_1, window_bounds = array<i64: 104, 2048>}, {pipeline_mode = #tpu.pipeline_mode<synchronous>, transform_indices = @transform_2, window_bounds = array<i64: 2704, 2048>}]} {
    %get3A = arith.constant 0 : index
    %get3A_0 = arith.constant 0 : index
    %get3A_1 = vector.load %arg2[%get3A, %get3A_0] : memref<104x2048xf32, #tpu.memory_space<vmem>>, vector<104x2048xf32>
    %iota3A = tpu.iota {dimensions = array<i32: 0>} : vector<104x2048xi32>
    %lt3A = arith.constant 100 : i32
    %lt3A_2 = vector.broadcast %lt3A : i32 to vector<104x2048xi32>
    %lt3A_3 = arith.cmpi slt, %iota3A, %lt3A_2 : vector<104x2048xi32>
    %jit3A = arith.constant 0.000000e+00 : f32
    %broadcast_in_dim3A = vector.broadcast %jit3A : f32 to vector<104x2048xf32>
    %select_n3A = arith.select %lt3A_3, %get3A_1, %broadcast_in_dim3A : vector<104x2048xi1>, vector<104x2048xf32>
    %get3A_4 = arith.constant 0 : index
    %get3A_5 = arith.constant 0 : index
    %get3A_6 = vector.load %arg1[%get3A_4, %get3A_5] : memref<32x2048xf32, #tpu.memory_space<vmem>>, vector<1x2048xf32>
    %mul3A = vector.broadcast %get3A_6 : vector<1x2048xf32> to vector<104x2048xf32>
    %mul3A_7 = arith.mulf %select_n3A, %mul3A : vector<104x2048xf32>
    %swap3A = arith.constant 0 : index
    %swap3A_8 = arith.constant 0 : index
    %swap3A_9 = vector.load %arg3[%swap3A, %swap3A_8] : memref<2704x2048xf32, #tpu.memory_space<vmem>>, vector<104x2048xf32>
    tpu.vector_store %arg3[%swap3A, %swap3A_8], %mul3A_7 {strides = array<i32>} : memref<2704x2048xf32, #tpu.memory_space<vmem>>, vector<104x2048xf32>,
    %get3A_10 = arith.constant 1 : index
    %get3A_11 = arith.constant 0 : index
    %get3A_12 = vector.load %arg1[%get3A_10, %get3A_11] : memref<32x2048xf32, #tpu.memory_space<vmem>>, vector<1x2048xf32>
    %mul3A_13 = vector.broadcast %get3A_12 : vector<1x2048xf32> to vector<104x2048xf32>
    %mul3A_14 = arith.mulf %select_n3A, %mul3A_13 : vector<104x2048xf32>
    %swap3A_15 = arith.constant 104 : index
    %swap3A_16 = arith.constant 0 : index
    %swap3A_17 = vector.load %arg3[%swap3A_15, %swap3A_16] : memref<2704x2048xf32, #tpu.memory_space<vmem>>, vector<104x2048xf32>
    tpu.vector_store %arg3[%swap3A_15, %swap3A_16], %mul3A_14 {strides = array<i32>} : memref<2704x2048xf32, #tpu.memory_space<vmem>>, vector<104x2048xf32>,
    %get3A_18 = arith.constant 2 : index
    %get3A_19 = arith.constant 0 : index
    %get3A_20 = vector.load %arg1[%get3A_18, %get3A_19] : memref<32x2048xf32, #tpu.memory_space<vmem>>, vector<1x2048xf32>
    %mul3A_21 = vector.broadcast %get3A_20 : vector<1x2048xf32> to vector<104x2048xf32>
    %mul3A_22 = arith.mulf %select_n3A, %mul3A_21 : vector<104x2048xf32>
    %swap3A_23 = arith.constant 208 : index
    %swap3A_24 = arith.constant 0 : index
    %swap3A_25 = vector.load %arg3[%swap3A_23, %swap3A_24] : memref<2704x2048xf32, #tpu.memory_space<vmem>>, vector<104x2048xf32>
    tpu.vector_store %arg3[%swap3A_23, %swap3A_24], %mul3A_22 {strides = array<i32>} : memref<2704x2048xf32, #tpu.memory_space<vmem>>, vector<104x2048xf32>,
    %get3A_26 = arith.constant 3 : index
    %get3A_27 = arith.constant 0 : index
    %get3A_28 = vector.load %arg1[%get3A_26, %get3A_27] : memref<32x2048xf32, #tpu.memory_space<vmem>>, vector<1x2048xf32>
    %mul3A_29 = vector.broadcast %get3A_28 : vector<1x2048xf32> to vector<104x2048xf32>
    %mul3A_30 = arith.mulf %select_n3A, %mul3A_29 : vector<104x2048xf32>
    %swap3A_31 = arith.constant 312 : index
    %swap3A_32 = arith.constant 0 : index
    %swap3A_33 = vector.load %arg3[%swap3A_31, %swap3A_32] : memref<2704x2048xf32, #tpu.memory_space<vmem>>, vector<104x2048xf32>
    tpu.vector_store %arg3[%swap3A_31, %swap3A_32], %mul3A_30 {strides = array<i32>} : memref<2704x2048xf32, #tpu.memory_space<vmem>>, vector<104x2048xf32>,
    %get3A_34 = arith.constant 4 : index
    %get3A_35 = arith.constant 0 : index
    %get3A_36 = vector.load %arg1[%get3A_34, %get3A_35] : memref<32x2048xf32, #tpu.memory_space<vmem>>, vector<1x2048xf32>
    %mul3A_37 = vector.broadcast %get3A_36 : vector<1x2048xf32> to vector<104x2048xf32>
    %mul3A_38 = arith.mulf %select_n3A, %mul3A_37 : vector<104x2048xf32>
    %swap3A_39 = arith.constant 416 : index
    %swap3A_40 = arith.constant 0 : index
    %swap3A_41 = vector.load %arg3[%swap3A_39, %swap3A_40] : memref<2704x2048xf32, #tpu.memory_space<vmem>>, vector<104x2048xf32>
    tpu.vector_store %arg3[%swap3A_39, %swap3A_40], %mul3A_38 {strides = array<i32>} : memref<2704x2048xf32, #tpu.memory_space<vmem>>, vector<104x2048xf32>,
    %get3A_42 = arith.constant 5 : index
    %get3A_43 = arith.constant 0 : index
    %get3A_44 = vector.load %arg1[%get3A_42, %get3A_43] : memref<32x2048xf32, #tpu.memory_space<vmem>>, vector<1x2048xf32>
    %mul3A_45 = vector.broadcast %get3A_44 : vector<1x2048xf32> to vector<104x2048xf32>
    %mul3A_46 = arith.mulf %select_n3A, %mul3A_45 : vector<104x2048xf32>
    %swap3A_47 = arith.constant 520 : index
    %swap3A_48 = arith.constant 0 : index
    %swap3A_49 = vector.load %arg3[%swap3A_47, %swap3A_48] : memref<2704x2048xf32, #tpu.memory_space<vmem>>, vector<104x2048xf32>
    tpu.vector_store %arg3[%swap3A_47, %swap3A_48], %mul3A_46 {strides = array<i32>} : memref<2704x2048xf32, #tpu.memory_space<vmem>>, vector<104x2048xf32>,
    %get3A_50 = arith.constant 6 : index
    %get3A_51 = arith.constant 0 : index
    %get3A_52 = vector.load %arg1[%get3A_50, %get3A_51] : memref<32x2048xf32, #tpu.memory_space<vmem>>, vector<1x2048xf32>
    %mul3A_53 = vector.broadcast %get3A_52 : vector<1x2048xf32> to vector<104x2048xf32>
    %mul3A_54 = arith.mulf %select_n3A, %mul3A_53 : vector<104x2048xf32>
    %swap3A_55 = arith.constant 624 : index
    %swap3A_56 = arith.constant 0 : index
    %swap3A_57 = vector.load %arg3[%swap3A_55, %swap3A_56] : memref<2704x2048xf32, #tpu.memory_space<vmem>>, vector<104x2048xf32>
    tpu.vector_store %arg3[%swap3A_55, %swap3A_56], %mul3A_54 {strides = array<i32>} : memref<2704x2048xf32, #tpu.memory_space<vmem>>, vector<104x2048xf32>,
    %get3A_58 = arith.constant 7 : index
    %get3A_59 = arith.constant 0 : index
    %get3A_60 = vector.load %arg1[%get3A_58, %get3A_59] : memref<32x2048xf32, #tpu.memory_space<vmem>>, vector<1x2048xf32>
    %mul3A_61 = vector.broadcast %get3A_60 : vector<1x2048xf32> to vector<104x2048xf32>
    %mul3A_62 = arith.mulf %select_n3A, %mul3A_61 : vector<104x2048xf32>
    %swap3A_63 = arith.constant 728 : index
    %swap3A_64 = arith.constant 0 : index
    %swap3A_65 = vector.load %arg3[%swap3A_63, %swap3A_64] : memref<2704x2048xf32, #tpu.memory_space<vmem>>, vector<104x2048xf32>
    tpu.vector_store %arg3[%swap3A_63, %swap3A_64], %mul3A_62 {strides = array<i32>} : memref<2704x2048xf32, #tpu.memory_space<vmem>>, vector<104x2048xf32>,
    %get3A_66 = arith.constant 8 : index
    %get3A_67 = arith.constant 0 : index
    %get3A_68 = vector.load %arg1[%get3A_66, %get3A_67] : memref<32x2048xf32, #tpu.memory_space<vmem>>, vector<1x2048xf32>
    %mul3A_69 = vector.broadcast %get3A_68 : vector<1x2048xf32> to vector<104x2048xf32>
    %mul3A_70 = arith.mulf %select_n3A, %mul3A_69 : vector<104x2048xf32>
    %swap3A_71 = arith.constant 832 : index
    %swap3A_72 = arith.constant 0 : index
    %swap3A_73 = vector.load %arg3[%swap3A_71, %swap3A_72] : memref<2704x2048xf32, #tpu.memory_space<vmem>>, vector<104x2048xf32>
    tpu.vector_store %arg3[%swap3A_71, %swap3A_72], %mul3A_70 {strides = array<i32>} : memref<2704x2048xf32, #tpu.memory_space<vmem>>, vector<104x2048xf32>,
    %get3A_74 = arith.constant 9 : index
    %get3A_75 = arith.constant 0 : index
    %get3A_76 = vector.load %arg1[%get3A_74, %get3A_75] : memref<32x2048xf32, #tpu.memory_space<vmem>>, vector<1x2048xf32>
    %mul3A_77 = vector.broadcast %get3A_76 : vector<1x2048xf32> to vector<104x2048xf32>
    %mul3A_78 = arith.mulf %select_n3A, %mul3A_77 : vector<104x2048xf32>
    %swap3A_79 = arith.constant 936 : index
    %swap3A_80 = arith.constant 0 : index
    %swap3A_81 = vector.load %arg3[%swap3A_79, %swap3A_80] : memref<2704x2048xf32, #tpu.memory_space<vmem>>, vector<104x2048xf32>
    tpu.vector_store %arg3[%swap3A_79, %swap3A_80], %mul3A_78 {strides = array<i32>} : memref<2704x2048xf32, #tpu.memory_space<vmem>>, vector<104x2048xf32>,
    %get3A_82 = arith.constant 10 : index
    %get3A_83 = arith.constant 0 : index
    %get3A_84 = vector.load %arg1[%get3A_82, %get3A_83] : memref<32x2048xf32, #tpu.memory_space<vmem>>, vector<1x2048xf32>
    %mul3A_85 = vector.broadcast %get3A_84 : vector<1x2048xf32> to vector<104x2048xf32>
    %mul3A_86 = arith.mulf %select_n3A, %mul3A_85 : vector<104x2048xf32>
    %swap3A_87 = arith.constant 1040 : index
    %swap3A_88 = arith.constant 0 : index
    %swap3A_89 = vector.load %arg3[%swap3A_87, %swap3A_88] : memref<2704x2048xf32, #tpu.memory_space<vmem>>, vector<104x2048xf32>
    tpu.vector_store %arg3[%swap3A_87, %swap3A_88], %mul3A_86 {strides = array<i32>} : memref<2704x2048xf32, #tpu.memory_space<vmem>>, vector<104x2048xf32>,
    %get3A_90 = arith.constant 11 : index
    %get3A_91 = arith.constant 0 : index
    %get3A_92 = vector.load %arg1[%get3A_90, %get3A_91] : memref<32x2048xf32, #tpu.memory_space<vmem>>, vector<1x2048xf32>
    %mul3A_93 = vector.broadcast %get3A_92 : vector<1x2048xf32> to vector<104x2048xf32>
    %mul3A_94 = arith.mulf %select_n3A, %mul3A_93 : vector<104x2048xf32>
    %swap3A_95 = arith.constant 1144 : index
    %swap3A_96 = arith.constant 0 : index
    %swap3A_97 = vector.load %arg3[%swap3A_95, %swap3A_96] : memref<2704x2048xf32, #tpu.memory_space<vmem>>, vector<104x2048xf32>
    tpu.vector_store %arg3[%swap3A_95, %swap3A_96], %mul3A_94 {strides = array<i32>} : memref<2704x2048xf32, #tpu.memory_space<vmem>>, vector<104x2048xf32>,
    %get3A_98 = arith.constant 12 : index
    %get3A_99 = arith.constant 0 : index
    %get3A_100 = vector.load %arg1[%get3A_98, %get3A_99] : memref<32x2048xf32, #tpu.memory_space<vmem>>, vector<1x2048xf32>
    %mul3A_101 = vector.broadcast %get3A_100 : vector<1x2048xf32> to vector<104x2048xf32>
    %mul3A_102 = arith.mulf %select_n3A, %mul3A_101 : vector<104x2048xf32>
    %swap3A_103 = arith.constant 1248 : index
    %swap3A_104 = arith.constant 0 : index
    %swap3A_105 = vector.load %arg3[%swap3A_103, %swap3A_104] : memref<2704x2048xf32, #tpu.memory_space<vmem>>, vector<104x2048xf32>
    tpu.vector_store %arg3[%swap3A_103, %swap3A_104], %mul3A_102 {strides = array<i32>} : memref<2704x2048xf32, #tpu.memory_space<vmem>>, vector<104x2048xf32>,
    %get3A_106 = arith.constant 13 : index
    %get3A_107 = arith.constant 0 : index
    %get3A_108 = vector.load %arg1[%get3A_106, %get3A_107] : memref<32x2048xf32, #tpu.memory_space<vmem>>, vector<1x2048xf32>
    %mul3A_109 = vector.broadcast %get3A_108 : vector<1x2048xf32> to vector<104x2048xf32>
    %mul3A_110 = arith.mulf %select_n3A, %mul3A_109 : vector<104x2048xf32>
    %swap3A_111 = arith.constant 1352 : index
    %swap3A_112 = arith.constant 0 : index
    %swap3A_113 = vector.load %arg3[%swap3A_111, %swap3A_112] : memref<2704x2048xf32, #tpu.memory_space<vmem>>, vector<104x2048xf32>
    tpu.vector_store %arg3[%swap3A_111, %swap3A_112], %mul3A_110 {strides = array<i32>} : memref<2704x2048xf32, #tpu.memory_space<vmem>>, vector<104x2048xf32>,
    %get3A_114 = arith.constant 14 : index
    %get3A_115 = arith.constant 0 : index
    %get3A_116 = vector.load %arg1[%get3A_114, %get3A_115] : memref<32x2048xf32, #tpu.memory_space<vmem>>, vector<1x2048xf32>
    %mul3A_117 = vector.broadcast %get3A_116 : vector<1x2048xf32> to vector<104x2048xf32>
    %mul3A_118 = arith.mulf %select_n3A, %mul3A_117 : vector<104x2048xf32>
    %swap3A_119 = arith.constant 1456 : index
    %swap3A_120 = arith.constant 0 : index
    %swap3A_121 = vector.load %arg3[%swap3A_119, %swap3A_120] : memref<2704x2048xf32, #tpu.memory_space<vmem>>, vector<104x2048xf32>
    tpu.vector_store %arg3[%swap3A_119, %swap3A_120], %mul3A_118 {strides = array<i32>} : memref<2704x2048xf32, #tpu.memory_space<vmem>>, vector<104x2048xf32>,
    %get3A_122 = arith.constant 15 : index
    %get3A_123 = arith.constant 0 : index
    %get3A_124 = vector.load %arg1[%get3A_122, %get3A_123] : memref<32x2048xf32, #tpu.memory_space<vmem>>, vector<1x2048xf32>
    %mul3A_125 = vector.broadcast %get3A_124 : vector<1x2048xf32> to vector<104x2048xf32>
    %mul3A_126 = arith.mulf %select_n3A, %mul3A_125 : vector<104x2048xf32>
    %swap3A_127 = arith.constant 1560 : index
    %swap3A_128 = arith.constant 0 : index
    %swap3A_129 = vector.load %arg3[%swap3A_127, %swap3A_128] : memref<2704x2048xf32, #tpu.memory_space<vmem>>, vector<104x2048xf32>
    tpu.vector_store %arg3[%swap3A_127, %swap3A_128], %mul3A_126 {strides = array<i32>} : memref<2704x2048xf32, #tpu.memory_space<vmem>>, vector<104x2048xf32>,
    %get3A_130 = arith.constant 16 : index
    %get3A_131 = arith.constant 0 : index
    %get3A_132 = vector.load %arg1[%get3A_130, %get3A_131] : memref<32x2048xf32, #tpu.memory_space<vmem>>, vector<1x2048xf32>
    %mul3A_133 = vector.broadcast %get3A_132 : vector<1x2048xf32> to vector<104x2048xf32>
    %mul3A_134 = arith.mulf %select_n3A, %mul3A_133 : vector<104x2048xf32>
    %swap3A_135 = arith.constant 1664 : index
    %swap3A_136 = arith.constant 0 : index
    %swap3A_137 = vector.load %arg3[%swap3A_135, %swap3A_136] : memref<2704x2048xf32, #tpu.memory_space<vmem>>, vector<104x2048xf32>
    tpu.vector_store %arg3[%swap3A_135, %swap3A_136], %mul3A_134 {strides = array<i32>} : memref<2704x2048xf32, #tpu.memory_space<vmem>>, vector<104x2048xf32>,
    %get3A_138 = arith.constant 17 : index
    %get3A_139 = arith.constant 0 : index
    %get3A_140 = vector.load %arg1[%get3A_138, %get3A_139] : memref<32x2048xf32, #tpu.memory_space<vmem>>, vector<1x2048xf32>
    %mul3A_141 = vector.broadcast %get3A_140 : vector<1x2048xf32> to vector<104x2048xf32>
    %mul3A_142 = arith.mulf %select_n3A, %mul3A_141 : vector<104x2048xf32>
    %swap3A_143 = arith.constant 1768 : index
    %swap3A_144 = arith.constant 0 : index
    %swap3A_145 = vector.load %arg3[%swap3A_143, %swap3A_144] : memref<2704x2048xf32, #tpu.memory_space<vmem>>, vector<104x2048xf32>
    tpu.vector_store %arg3[%swap3A_143, %swap3A_144], %mul3A_142 {strides = array<i32>} : memref<2704x2048xf32, #tpu.memory_space<vmem>>, vector<104x2048xf32>,
    %get3A_146 = arith.constant 18 : index
    %get3A_147 = arith.constant 0 : index
    %get3A_148 = vector.load %arg1[%get3A_146, %get3A_147] : memref<32x2048xf32, #tpu.memory_space<vmem>>, vector<1x2048xf32>
    %mul3A_149 = vector.broadcast %get3A_148 : vector<1x2048xf32> to vector<104x2048xf32>
    %mul3A_150 = arith.mulf %select_n3A, %mul3A_149 : vector<104x2048xf32>
    %swap3A_151 = arith.constant 1872 : index
    %swap3A_152 = arith.constant 0 : index
    %swap3A_153 = vector.load %arg3[%swap3A_151, %swap3A_152] : memref<2704x2048xf32, #tpu.memory_space<vmem>>, vector<104x2048xf32>
    tpu.vector_store %arg3[%swap3A_151, %swap3A_152], %mul3A_150 {strides = array<i32>} : memref<2704x2048xf32, #tpu.memory_space<vmem>>, vector<104x2048xf32>,
    %get3A_154 = arith.constant 19 : index
    %get3A_155 = arith.constant 0 : index
    %get3A_156 = vector.load %arg1[%get3A_154, %get3A_155] : memref<32x2048xf32, #tpu.memory_space<vmem>>, vector<1x2048xf32>
    %mul3A_157 = vector.broadcast %get3A_156 : vector<1x2048xf32> to vector<104x2048xf32>
    %mul3A_158 = arith.mulf %select_n3A, %mul3A_157 : vector<104x2048xf32>
    %swap3A_159 = arith.constant 1976 : index
    %swap3A_160 = arith.constant 0 : index
    %swap3A_161 = vector.load %arg3[%swap3A_159, %swap3A_160] : memref<2704x2048xf32, #tpu.memory_space<vmem>>, vector<104x2048xf32>
    tpu.vector_store %arg3[%swap3A_159, %swap3A_160], %mul3A_158 {strides = array<i32>} : memref<2704x2048xf32, #tpu.memory_space<vmem>>, vector<104x2048xf32>,
    %get3A_162 = arith.constant 20 : index
    %get3A_163 = arith.constant 0 : index
    %get3A_164 = vector.load %arg1[%get3A_162, %get3A_163] : memref<32x2048xf32, #tpu.memory_space<vmem>>, vector<1x2048xf32>
    %mul3A_165 = vector.broadcast %get3A_164 : vector<1x2048xf32> to vector<104x2048xf32>
    %mul3A_166 = arith.mulf %select_n3A, %mul3A_165 : vector<104x2048xf32>
    %swap3A_167 = arith.constant 2080 : index
    %swap3A_168 = arith.constant 0 : index
    %swap3A_169 = vector.load %arg3[%swap3A_167, %swap3A_168] : memref<2704x2048xf32, #tpu.memory_space<vmem>>, vector<104x2048xf32>
    tpu.vector_store %arg3[%swap3A_167, %swap3A_168], %mul3A_166 {strides = array<i32>} : memref<2704x2048xf32, #tpu.memory_space<vmem>>, vector<104x2048xf32>,
    %get3A_170 = arith.constant 21 : index
    %get3A_171 = arith.constant 0 : index
    %get3A_172 = vector.load %arg1[%get3A_170, %get3A_171] : memref<32x2048xf32, #tpu.memory_space<vmem>>, vector<1x2048xf32>
    %mul3A_173 = vector.broadcast %get3A_172 : vector<1x2048xf32> to vector<104x2048xf32>
    %mul3A_174 = arith.mulf %select_n3A, %mul3A_173 : vector<104x2048xf32>
    %swap3A_175 = arith.constant 2184 : index
    %swap3A_176 = arith.constant 0 : index
    %swap3A_177 = vector.load %arg3[%swap3A_175, %swap3A_176] : memref<2704x2048xf32, #tpu.memory_space<vmem>>, vector<104x2048xf32>
    tpu.vector_store %arg3[%swap3A_175, %swap3A_176], %mul3A_174 {strides = array<i32>} : memref<2704x2048xf32, #tpu.memory_space<vmem>>, vector<104x2048xf32>,
    %get3A_178 = arith.constant 22 : index
    %get3A_179 = arith.constant 0 : index
    %get3A_180 = vector.load %arg1[%get3A_178, %get3A_179] : memref<32x2048xf32, #tpu.memory_space<vmem>>, vector<1x2048xf32>
    %mul3A_181 = vector.broadcast %get3A_180 : vector<1x2048xf32> to vector<104x2048xf32>
    %mul3A_182 = arith.mulf %select_n3A, %mul3A_181 : vector<104x2048xf32>
    %swap3A_183 = arith.constant 2288 : index
    %swap3A_184 = arith.constant 0 : index
    %swap3A_185 = vector.load %arg3[%swap3A_183, %swap3A_184] : memref<2704x2048xf32, #tpu.memory_space<vmem>>, vector<104x2048xf32>
    tpu.vector_store %arg3[%swap3A_183, %swap3A_184], %mul3A_182 {strides = array<i32>} : memref<2704x2048xf32, #tpu.memory_space<vmem>>, vector<104x2048xf32>,
    %get3A_186 = arith.constant 23 : index
    %get3A_187 = arith.constant 0 : index
    %get3A_188 = vector.load %arg1[%get3A_186, %get3A_187] : memref<32x2048xf32, #tpu.memory_space<vmem>>, vector<1x2048xf32>
    %mul3A_189 = vector.broadcast %get3A_188 : vector<1x2048xf32> to vector<104x2048xf32>
    %mul3A_190 = arith.mulf %select_n3A, %mul3A_189 : vector<104x2048xf32>
    %swap3A_191 = arith.constant 2392 : index
    %swap3A_192 = arith.constant 0 : index
    %swap3A_193 = vector.load %arg3[%swap3A_191, %swap3A_192] : memref<2704x2048xf32, #tpu.memory_space<vmem>>, vector<104x2048xf32>
    tpu.vector_store %arg3[%swap3A_191, %swap3A_192], %mul3A_190 {strides = array<i32>} : memref<2704x2048xf32, #tpu.memory_space<vmem>>, vector<104x2048xf32>,
    %get3A_194 = arith.constant 24 : index
    %get3A_195 = arith.constant 0 : index
    %get3A_196 = vector.load %arg1[%get3A_194, %get3A_195] : memref<32x2048xf32, #tpu.memory_space<vmem>>, vector<1x2048xf32>
    %mul3A_197 = vector.broadcast %get3A_196 : vector<1x2048xf32> to vector<104x2048xf32>
    %mul3A_198 = arith.mulf %select_n3A, %mul3A_197 : vector<104x2048xf32>
    %swap3A_199 = arith.constant 2496 : index
    %swap3A_200 = arith.constant 0 : index
    %swap3A_201 = vector.load %arg3[%swap3A_199, %swap3A_200] : memref<2704x2048xf32, #tpu.memory_space<vmem>>, vector<104x2048xf32>
    tpu.vector_store %arg3[%swap3A_199, %swap3A_200], %mul3A_198 {strides = array<i32>} : memref<2704x2048xf32, #tpu.memory_space<vmem>>, vector<104x2048xf32>,
    %get3A_202 = arith.constant 25 : index
    %get3A_203 = arith.constant 0 : index
    %get3A_204 = vector.load %arg1[%get3A_202, %get3A_203] : memref<32x2048xf32, #tpu.memory_space<vmem>>, vector<1x2048xf32>
    %mul3A_205 = vector.broadcast %get3A_204 : vector<1x2048xf32> to vector<104x2048xf32>
    %mul3A_206 = arith.mulf %select_n3A, %mul3A_205 : vector<104x2048xf32>
    %swap3A_207 = arith.constant 2600 : index
    %swap3A_208 = arith.constant 0 : index
    %swap3A_209 = vector.load %arg3[%swap3A_207, %swap3A_208] : memref<2704x2048xf32, #tpu.memory_space<vmem>>, vector<104x2048xf32>
    tpu.vector_store %arg3[%swap3A_207, %swap3A_208], %mul3A_206 {strides = array<i32>} : memref<2704x2048xf32, #tpu.memory_space<vmem>>, vector<104x2048xf32>,
    return
  }
  func.func @transform_0(%arg0: i32) -> (i32, i32) {
    %c0_i32 = arith.constant 0 : i32
    %c0_i32_0 = arith.constant 0 : i32
    %c0_i32_1 = arith.constant 0 : i32
    return %c0_i32, %c0_i32_0 : i32, i32
  }
  func.func @transform_1(%arg0: i32) -> (i32, i32) {
    %c0_i32 = arith.constant 0 : i32
    %c0_i32_0 = arith.constant 0 : i32
    %c0_i32_1 = arith.constant 0 : i32
    return %c0_i32, %c0_i32_0 : i32, i32
  }
  func.func @transform_2(%arg0: i32) -> (i32, i32) {
    %c0_i32 = arith.constant 0 : i32
    %c0_i32_0 = arith.constant 0 : i32
    %c0_i32_1 = arith.constant 0 : i32
    return %c0_i32, %c0_i32_0 : i32, i32
  }
}

</mosaic_0001>

<sc_bundles>
// kernel: kernel.4.cloned.1.call-start
scs
__scs_entry_jumppad:
0x0: {  	(pc) =	sbr.rel $0x88, $3  }
0x1: {  	(tag) =	ssettag $0x0;
	lr =	simm.s32 $0x1  }
0x2: {  	[smem:$0x3F9E] =	sst lr;
	_ =	strace $0xD0000000  }
0x3: {  	_ = 	snop  }
0x4: {  	_ = 	snop  }
0x5: {  	_ = 	snop  }
0x6: {  	_ = 	snop  }
0x7: {  	_ = 	snop  }
__scs_overlays_trampoline_lowered:
0x8: {  	[smem:$0x3FAD] =	sst s0  }
0x9: {  	[smem:$0x3FAE] =	sst s1  }
0xa: {  	[smem:$0x3FAF] =	sst s2  }
0xb: {  	[smem:$0x3FB0] =	sst s3  }
0xc: {  	[smem:$0x3FB1] =	sst s4  }
0xd: {  	[smem:$0x3FB2] =	sst s5  }
0xe: {  	[smem:$0x3FB3] =	sst s6  }
0xf: {  	[smem:$0x3FB4] =	sst s7  }
0x10: {  	[smem:$0x3FB5] =	sst s8  }
0x11: {  	[smem:$0x3FB6] =	sst s9;
	s0 =	simm.s32 @!p0 $0x0  }
0x12: {  	s1 =	sld [smem:$0x3F9C];
	s0 =	simm.s32 @p0 $0x1  }
0x13: {  	[smem:$0x3FB7] =	sst s0;
	s0 =	simm.s32 @!p1 $0x0  }
0x14: {  	s2 =	sld [smem:$0x3F9B];
	s0 =	simm.s32 @p1 $0x1  }
0x15: {  	[smem:$0x3FB8] =	sst s0;
	s0 =	simm.s32 @!p2 $0x0  }
0x16: {  	s3 =	sld [smem:$0x3FDB];
	s0 =	simm.s32 @p2 $0x1  }
0x17: {  	s4 =	simm.s32 $0x1BF5;
	[smem:$0x3FBA] =	sst s0  }
0x18: {  	s0 =	sld [smem:$0x3F9D];
	_ =	swait.ge [sflag:s4], $0x0  }
0x19: {  	s7 =	sld [smem:$0x3F9E]  }
0x1a: {  	s8 =	sadd.s32 $0xFFFFE003, lr  }
0x1b: {  	s9 =	sadd.s32 $0xFFFFFEF7, lr;
	s5 =	simm.s32 $0xFFFFFFFF;
	p2 =	slt.u32 s8, $0xFFFFF086  }
0x1c: {  	p1 =	slt.u32 s9, $0xF7A;
	s5 =	simm.s32 @!p2 $0x0  }
0x1d: {  	s5 =	simm.s32 @p1 $0x1;
	p0 =	seq.s32 s7, s2  }
0x1e: {  	s7 =	smul.u32 @!p0 $0xF7A, s2;
	p2 =	seq.s32 @!p0 s5, $0x0  }
0x1f: {  	s9 =	smul.u32 $0xF7A, s1;
	s8 =	simm.s32 @!p0 $0x1BF5;
	p2 =	por !p2, p0  }
0x20: {  	[sflag:s8] =	ssyncset.s32 @!p0 $0xFFFFF086;
	s6 =	sadd.s32 @!p0 s3, s7;
	s7 =	simm.s32 @!p0 $0x108  }
0x21: {  	s3 =	sadd.s32 s3, s9;
	s6 =	sadd.s32 @!p0 $0x88, s6;
	s7 =	simm.s32 @p2 $0x1082  }
0x22: {  	[simem:s7], [sflag:s8] =	dma.local @!p0 [hbm:s6], $0xF7A  }
0x23: {  	s9 =	sor.u32 $0xD0000000, s2;
	s6 =	simm.s32 $0x108;
	_ =	swait.ge @!p0 [sflag:s8], $0x0  }
0x24: {  	s3 =	sadd.s32 $0x88, s3;
	s6 =	simm.s32 @!p1 $0x1082;
	[sflag:s4] =	ssyncset.s32 $0xFFFFF086  }
0x25: {  	[simem:s6], [sflag:s4] =	dma.local [hbm:s3], $0xF7A  }
0x26: {  	[smem:$0x3F9E] =	sst s1;
	(tag) =	ssettag s2;
	_ =	strace s9  }
0x27: {  	s1 =	sld [smem:$0x3FAE]  }
0x28: {  	s2 =	sld [smem:$0x3FAF]  }
0x29: {  	s4 =	sld [smem:$0x3FB1]  }
0x2a: {  	p0 =	seq.s32 s5, $0x0;
	s5 =	sld [smem:$0x3FB2]  }
0x2b: {  	s6 =	sld [smem:$0x3FB3]  }
0x2c: {  	s7 =	sld [smem:$0x3FB4]  }
0x2d: {  	s3 =	simm.s32 $0x108;
	s8 =	sld [smem:$0x3FB5]  }
0x2e: {  	s3 =	simm.s32 @!p0 $0x1082;
	s9 =	sld [smem:$0x3FB6]  }
0x2f: {  	lr =	sadd.s32 s0, s3;
	s0 =	sld [smem:$0x3FAD]  }
0x30: {  	s3 =	sld [smem:$0x3FB0]  }
0x31: {  	[smem:$0x3FB9] =	sst s10  }
0x32: {  	s10 =	sld [smem:$0x3FB7];
	_ =	sdelay $0x3  }
0x33: {  	p0 =	seq.s32 s10, $0x1;
	s10 =	sld [smem:$0x3FB9];
	_ =	sdelay $0x3  }
0x34: {  	[smem:$0x3FB9] =	sst s10  }
0x35: {  	s10 =	sld [smem:$0x3FB8];
	_ =	sdelay $0x3  }
0x36: {  	p1 =	seq.s32 s10, $0x1;
	s10 =	sld [smem:$0x3FB9];
	_ =	sdelay $0x3  }
0x37: {  	[smem:$0x3FB9] =	sst s10  }
0x38: {  	s10 =	sld [smem:$0x3FBA]  }
0x39: {  	_ = 	snop;
	(pc) =	sbr.ind lr, $3  }
0x3a: {  	_ = 	snop  }
0x3b: {  	_ = 	snop  }
0x3c: {  	p2 =	seq.s32 s10, $0x1;
	s10 =	sld [smem:$0x3FB9]  }
0x3d: {  	_ =	shalt  }
0x3e: {  	_ =	shalt  }
0x3f: {  	_ =	shalt  }
0x40: {  	_ =	shalt  }
0x41: {  	_ =	shalt  }
0x42: {  	_ =	shalt  }
0x43: {  	_ =	shalt  }
0x44: {  	_ =	shalt  }
0x45: {  	_ =	shalt  }
0x46: {  	_ =	shalt  }
0x47: {  	_ =	shalt  }
0x48: {  	_ =	shalt  }
0x49: {  	_ =	shalt  }
0x4a: {  	_ =	shalt  }
0x4b: {  	_ =	shalt  }
0x4c: {  	_ =	shalt  }
0x4d: {  	_ =	shalt  }
0x4e: {  	_ =	shalt  }
0x4f: {  	_ =	shalt  }
0x50: {  	_ =	shalt  }
0x51: {  	_ =	shalt  }
0x52: {  	_ =	shalt  }
0x53: {  	_ =	shalt  }
0x54: {  	_ =	shalt  }
0x55: {  	_ =	shalt  }
0x56: {  	_ =	shalt  }
0x57: {  	_ =	shalt  }
0x58: {  	_ =	shalt  }
0x59: {  	_ =	shalt  }
0x5a: {  	_ =	shalt  }
0x5b: {  	_ =	shalt  }
0x5c: {  	_ =	shalt  }
0x5d: {  	_ =	shalt  }
0x5e: {  	_ =	shalt  }
0x5f: {  	_ =	shalt  }
0x60: {  	_ =	shalt  }
0x61: {  	_ =	shalt  }
0x62: {  	_ =	shalt  }
0x63: {  	_ =	shalt  }
0x64: {  	_ =	shalt  }
0x65: {  	_ =	shalt  }
0x66: {  	_ =	shalt  }
0x67: {  	_ =	shalt  }
0x68: {  	_ =	shalt  }
0x69: {  	_ =	shalt  }
0x6a: {  	_ =	shalt  }
0x6b: {  	_ =	shalt  }
0x6c: {  	_ =	shalt  }
0x6d: {  	_ =	shalt  }
0x6e: {  	_ =	shalt  }
0x6f: {  	_ =	shalt  }
0x70: {  	_ =	shalt  }
0x71: {  	_ =	shalt  }
0x72: {  	_ =	shalt  }
0x73: {  	_ =	shalt  }
0x74: {  	_ =	shalt  }
0x75: {  	_ =	shalt  }
0x76: {  	_ =	shalt  }
0x77: {  	_ =	shalt  }
0x78: {  	_ =	shalt  }
0x79: {  	_ =	shalt  }
0x7a: {  	_ =	shalt  }
0x7b: {  	_ =	shalt  }
0x7c: {  	_ =	shalt  }
0x7d: {  	_ =	shalt  }
0x7e: {  	_ =	shalt  }
0x7f: {  	_ =	shalt  }
0x80: {  	_ =	shalt  }
0x81: {  	_ =	shalt  }
0x82: {  	_ =	shalt  }
0x83: {  	_ =	shalt  }
0x84: {  	_ =	shalt  }
0x85: {  	_ =	shalt  }
0x86: {  	_ =	shalt  }
0x87: {  	_ =	shalt  }
.Lfunc_end0:
.L_simem_size_0:
called_computation_lowered:
.L_overlay_start_0:
0x88: {  	s2 =	sld [smem:$0x3FD9]  }
0x89: {  	s3 =	sld [smem:$0x3FFE];
	_ =	sdelay $0x1  }
0x8a: {  	s1 =	srdreg.scid  }
0x8b: {  	s0 =	sand.u32 $0x1, s1  }
0x8c: {  	s17 =	sshll.u32 s0, $0xA;
	s2 =	sadd.s32 s3, s2  }
0x8d: {  	s2 =	sadd.s32 s2, s17  }
0x8e: {  	[smem:$0x3FC5] =	sst s2  }
0x8f: {  	_ = 	snop  }
0x90: {  	s2 =	sld [smem:$0x3FD0];
	(tm) =	ssettm $0x1  }
0x91: {  	s18 =	sld [smem:$0x3FFB];
	_ =	sdelay $0x3  }
0x92: {  	_ =	strace s18  }
0x93: {  	s3 =	sld [smem:$0x3FFC];
	_ =	sdelay $0x3  }
0x94: {  	_ =	strace s3  }
0x95: {  	s3 =	sld [smem:$0x3FFD];
	_ =	sdelay $0x3  }
0x96: {  	_ =	strace s3  }
0x97: {  	_ =	strace $0x8FFFFFFF  }
0x98: {  	s19 =	sld [smem:$0x3FDB];
	_ =	sdelay $0x1  }
0x99: {  	s4 =	simm.s32 $_scs_section_size  }
0x9a: {  	s5 =	simm.s32 $_size__tile_overlayer_lowered;
	s6 =	simm.s32 $_tile_overlayer_lowered  }
0x9b: {  	s22 =	simm.s32 $0x1BFF;
	s21 =	sshll.u32 s6, $0x1;
	s3 =	sadd.s32 s4, s19  }
0x9c: {  	s7 =	simm.s32 $0x0;
	s20 =	sshll.u32 s5, $0x1;
	s5 =	sadd.s32 s21, s3  }
0x9d: {  	[timem:s7], [sflag:s22] =	dma.local [hbm:s5], s20  }
0x9e: {  	_ =	swait.ge [sflag:s22], s20  }
0x9f: {  	s4 =	ssub.s32 $0x0, s20;
	[sflag:s22] =	ssyncset.done $0x0  }
0xa0: {  	[sflag:s22] =	ssyncadd.s32 s4;
	_ =	sdelay $0x1  }
0xa1: {  	s23 =	simm.s32 $0x1B8B  }
0xa2: {  	_ =	swait.ge [sflag:s23], $0x1  }
0xa3: {  	[sflag:s23] =	ssyncset.done $0x0  }
0xa4: {  	s25 =	simm.s32 $0x1B8E;
	s24 =	sld [smem:$0x3FFE];
	[sflag:s23] =	ssyncadd.s32 $0xFFFFFFFF  }
0xa5: {  	s26 =	simm.s32 $execute0_lowered;
	[smem:$0x3FD2] =	sst s25  }
0xa6: {  	s5 =	sshll.u32 s26, $0x1;
	_ =	strace $0x80000046;
	[dreg:$0x1] =	wrdreg $0xFFFFFFFF  }
0xa7: {  	s28 =	simm.s32 $_size_execute0_lowered;
	s3 =	sadd.s32 s3, s5;
	[dreg:$0x0] =	wrdreg $0x0  }
0xa8: {  	s5 =	sshll.u32 s28, $0x1;
	[dreg:$0x2] =	wrdreg s3  }
0xa9: {  	[dreg:$0x3] =	wrdreg s5  }
0xaa: {  	[dreg:$0x4] =	wrdreg $0xC0  }
0xab: {  	_ =	task [dreg:s7], $0x5FFFF  }
0xac: {  	[dreg:$0x1] =	wrdreg $0xFFFFFFFF  }
0xad: {  	[dreg:$0x0] =	wrdreg $0x60  }
0xae: {  	[dreg:$0x2] =	wrdreg s24  }
0xaf: {  	[dreg:$0x3] =	wrdreg s2  }
0xb0: {  	[dreg:$0x4] =	wrdreg $0x9  }
0xb1: {  	_ =	task.clear_ibuf [dreg:s7], $0x5FFFF;
	_ =	strace $0x90000046  }
0xb2: {  	s29 =	simm.s32 $0x9;
	_ =	strace $0x80000048  }
0xb3: {  	_ =	swait.ge [sflag:s29], $0x1  }
0xb4: {  	[sflag:s29] =	ssyncadd.s32 $0xFFFFFFFF  }
0xb5: {  	_ =	strace $0x90000048  }
0xb6: {  	_ =	sfence  }
0xb7: {  	s30 =	sld [smem:$0x0];
	_ =	sdelay $0x2  }
0xb8: {  	s31 =	sshll.u32 s1, $0xD;
	s1 =	sshrl.u32 s1, $0x2  }
0xb9: {  	s3 =	sand.u32 $0x4000, s31;
	s1 =	sadd.s32 s1, s30  }
0xba: {  	s0 =	sor.u32 s3, s0;
	s1 =	sshll.u32 s1, $0x11  }
0xbb: {  	s0 =	sor.u32 s1, s0  }
0xbc: {  	s0 =	sadd.s32 $0x8F2B, s0  }
0xbd: {  	[sflag:s0] =	ssyncadd.remote.s32 $0x1  }
0xbe: {  	_ =	sfence.sel $0xFFFF  }
0xbf: {  	[dreg:$0x0] =	wrdreg $0xFFFFFFFF;
	(pc) =	sbr.abs _section_cstart, $3  }
0xc0: {  	[dreg:$0x1] =	wrdreg $0xFFFFFFFF  }
0xc1: {  	_ =	task.clear_ibuf [dreg:s7], $0x2FFFF;
	_ =	strace $0x9FFFFFFF  }
0xc2: {  	(tm) =	ssettm $0x7FFFFFFF  }
0xc3: {  	_ =	shalt  }
tec
execute0_lowered:
.L_overlay_start_1:
0x0: {  	(tag) =	ssettag $0x1  }
0x1: {  	s0 =	rddreg [dreg:$0x0];
	s1 =	srdreg.scid  }
0x2: {  	s3 =	stileid.u32;
	s2 =	rddreg [dreg:$0x1]  }
0x3: {  	s5 =	simm.s32 $0x0;
	s15 =	simm.s32 $0x2;
	s16 =	simm.s32 $0x1  }
0x4: {  	s20 =	simm.s32 $0xC280;
	s21 =	simm.s32 $0xCA80;
	s22 =	simm.s32 $0xD280  }
0x5: {  	s23 =	simm.s32 $0xDA80;
	s28 =	simm.s32 $0xFA80;
	s29 =	simm.s32 $0x10280  }
0x6: {  	s30 =	simm.s32 $0x80;
	s31 =	simm.s32 $0x400;
	s1 =	sand.u32 $0x1, s1  }
0x7: {  	s3 =	sshll.u32 s3, $0x1;
	[smem:$0x7FF] =	sst s5;
	s7 =	sadd.s32 $0x2600, s0  }
0x8: {  	s8 =	sadd.s32 $0x2700, s0;
	s9 =	sadd.s32 $0x2800, s0;
	s10 =	sadd.s32 $0x2900, s0  }
0x9: {  	s11 =	sadd.s32 $0x2A00, s0;
	s12 =	sadd.s32 $0x2B00, s0;
	s4 =	sor.u32 s1, s3  }
0xa: {  	s1 =	ssub.s32 $0x2, s1;
	_ =	strace $0x80000047;
	s3 =	sadd.s32 $0x2400, s0  }
0xb: {  	s24 =	smul.u32 $0x68, s4;
	s6 =	sshrl.u32 s1, $0x1;
	s4 =	sshll.u32 s4, $0xD  }
0xc: {  	s1 =	ssub.s32 s1, s6;
	s6 =	sadd.s32 $0x2500, s0;
	s13 =	sadd.s32 s2, s4  }
0xd: {  	s2 =	simm.s32 $0x0;
	s5 =	sadd.s32 s24, s0;
	s26 =	smax.u32 s1, $0x1  }
0xe: {  	s24 =	simm.s32 $0xE280;
	s25 =	sadd.s32 $0x1600, s5;
	[dreg:$0x5] =	wrdreg s26  }
0xf: {  	s1 =	simm.s32 $0x10A80;
	s5 =	sadd.s32 $0x800, s5;
	[dreg:$0x3] =	wrdreg s25  }
0x10: {  	v0 =	vimm.s32 $0x0;
	v1 =	vlaneseq.u32;
	v2 =	vimm.f32 $-1.000000000e+00;
	s26 =	simm.s32 $0xF280;
	[dreg:$0x4] =	wrdreg s5;
	s25 =	simm.s32 $0xEA80  }
.LBB2_1:
0x11: {  	[dreg:$0x6] =	wrdreg s2  }
0x12: {  	s0 =	simm.s32 $0x0;
	s18 =	rddreg [dreg:$0x3]  }
0x13: {  	[tilespmem:s0], [sflag:$0x2] =	stream.linear.gather [hbm4b:s18+s0], $0x340, $0x38;
	[tilespmem:$0x11280] =	vst v63  }
0x14: {  	_ =	swait.ge [sflag:s15], $0x340  }
0x15: {  	[sflag:s15] =	ssyncset.done $0x0  }
0x16: {  	s4 =	simm.s32 $0x380;
	s19 =	rddreg [dreg:$0x4];
	[sflag:s15] =	ssyncadd.s32 $0xFFFFFCC0  }
0x17: {  	[tilespmem:s4], [sflag:$0x2] =	stream.linear.gather [hbm4b:s19+s0], $0x340, $0x38;
	[tilespmem:$0x11280] =	vst v63  }
0x18: {  	_ =	swait.ge [sflag:s15], $0x340  }
0x19: {  	[sflag:s15] =	ssyncset.done $0x0  }
0x1a: {  	[sflag:s15] =	ssyncadd.s32 $0xFFFFFCC0  }
0x1b: {  	v3 =	vld [tilespmem:$0x0]  }
0x1c: {  	v4 =	vld [tilespmem:$0x10]  }
0x1d: {  	v8 =	vld [tilespmem:$0x20]  }
0x1e: {  	v58 =	vld [tilespmem:$0x30]  }
0x1f: {  	v63 =	vld [tilespmem:$0x40]  }
0x20: {  	v12 =	vld [tilespmem:$0x50]  }
0x21: {  	v31 =	vld [tilespmem:$0x60]  }
0x22: {  	v47 =	vld [tilespmem:$0x80]  }
0x23: {  	v3 =	vmul.f32 $9.900000000e+01, v3  }
0x24: {  	v4 =	vmul.f32 $9.900000000e+01, v4;
	v54 =	vmul.f32 $9.900000000e+01, v8  }
0x25: {  	v62 =	vmul.f32 $9.900000000e+01, v58;
	v8 =	vmul.f32 $9.900000000e+01, v63  }
0x26: {  	v26 =	vmul.f32 $9.900000000e+01, v12;
	v38 =	vmul.f32 $9.900000000e+01, v31  }
0x27: {  	v12 =	vmul.f32 $9.900000000e+01, v47;
	v5 =	vtrunc.f32 v3  }
0x28: {  	v7 =	vtrunc.f32 v4;
	v57 =	vtrunc.f32 v54  }
0x29: {  	v18 =	vtrunc.f32 v62;
	v23 =	vtrunc.f32 v8  }
0x2a: {  	v15 =	vtrunc.f32 v26;
	v5 =	vcvt.f32.s32 v5  }
0x2b: {  	v52 =	vcvt.f32.s32 v7;
	v19 =	vcvt.f32.s32 v18  }
0x2c: {  	v30 =	vcvt.f32.s32 v15;
	v15 =	vtrunc.f32 v38  }
0x2d: {  	v43 =	vcvt.f32.s32 v15;
	v6 =	vcvt.s32.f32 v5  }
0x2e: {  	v53 =	vand.u32 $0x1, v5;
	v9 =	vcvt.s32.f32 v52;
	v56 =	vand.u32 $0x1, v52  }
0x2f: {  	v13 =	vcvt.s32.f32 v19;
	v25 =	vand.u32 $0x1, v19;
	v34 =	vcvt.s32.f32 v30  }
0x30: {  	v42 =	vand.u32 $0x1, v30;
	vm1 =	veq.s32 v53, $0x1;
	vm2 =	veq.s32 v56, $0x1  }
0x31: {  	vm13 =	veq.s32 v25, $0x1;
	v45 =	vcvt.s32.f32 v43;
	v3 =	vsub.f32 v3, v6  }
0x32: {  	v49 =	vand.u32 $0x1, v43;
	v56 =	vtrunc.f32 v12;
	v7 =	vsub.f32 v62, v13  }
0x33: {  	v37 =	vsub.f32 v26, v34;
	vm0 =	vgt.f32 v3, $5.000000000e-01;
	vm14 =	veq.f32 v3, $5.000000000e-01  }
0x34: {  	v3 =	vsub.f32 v4, v9;
	v9 =	vcvt.f32.s32 v23;
	vm12 =	veq.f32 v7, $5.000000000e-01  }
0x35: {  	v10 =	vsel vm0, $0x1, v0;
	vm0 =	vmand vm14, vm1;
	vm14 =	vgt.f32 v7, $5.000000000e-01  }
0x36: {  	v55 =	vsel vm0, $0x1, v0;
	v5 =	vadd.s32 v5, v10;
	vm15 =	vgt.f32 v3, $5.000000000e-01  }
0x37: {  	vm4 =	veq.f32 v3, $5.000000000e-01;
	v3 =	vcvt.f32.s32 v57;
	v27 =	vcvt.s32.f32 v9  }
0x38: {  	v29 =	vsel vm14, $0x1, v0;
	v36 =	vand.u32 $0x1, v9;
	v59 =	vsel vm15, $0x1, v0  }
0x39: {  	v5 =	vadd.s32 v55, v5;
	vm5 =	vmand vm4, vm2;
	v13 =	vadd.s32 v19, v29  }
0x3a: {  	v60 =	vsel vm5, $0x1, v0;
	v6 =	vadd.s32 v52, v59;
	v61 =	vcvt.s32.f32 v3  }
0x3b: {  	vm6 =	vgt.s32 v5, $0x0;
	v17 =	vand.u32 $0x1, v3;
	v7 =	vsub.f32 v8, v27  }
0x3c: {  	v6 =	vadd.s32 v60, v6;
	v5 =	vnsel vm6, $0x0, v5;
	vm9 =	veq.s32 v17, $0x1  }
0x3d: {  	v24 =	vld [tilespmem:$0x390];
	vm6 =	veq.s32 v36, $0x1;
	vm7 =	vgt.s32 v6, $0x0;
	v4 =	vsub.f32 v54, v61  }
0x3e: {  	v5 =	vmin.u32 v5, $0x63;
	vm4 =	vgt.f32 v7, $5.000000000e-01;
	vm5 =	veq.f32 v7, $5.000000000e-01  }
0x3f: {  	v16 =	vld [tilespmem:$0x380];
	v6 =	vnsel vm7, $0x0, v6;
	v35 =	vsel vm4, $0x1, v0;
	vm7 =	vgt.f32 v37, $5.000000000e-01  }
0x40: {  	vm8 =	veq.f32 v4, $5.000000000e-01;
	vm10 =	vgt.f32 v4, $5.000000000e-01;
	v21 =	vmin.u32 v6, $0x63  }
0x41: {  	v54 =	vld [tilespmem:$0x90];
	v9 =	vadd.s32 v9, v35;
	v41 =	vsel vm7, $0x1, v0;
	vm0 =	vmand vm8, vm9  }
0x42: {  	v20 =	vsel vm10, $0x1, v0;
	v4 =	vadd.s32 v24, v21;
	vm8 =	veq.f32 v37, $5.000000000e-01  }
0x43: {  	vm9 =	veq.s32 v42, $0x1;
	v8 =	vadd.s32 v30, v41;
	v11 =	vsel vm0, $0x1, v0  }
0x44: {  	v10 =	vadd.s32 v3, v20;
	v3 =	vadd.s32 v16, v5;
	vm0 =	vmand vm12, vm13  }
0x45: {  	vm13 =	veq.s32 v49, $0x1;
	v22 =	vadd.s32 v11, v10;
	v14 =	vsel vm0, $0x1, v0  }
0x46: {  	vm0 =	vmand vm5, vm6;
	v10 =	vsub.f32 v38, v45;
	v59 =	vmul.f32 $9.900000000e+01, v54  }
0x47: {  	vm11 =	vgt.s32 v22, $0x0;
	v33 =	vadd.s32 v14, v13;
	v40 =	vsel vm0, $0x1, v0  }
0x48: {  	v28 =	vld [tilespmem:$0x3A0];
	vm0 =	vmand vm8, vm9;
	v13 =	vcvt.f32.s32 v56;
	v6 =	vnsel vm11, $0x0, v22  }
0x49: {  	v24 =	vld [tilespmem:$0xA0];
	vm15 =	vgt.s32 v33, $0x0;
	v9 =	vadd.s32 v40, v9;
	v44 =	vsel vm0, $0x1, v0  }
0x4a: {  	v16 =	vld [tilespmem:$0x70];
	vm12 =	veq.f32 v10, $5.000000000e-01;
	vm14 =	vgt.f32 v10, $5.000000000e-01;
	v19 =	vtrunc.f32 v59  }
0x4b: {  	v39 =	vld [tilespmem:$0x3B0];
	v32 =	vmin.u32 v6, $0x63;
	v6 =	vnsel vm15, $0x0, v33;
	vm10 =	vgt.s32 v9, $0x0  }
0x4c: {  	v20 =	vld [tilespmem:$0xB0];
	v8 =	vadd.s32 v44, v8;
	vm0 =	vmand vm12, vm13;
	v52 =	vsel vm14, $0x1, v0  }
0x4d: {  	v60 =	vcvt.s32.f32 v13;
	v63 =	vcvt.f32.s32 v19;
	v27 =	vand.u32 $0x1, v13  }
0x4e: {  	v29 =	vmul.f32 $9.900000000e+01, v24;
	v5 =	vadd.s32 v28, v32;
	v6 =	vmin.u32 v6, $0x63  }
0x4f: {  	v48 =	vld [tilespmem:$0x3C0];
	vm11 =	vgt.s32 v8, $0x0;
	v46 =	vmul.f32 $9.900000000e+01, v16;
	v9 =	vnsel vm10, $0x0, v9  }
0x50: {  	v53 =	vsel vm0, $0x1, v0;
	v14 =	vadd.s32 v43, v52;
	vm10 =	veq.s32 v27, $0x1  }
0x51: {  	v57 =	vld [tilespmem:$0x3D0];
	v38 =	vmul.f32 $9.900000000e+01, v20;
	v6 =	vadd.s32 v39, v6;
	v8 =	vnsel vm11, $0x0, v8  }
0x52: {  	v9 =	vmin.u32 v9, $0x63;
	v55 =	vadd.s32 v53, v14;
	v25 =	vcvt.s32.f32 v63  }
0x53: {  	v24 =	vld [tilespmem:$0xF0];
	v33 =	vand.u32 $0x1, v63;
	v34 =	vtrunc.f32 v29;
	v50 =	vtrunc.f32 v46  }
0x54: {  	v61 =	vld [tilespmem:$0x3E0];
	v7 =	vadd.s32 v48, v9;
	v8 =	vmin.u32 v8, $0x63;
	vm15 =	vgt.s32 v55, $0x0  }
0x55: {  	vm13 =	veq.s32 v33, $0x1;
	v35 =	vcvt.f32.s32 v34;
	v42 =	vtrunc.f32 v38  }
0x56: {  	v56 =	vld [tilespmem:$0xE0];
	v51 =	vcvt.f32.s32 v50;
	v9 =	vnsel vm15, $0x0, v55;
	v8 =	vadd.s32 v57, v8  }
0x57: {  	v39 =	vld [tilespmem:$0xC0];
	v28 =	vsub.f32 v59, v25;
	v43 =	vcvt.f32.s32 v42;
	v9 =	vmin.u32 v9, $0x63  }
0x58: {  	v37 =	vcvt.s32.f32 v35;
	v41 =	vand.u32 $0x1, v35;
	v34 =	vmul.f32 $9.900000000e+01, v24  }
0x59: {  	v17 =	vcvt.s32.f32 v51;
	v58 =	vand.u32 $0x1, v51;
	v9 =	vadd.s32 v61, v9  }
0x5a: {  	vm11 =	vgt.f32 v28, $5.000000000e-01;
	vm12 =	veq.f32 v28, $5.000000000e-01;
	v21 =	vcvt.s32.f32 v43  }
0x5b: {  	v50 =	vand.u32 $0x1, v43;
	v61 =	vmul.f32 $9.900000000e+01, v56;
	vm5 =	veq.s32 v58, $0x1  }
0x5c: {  	v32 =	vsel vm11, $0x1, v0;
	v16 =	vmul.f32 $9.900000000e+01, v39;
	v11 =	vsub.f32 v46, v17  }
0x5d: {  	v14 =	vsub.f32 v29, v37;
	v15 =	vsub.f32 v38, v21;
	v38 =	vtrunc.f32 v34  }
0x5e: {  	v48 =	vtrunc.f32 v16;
	v39 =	vcvt.f32.s32 v38;
	vm4 =	veq.f32 v11, $5.000000000e-01  }
0x5f: {  	vm6 =	vgt.f32 v11, $5.000000000e-01;
	v11 =	vsub.f32 v12, v60;
	v12 =	vadd.s32 v63, v32  }
0x60: {  	v17 =	vcvt.f32.s32 v48;
	vm0 =	vmand vm4, vm5;
	v62 =	vsel vm6, $0x1, v0  }
0x61: {  	v46 =	vld [tilespmem:$0xD0];
	vm4 =	veq.f32 v14, $5.000000000e-01;
	vm5 =	veq.s32 v41, $0x1;
	vm6 =	vgt.f32 v14, $5.000000000e-01  }
0x62: {  	v25 =	vcvt.s32.f32 v39;
	v18 =	vsel vm0, $0x1, v0;
	v10 =	vadd.s32 v51, v62  }
0x63: {  	vm8 =	vgt.f32 v11, $5.000000000e-01;
	vm9 =	veq.f32 v11, $5.000000000e-01;
	v44 =	vsel vm6, $0x1, v0  }
0x64: {  	v52 =	vcvt.s32.f32 v17;
	v59 =	vand.u32 $0x1, v17;
	v10 =	vadd.s32 v18, v10  }
0x65: {  	v26 =	vsel vm8, $0x1, v0;
	vm0 =	vmand vm9, vm10;
	v18 =	vadd.s32 v35, v44  }
0x66: {  	vm8 =	veq.f32 v15, $5.000000000e-01;
	vm9 =	veq.s32 v50, $0x1;
	v51 =	vmul.f32 $9.900000000e+01, v46  }
0x67: {  	vm10 =	vgt.f32 v15, $5.000000000e-01;
	v19 =	vsub.f32 v34, v25;
	v46 =	vand.u32 $0x1, v39  }
0x68: {  	vm7 =	vgt.s32 v10, $0x0;
	v31 =	vsel vm0, $0x1, v0;
	v13 =	vadd.s32 v13, v26  }
0x69: {  	v30 =	vld [tilespmem:$0x3F0];
	vm0 =	vmand vm12, vm13;
	v54 =	vsel vm10, $0x1, v0;
	v15 =	vsub.f32 v16, v52  }
0x6a: {  	v10 =	vnsel vm7, $0x0, v10;
	v13 =	vadd.s32 v31, v13;
	v36 =	vsel vm0, $0x1, v0  }
0x6b: {  	vm0 =	vmand vm4, vm5;
	v23 =	vtrunc.f32 v51;
	v14 =	vadd.s32 v43, v54  }
0x6c: {  	v10 =	vmin.u32 v10, $0x63;
	vm14 =	vgt.s32 v13, $0x0;
	v12 =	vadd.s32 v36, v12  }
0x6d: {  	v45 =	vsel vm0, $0x1, v0;
	vm0 =	vmand vm8, vm9;
	v55 =	vcvt.f32.s32 v23  }
0x6e: {  	vm12 =	vgt.f32 v15, $5.000000000e-01;
	vm13 =	veq.f32 v15, $5.000000000e-01;
	v10 =	vadd.s32 v30, v10  }
0x6f: {  	v35 =	vld [tilespmem:$0x100];
	vm15 =	vgt.s32 v12, $0x0;
	v13 =	vnsel vm14, $0x0, v13;
	v47 =	vadd.s32 v45, v18  }
0x70: {  	v40 =	vld [tilespmem:$0x400];
	v22 =	vsel vm0, $0x1, v0;
	v58 =	vsel vm12, $0x1, v0;
	vm14 =	veq.s32 v59, $0x1  }
0x71: {  	v30 =	vtrunc.f32 v61;
	vm12 =	veq.f32 v19, $5.000000000e-01;
	v12 =	vnsel vm15, $0x0, v12  }
0x72: {  	v42 =	vld [tilespmem:$0x110];
	v13 =	vmin.u32 v13, $0x63;
	vm7 =	vgt.s32 v47, $0x0;
	v14 =	vadd.s32 v22, v14  }
0x73: {  	v49 =	vld [tilespmem:$0x410];
	v57 =	vcvt.s32.f32 v55;
	vm0 =	vmand vm13, vm14;
	v17 =	vadd.s32 v17, v58  }
0x74: {  	v29 =	vand.u32 $0x1, v55;
	v31 =	vcvt.f32.s32 v30;
	v20 =	vmul.f32 $9.900000000e+01, v35  }
0x75: {  	v53 =	vld [tilespmem:$0x420];
	vm13 =	veq.s32 v46, $0x1;
	vm14 =	vgt.f32 v19, $5.000000000e-01;
	v11 =	vadd.s32 v40, v13  }
0x76: {  	v52 =	vld [tilespmem:$0x120];
	v12 =	vmin.u32 v12, $0x63;
	v13 =	vnsel vm7, $0x0, v47;
	vm11 =	vgt.s32 v14, $0x0  }
0x77: {  	v63 =	vsel vm0, $0x1, v0;
	vm5 =	veq.s32 v29, $0x1;
	v47 =	vmul.f32 $9.900000000e+01, v42  }
0x78: {  	v50 =	vsel vm14, $0x1, v0;
	v12 =	vadd.s32 v49, v12;
	v13 =	vmin.u32 v13, $0x63  }
0x79: {  	v62 =	vld [tilespmem:$0x430];
	v14 =	vnsel vm11, $0x0, v14;
	v60 =	vsub.f32 v51, v57;
	v17 =	vadd.s32 v63, v17  }
0x7a: {  	v33 =	vcvt.s32.f32 v31;
	v37 =	vand.u32 $0x1, v31;
	v44 =	vtrunc.f32 v20  }
0x7b: {  	v57 =	vmul.f32 $9.900000000e+01, v52;
	v13 =	vadd.s32 v53, v13;
	v14 =	vmin.u32 v14, $0x63  }
0x7c: {  	v35 =	vld [tilespmem:$0x140];
	vm6 =	vgt.s32 v17, $0x0;
	vm9 =	veq.s32 v37, $0x1;
	v21 =	vcvt.f32.s32 v44  }
0x7d: {  	v27 =	vtrunc.f32 v47;
	vm15 =	vgt.f32 v60, $5.000000000e-01;
	vm4 =	veq.f32 v60, $5.000000000e-01  }
0x7e: {  	v36 =	vld [tilespmem:$0x440];
	v14 =	vadd.s32 v62, v14;
	v18 =	vsub.f32 v61, v33;
	v17 =	vnsel vm6, $0x0, v17  }
0x7f: {  	v51 =	vcvt.f32.s32 v27;
	v62 =	vtrunc.f32 v57;
	v28 =	vsel vm15, $0x1, v0  }
0x80: {  	vm0 =	vmand vm4, vm5;
	v17 =	vmin.u32 v17, $0x63;
	v48 =	vcvt.s32.f32 v21  }
0x81: {  	v63 =	vcvt.f32.s32 v62;
	v24 =	vmul.f32 $9.900000000e+01, v35;
	v32 =	vsel vm0, $0x1, v0  }
0x82: {  	v16 =	vadd.s32 v55, v28;
	vm8 =	veq.f32 v18, $5.000000000e-01;
	vm10 =	vgt.f32 v18, $5.000000000e-01  }
0x83: {  	v15 =	vadd.s32 v36, v17;
	v18 =	vadd.s32 v39, v50;
	v53 =	vcvt.s32.f32 v51  }
0x84: {  	v55 =	vand.u32 $0x1, v21;
	v61 =	vand.u32 $0x1, v51;
	v16 =	vadd.s32 v32, v16  }
0x85: {  	v42 =	vld [tilespmem:$0x150];
	vm0 =	vmand vm8, vm9;
	v40 =	vsel vm10, $0x1, v0;
	v19 =	vsub.f32 v20, v48  }
0x86: {  	vm6 =	veq.s32 v55, $0x1;
	vm9 =	veq.s32 v61, $0x1;
	v33 =	vcvt.s32.f32 v63  }
0x87: {  	v52 =	vld [tilespmem:$0x160];
	v37 =	vand.u32 $0x1, v63;
	v44 =	vtrunc.f32 v24;
	vm7 =	vgt.s32 v16, $0x0  }
0x88: {  	v41 =	vsel vm0, $0x1, v0;
	v22 =	vadd.s32 v31, v40;
	vm0 =	vmand vm12, vm13  }
0x89: {  	v56 =	vsub.f32 v47, v53;
	vm13 =	veq.s32 v37, $0x1;
	v25 =	vcvt.f32.s32 v44  }
0x8a: {  	v47 =	vmul.f32 $9.900000000e+01, v42;
	v16 =	vnsel vm7, $0x0, v16;
	v43 =	vadd.s32 v41, v22  }
0x8b: {  	v45 =	vld [tilespmem:$0x450];
	v26 =	vsel vm0, $0x1, v0;
	vm4 =	vgt.f32 v19, $5.000000000e-01;
	vm5 =	veq.f32 v19, $5.000000000e-01  }
0x8c: {  	v22 =	vsub.f32 v57, v33;
	v57 =	vmul.f32 $9.900000000e+01, v52;
	v16 =	vmin.u32 v16, $0x63  }
0x8d: {  	v28 =	vld [tilespmem:$0x130];
	vm11 =	vgt.s32 v43, $0x0;
	v18 =	vadd.s32 v26, v18;
	v54 =	vsel vm4, $0x1, v0  }
0x8e: {  	vm0 =	vmand vm5, vm6;
	vm7 =	vgt.f32 v56, $5.000000000e-01;
	vm8 =	veq.f32 v56, $5.000000000e-01  }
0x8f: {  	v48 =	vcvt.s32.f32 v25;
	v31 =	vtrunc.f32 v47;
	v55 =	vand.u32 $0x1, v25  }
0x90: {  	v17 =	vnsel vm11, $0x0, v43;
	v16 =	vadd.s32 v45, v16;
	vm15 =	vgt.s32 v18, $0x0  }
0x91: {  	v49 =	vld [tilespmem:$0x460];
	v59 =	vsel vm0, $0x1, v0;
	v21 =	vadd.s32 v21, v54;
	v60 =	vsel vm7, $0x1, v0  }
0x92: {  	vm0 =	vmand vm8, vm9;
	v34 =	vmul.f32 $9.900000000e+01, v28;
	vm12 =	veq.f32 v22, $5.000000000e-01  }
0x93: {  	vm14 =	vgt.f32 v22, $5.000000000e-01;
	v62 =	vtrunc.f32 v57;
	v17 =	vmin.u32 v17, $0x63  }
0x94: {  	v58 =	vld [tilespmem:$0x470];
	v18 =	vnsel vm15, $0x0, v18;
	v21 =	vadd.s32 v59, v21;
	v32 =	vsel vm0, $0x1, v0  }
0x95: {  	v20 =	vadd.s32 v51, v60;
	vm0 =	vmand vm12, vm13;
	v40 =	vsel vm14, $0x1, v0  }
0x96: {  	v51 =	vcvt.f32.s32 v31;
	v17 =	vadd.s32 v49, v17;
	v18 =	vmin.u32 v18, $0x63  }
0x97: {  	vm10 =	vgt.s32 v21, $0x0;
	v20 =	vadd.s32 v32, v20;
	v38 =	vtrunc.f32 v34  }
0x98: {  	v41 =	vsel vm0, $0x1, v0;
	v26 =	vadd.s32 v63, v40;
	v63 =	vcvt.f32.s32 v62  }
0x99: {  	v36 =	vld [tilespmem:$0x480];
	v18 =	vadd.s32 v58, v18;
	vm11 =	vgt.s32 v20, $0x0;
	v21 =	vnsel vm10, $0x0, v21  }
0x9a: {  	v39 =	vcvt.f32.s32 v38;
	v43 =	vadd.s32 v41, v26;
	v53 =	vcvt.s32.f32 v51  }
0x9b: {  	v45 =	vld [tilespmem:$0x490];
	vm10 =	veq.s32 v55, $0x1;
	v61 =	vand.u32 $0x1, v51;
	v20 =	vnsel vm11, $0x0, v20  }
0x9c: {  	v49 =	vld [tilespmem:$0x4A0];
	v21 =	vmin.u32 v21, $0x63;
	vm15 =	vgt.s32 v43, $0x0;
	vm13 =	veq.s32 v61, $0x1  }
0x9d: {  	v32 =	vld [tilespmem:$0x170];
	v37 =	vcvt.s32.f32 v63;
	v41 =	vand.u32 $0x1, v63;
	v29 =	vcvt.s32.f32 v39  }
0x9e: {  	v19 =	vadd.s32 v36, v21;
	v20 =	vmin.u32 v20, $0x63;
	v46 =	vand.u32 $0x1, v39  }
0x9f: {  	v21 =	vnsel vm15, $0x0, v43;
	v56 =	vsub.f32 v47, v53;
	vm5 =	veq.s32 v46, $0x1  }
0xa0: {  	v20 =	vadd.s32 v45, v20;
	v21 =	vmin.u32 v21, $0x63;
	v26 =	vsub.f32 v57, v37  }
0xa1: {  	v23 =	vsub.f32 v34, v29;
	v21 =	vadd.s32 v49, v21;
	vm11 =	vgt.f32 v56, $5.000000000e-01  }
0xa2: {  	vm12 =	veq.f32 v56, $5.000000000e-01;
	v38 =	vmul.f32 $9.900000000e+01, v32;
	v60 =	vsel vm11, $0x1, v0  }
0xa3: {  	v46 =	vld [tilespmem:$0x190];
	vm4 =	veq.f32 v23, $5.000000000e-01;
	vm6 =	vgt.f32 v23, $5.000000000e-01;
	v23 =	vsub.f32 v24, v48  }
0xa4: {  	v24 =	vadd.s32 v51, v60;
	v42 =	vtrunc.f32 v38;
	vm0 =	vmand vm4, vm5  }
0xa5: {  	v56 =	vld [tilespmem:$0x1A0];
	v50 =	vsel vm6, $0x1, v0;
	vm4 =	veq.f32 v26, $5.000000000e-01;
	vm5 =	veq.s32 v41, $0x1  }
0xa6: {  	vm6 =	vgt.f32 v26, $5.000000000e-01;
	v43 =	vcvt.f32.s32 v42;
	v30 =	vsel vm0, $0x1, v0  }
0xa7: {  	v22 =	vadd.s32 v39, v50;
	vm8 =	vgt.f32 v23, $5.000000000e-01;
	vm9 =	veq.f32 v23, $5.000000000e-01  }
0xa8: {  	v44 =	vsel vm6, $0x1, v0;
	v51 =	vmul.f32 $9.900000000e+01, v46;
	v22 =	vadd.s32 v30, v22  }
0xa9: {  	v54 =	vsel vm8, $0x1, v0;
	vm0 =	vmand vm9, vm10;
	v30 =	vadd.s32 v63, v44  }
0xaa: {  	v33 =	vcvt.s32.f32 v43;
	v50 =	vand.u32 $0x1, v43;
	v61 =	vmul.f32 $9.900000000e+01, v56  }
0xab: {  	v58 =	vld [tilespmem:$0x4B0];
	vm7 =	vgt.s32 v22, $0x0;
	v59 =	vsel vm0, $0x1, v0;
	v25 =	vadd.s32 v25, v54  }
0xac: {  	v39 =	vld [tilespmem:$0x180];
	vm0 =	vmand vm12, vm13;
	vm9 =	veq.s32 v50, $0x1;
	v35 =	vtrunc.f32 v51  }
0xad: {  	v22 =	vnsel vm7, $0x0, v22;
	v25 =	vadd.s32 v59, v25;
	v36 =	vsel vm0, $0x1, v0  }
0xae: {  	vm0 =	vmand vm4, vm5;
	v27 =	vsub.f32 v38, v33;
	v55 =	vcvt.f32.s32 v35  }
0xaf: {  	v42 =	vtrunc.f32 v61;
	v22 =	vmin.u32 v22, $0x63;
	vm14 =	vgt.s32 v25, $0x0  }
0xb0: {  	v40 =	vld [tilespmem:$0x4C0];
	v24 =	vadd.s32 v36, v24;
	v45 =	vsel vm0, $0x1, v0;
	v22 =	vadd.s32 v58, v22  }
0xb1: {  	vm15 =	vgt.s32 v24, $0x0;
	v25 =	vnsel vm14, $0x0, v25;
	v28 =	vmul.f32 $9.900000000e+01, v39  }
0xb2: {  	v47 =	vadd.s32 v45, v30;
	vm8 =	veq.f32 v27, $5.000000000e-01;
	vm10 =	vgt.f32 v27, $5.000000000e-01  }
0xb3: {  	v57 =	vcvt.s32.f32 v55;
	v41 =	vand.u32 $0x1, v55;
	v24 =	vnsel vm15, $0x0, v24  }
0xb4: {  	v49 =	vld [tilespmem:$0x4D0];
	v25 =	vmin.u32 v25, $0x63;
	vm7 =	vgt.s32 v47, $0x0;
	vm0 =	vmand vm8, vm9  }
0xb5: {  	v53 =	vld [tilespmem:$0x4E0];
	v54 =	vsel vm10, $0x1, v0;
	vm5 =	veq.s32 v41, $0x1;
	v23 =	vadd.s32 v40, v25  }
0xb6: {  	v36 =	vld [tilespmem:$0x1B0];
	v24 =	vmin.u32 v24, $0x63;
	v48 =	vtrunc.f32 v28;
	v25 =	vnsel vm7, $0x0, v47  }
0xb7: {  	v34 =	vsel vm0, $0x1, v0;
	v26 =	vadd.s32 v43, v54;
	v60 =	vsub.f32 v51, v57  }
0xb8: {  	v43 =	vcvt.f32.s32 v42;
	v29 =	vcvt.f32.s32 v48;
	v26 =	vadd.s32 v34, v26  }
0xb9: {  	v62 =	vld [tilespmem:$0x4F0];
	v24 =	vadd.s32 v49, v24;
	v25 =	vmin.u32 v25, $0x63;
	vm11 =	vgt.s32 v26, $0x0  }
0xba: {  	v47 =	vld [tilespmem:$0x1C0];
	v25 =	vadd.s32 v53, v25;
	vm15 =	vgt.f32 v60, $5.000000000e-01;
	vm4 =	veq.f32 v60, $5.000000000e-01  }
0xbb: {  	v54 =	vld [tilespmem:$0x1D0];
	v45 =	vcvt.s32.f32 v43;
	v46 =	vmul.f32 $9.900000000e+01, v36;
	v49 =	vand.u32 $0x1, v43  }
0xbc: {  	v52 =	vcvt.s32.f32 v29;
	v26 =	vnsel vm11, $0x0, v26;
	v59 =	vand.u32 $0x1, v29  }
0xbd: {  	v40 =	vsel vm15, $0x1, v0;
	vm9 =	veq.s32 v49, $0x1;
	vm14 =	veq.s32 v59, $0x1  }
0xbe: {  	v26 =	vmin.u32 v26, $0x63;
	v30 =	vsub.f32 v61, v45;
	v50 =	vtrunc.f32 v46  }
0xbf: {  	v27 =	vsub.f32 v28, v52;
	v28 =	vadd.s32 v55, v40;
	v51 =	vcvt.f32.s32 v50  }
0xc0: {  	v26 =	vadd.s32 v62, v26;
	v32 =	vmul.f32 $9.900000000e+01, v47;
	v59 =	vmul.f32 $9.900000000e+01, v54  }
0xc1: {  	vm8 =	veq.f32 v30, $5.000000000e-01;
	vm10 =	vgt.f32 v30, $5.000000000e-01;
	vm12 =	vgt.f32 v27, $5.000000000e-01  }
0xc2: {  	vm13 =	veq.f32 v27, $5.000000000e-01;
	v52 =	vsel vm10, $0x1, v0;
	v37 =	vcvt.s32.f32 v51  }
0xc3: {  	v56 =	vtrunc.f32 v32;
	v39 =	vtrunc.f32 v59;
	v58 =	vsel vm12, $0x1, v0  }
0xc4: {  	v40 =	vld [tilespmem:$0x1F0];
	vm0 =	vmand vm13, vm14;
	v34 =	vadd.s32 v43, v52;
	v33 =	vcvt.f32.s32 v56  }
0xc5: {  	v63 =	vsel vm0, $0x1, v0;
	v29 =	vadd.s32 v29, v58;
	vm0 =	vmand vm4, vm5  }
0xc6: {  	v31 =	vsub.f32 v46, v37;
	v58 =	vand.u32 $0x1, v51;
	v29 =	vadd.s32 v63, v29  }
0xc7: {  	v44 =	vsel vm0, $0x1, v0;
	vm0 =	vmand vm8, vm9;
	vm13 =	veq.s32 v58, $0x1  }
0xc8: {  	v60 =	vcvt.s32.f32 v33;
	v63 =	vcvt.f32.s32 v39;
	v47 =	vand.u32 $0x1, v33  }
0xc9: {  	v58 =	vmul.f32 $9.900000000e+01, v40;
	vm6 =	vgt.s32 v29, $0x0;
	v28 =	vadd.s32 v44, v28  }
0xca: {  	v53 =	vsel vm0, $0x1, v0;
	vm12 =	veq.f32 v31, $5.000000000e-01;
	vm14 =	vgt.f32 v31, $5.000000000e-01  }
0xcb: {  	v48 =	vld [tilespmem:$0x500];
	vm7 =	vgt.s32 v28, $0x0;
	v29 =	vnsel vm6, $0x0, v29;
	v55 =	vadd.s32 v53, v34  }
0xcc: {  	vm0 =	vmand vm12, vm13;
	v62 =	vsel vm14, $0x1, v0;
	v31 =	vsub.f32 v32, v60  }
0xcd: {  	v57 =	vld [tilespmem:$0x510];
	v45 =	vcvt.s32.f32 v63;
	vm6 =	veq.s32 v47, $0x1;
	v53 =	vand.u32 $0x1, v63  }
0xce: {  	[tilespmem:$0x800] =	vst v19;
	v19 =	vld [tilespmem:$0x310];
	v28 =	vnsel vm7, $0x0, v28;
	v29 =	vmin.u32 v29, $0x63;
	vm11 =	vgt.s32 v55, $0x0  }
0xcf: {  	v61 =	vld [tilespmem:$0x520];
	v38 =	vsel vm0, $0x1, v0;
	v30 =	vadd.s32 v51, v62;
	vm9 =	veq.s32 v53, $0x1  }
0xd0: {  	v44 =	vld [tilespmem:$0x1E0];
	v62 =	vtrunc.f32 v58;
	v27 =	vadd.s32 v48, v29;
	v28 =	vmin.u32 v28, $0x63  }
0xd1: {  	v29 =	vnsel vm11, $0x0, v55;
	v30 =	vadd.s32 v38, v30;
	vm4 =	vgt.f32 v31, $5.000000000e-01  }
0xd2: {  	vm5 =	veq.f32 v31, $5.000000000e-01;
	v48 =	vsub.f32 v59, v45;
	v28 =	vadd.s32 v57, v28  }
0xd3: {  	v29 =	vmin.u32 v29, $0x63;
	vm15 =	vgt.s32 v30, $0x0;
	v46 =	vsel vm4, $0x1, v0  }
0xd4: {  	v50 =	vld [tilespmem:$0x530];
	vm0 =	vmand vm5, vm6;
	[tilespmem:$0x880] =	vst v27;
	v27 =	vmul.f32 $9.900000000e+01, v19;
	v30 =	vnsel vm15, $0x0, v30  }
0xd5: {  	v47 =	vld [tilespmem:$0x210];
	v29 =	vadd.s32 v61, v29;
	v49 =	vmul.f32 $9.900000000e+01, v44;
	v51 =	vsel vm0, $0x1, v0  }
0xd6: {  	v59 =	vld [tilespmem:$0x200];
	v33 =	vadd.s32 v33, v46;
	vm7 =	vgt.f32 v48, $5.000000000e-01;
	vm8 =	veq.f32 v48, $5.000000000e-01  }
0xd7: {  	v52 =	vsel vm7, $0x1, v0;
	v30 =	vmin.u32 v30, $0x63;
	vm0 =	vmand vm8, vm9  }
0xd8: {  	v33 =	vadd.s32 v51, v33;
	v54 =	vtrunc.f32 v49;
	v56 =	vsel vm0, $0x1, v0  }
0xd9: {  	v60 =	vld [tilespmem:$0x540];
	v32 =	vadd.s32 v63, v52;
	v30 =	vadd.s32 v50, v30;
	v63 =	vcvt.f32.s32 v62  }
0xda: {  	vm10 =	vgt.s32 v33, $0x0;
	v52 =	vmul.f32 $9.900000000e+01, v47;
	v55 =	vcvt.f32.s32 v54  }
0xdb: {  	v32 =	vadd.s32 v56, v32;
	v33 =	vnsel vm10, $0x0, v33;
	v36 =	vmul.f32 $9.900000000e+01, v59  }
0xdc: {  	v50 =	vld [tilespmem:$0x550];
	vm11 =	vgt.s32 v32, $0x0;
	v33 =	vmin.u32 v33, $0x63;
	v41 =	vcvt.s32.f32 v63  }
0xdd: {  	v51 =	vand.u32 $0x1, v63;
	v43 =	vtrunc.f32 v52;
	v57 =	vcvt.s32.f32 v55  }
0xde: {  	v32 =	vnsel vm11, $0x0, v32;
	v61 =	vand.u32 $0x1, v55;
	v31 =	vadd.s32 v60, v33  }
0xdf: {  	vm5 =	veq.s32 v51, $0x1;
	v56 =	vcvt.f32.s32 v43;
	vm13 =	veq.s32 v61, $0x1  }
0xe0: {  	v32 =	vmin.u32 v32, $0x63;
	v35 =	vsub.f32 v58, v41;
	[tilespmem:$0x8C0] =	vst v31;
	v31 =	vtrunc.f32 v27  }
0xe1: {  	v34 =	vsub.f32 v49, v57;
	v49 =	vtrunc.f32 v36;
	v32 =	vadd.s32 v50, v32  }
0xe2: {  	[tilespmem:$0x7D0] =	vst v16;
	v58 =	vcvt.s32.f32 v56;
	v50 =	vand.u32 $0x1, v56;
	v16 =	vcvt.f32.s32 v31  }
0xe3: {  	v37 =	vcvt.f32.s32 v49;
	vm4 =	veq.f32 v35, $5.000000000e-01;
	vm6 =	vgt.f32 v35, $5.000000000e-01  }
0xe4: {  	vm12 =	veq.f32 v34, $5.000000000e-01;
	vm14 =	vgt.f32 v34, $5.000000000e-01;
	v61 =	vsub.f32 v52, v58  }
0xe5: {  	v57 =	vld [tilespmem:$0x220];
	vm0 =	vmand vm12, vm13;
	v45 =	vsel vm14, $0x1, v0;
	v53 =	vcvt.s32.f32 v37  }
0xe6: {  	v44 =	vld [tilespmem:$0x230];
	v60 =	vand.u32 $0x1, v37;
	vm13 =	veq.s32 v50, $0x1;
	v46 =	vsel vm0, $0x1, v0  }
0xe7: {  	v38 =	vadd.s32 v55, v45;
	vm0 =	vmand vm4, vm5;
	v55 =	vsel vm6, $0x1, v0  }
0xe8: {  	vm10 =	veq.s32 v60, $0x1;
	vm11 =	vgt.f32 v61, $5.000000000e-01;
	vm12 =	veq.f32 v61, $5.000000000e-01  }
0xe9: {  	v48 =	vadd.s32 v46, v38;
	v42 =	vsel vm0, $0x1, v0;
	v34 =	vadd.s32 v63, v55  }
0xea: {  	v54 =	vld [tilespmem:$0x560];
	v35 =	vsub.f32 v36, v53;
	v62 =	vmul.f32 $9.900000000e+01, v57;
	v49 =	vsel vm11, $0x1, v0  }
0xeb: {  	v55 =	vmul.f32 $9.900000000e+01, v44;
	vm15 =	vgt.s32 v48, $0x0;
	v34 =	vadd.s32 v42, v34  }
0xec: {  	v36 =	vadd.s32 v56, v49;
	v33 =	vnsel vm15, $0x0, v48;
	vm7 =	vgt.s32 v34, $0x0  }
0xed: {  	v63 =	vld [tilespmem:$0x570];
	vm8 =	vgt.f32 v35, $5.000000000e-01;
	vm9 =	veq.f32 v35, $5.000000000e-01;
	v51 =	vtrunc.f32 v62  }
0xee: {  	v33 =	vmin.u32 v33, $0x63;
	v34 =	vnsel vm7, $0x0, v34;
	v59 =	vsel vm8, $0x1, v0  }
0xef: {  	v56 =	vld [tilespmem:$0x240];
	vm0 =	vmand vm9, vm10;
	v52 =	vcvt.f32.s32 v51;
	v33 =	vadd.s32 v54, v33  }
0xf0: {  	v48 =	vsel vm0, $0x1, v0;
	v37 =	vadd.s32 v37, v59;
	v34 =	vmin.u32 v34, $0x63  }
0xf1: {  	vm0 =	vmand vm12, vm13;
	v59 =	vtrunc.f32 v55;
	v37 =	vadd.s32 v48, v37  }
0xf2: {  	v53 =	vsel vm0, $0x1, v0;
	v54 =	vcvt.s32.f32 v52;
	v34 =	vadd.s32 v63, v34  }
0xf3: {  	v58 =	vand.u32 $0x1, v52;
	v60 =	vcvt.f32.s32 v59;
	vm14 =	vgt.s32 v37, $0x0  }
0xf4: {  	v57 =	vld [tilespmem:$0x580];
	v36 =	vadd.s32 v53, v36;
	vm5 =	veq.s32 v58, $0x1;
	v40 =	vmul.f32 $9.900000000e+01, v56  }
0xf5: {  	[tilespmem:$0x8F0] =	vst v34;
	v34 =	vcvt.s32.f32 v16;
	vm15 =	vgt.s32 v36, $0x0;
	v38 =	vsub.f32 v62, v54  }
0xf6: {  	v50 =	vld [tilespmem:$0x590];
	v37 =	vnsel vm14, $0x0, v37;
	v45 =	vcvt.s32.f32 v60;
	v51 =	vand.u32 $0x1, v60  }
0xf7: {  	v63 =	vld [tilespmem:$0x250];
	v36 =	vnsel vm15, $0x0, v36;
	v37 =	vmin.u32 v37, $0x63;
	v49 =	vtrunc.f32 v40  }
0xf8: {  	v56 =	vld [tilespmem:$0x260];
	vm9 =	veq.s32 v51, $0x1;
	vm4 =	veq.f32 v38, $5.000000000e-01;
	vm6 =	vgt.f32 v38, $5.000000000e-01  }
0xf9: {  	v35 =	vadd.s32 v57, v37;
	v36 =	vmin.u32 v36, $0x63;
	v39 =	vsub.f32 v55, v45  }
0xfa: {  	v41 =	vcvt.f32.s32 v49;
	vm0 =	vmand vm4, vm5;
	v61 =	vsel vm6, $0x1, v0  }
0xfb: {  	v36 =	vadd.s32 v50, v36;
	v62 =	vsel vm0, $0x1, v0;
	v42 =	vadd.s32 v52, v61  }
0xfc: {  	vm8 =	veq.f32 v39, $5.000000000e-01;
	v52 =	vmul.f32 $9.900000000e+01, v63;
	vm10 =	vgt.f32 v39, $5.000000000e-01  }
0xfd: {  	v53 =	vcvt.s32.f32 v41;
	v59 =	vand.u32 $0x1, v41;
	v61 =	vmul.f32 $9.900000000e+01, v56  }
0xfe: {  	v48 =	vadd.s32 v62, v42;
	vm0 =	vmand vm8, vm9;
	v55 =	vsel vm10, $0x1, v0  }
0xff: {  	v54 =	vld [tilespmem:$0x5A0];
	vm14 =	veq.s32 v59, $0x1;
	vm7 =	vgt.s32 v48, $0x0;
	v46 =	vsel vm0, $0x1, v0  }
0x100: {  	v47 =	vtrunc.f32 v52;
	v38 =	vadd.s32 v60, v55;
	v39 =	vsub.f32 v40, v53  }
0x101: {  	v37 =	vnsel vm7, $0x0, v48;
	v40 =	vcvt.f32.s32 v47;
	v38 =	vadd.s32 v46, v38  }
0x102: {  	v59 =	vld [tilespmem:$0x280];
	v37 =	vmin.u32 v37, $0x63;
	vm11 =	vgt.s32 v38, $0x0;
	vm12 =	vgt.f32 v39, $5.000000000e-01  }
0x103: {  	v62 =	vld [tilespmem:$0x5B0];
	vm13 =	veq.f32 v39, $5.000000000e-01;
	v57 =	vcvt.s32.f32 v40;
	v38 =	vnsel vm11, $0x0, v38  }
0x104: {  	v48 =	vld [tilespmem:$0x270];
	v58 =	vsel vm12, $0x1, v0;
	v37 =	vadd.s32 v54, v37;
	vm0 =	vmand vm13, vm14  }
0x105: {  	v53 =	vand.u32 $0x1, v40;
	v54 =	vtrunc.f32 v61;
	v63 =	vsel vm0, $0x1, v0  }
0x106: {  	v41 =	vadd.s32 v41, v58;
	vm5 =	veq.s32 v53, $0x1;
	v55 =	vcvt.f32.s32 v54  }
0x107: {  	v38 =	vmin.u32 v38, $0x63;
	v44 =	vmul.f32 $9.900000000e+01, v59;
	v60 =	vsub.f32 v52, v57  }
0x108: {  	v41 =	vadd.s32 v63, v41;
	v38 =	vadd.s32 v62, v38;
	v57 =	vcvt.s32.f32 v55  }
0x109: {  	v54 =	vld [tilespmem:$0x290];
	vm6 =	vgt.s32 v41, $0x0;
	v58 =	vmul.f32 $9.900000000e+01, v48;
	vm15 =	vgt.f32 v60, $5.000000000e-01  }
0x10a: {  	vm4 =	veq.f32 v60, $5.000000000e-01;
	v41 =	vnsel vm6, $0x0, v41;
	v52 =	vsel vm15, $0x1, v0  }
0x10b: {  	vm0 =	vmand vm4, vm5;
	v42 =	vsub.f32 v61, v57;
	v61 =	vand.u32 $0x1, v55  }
0x10c: {  	v62 =	vtrunc.f32 v58;
	v41 =	vmin.u32 v41, $0x63;
	v56 =	vsel vm0, $0x1, v0  }
0x10d: {  	v60 =	vld [tilespmem:$0x5C0];
	v40 =	vadd.s32 v40, v52;
	vm9 =	veq.s32 v61, $0x1;
	v63 =	vcvt.f32.s32 v62  }
0x10e: {  	v59 =	vmul.f32 $9.900000000e+01, v54;
	v40 =	vadd.s32 v56, v40;
	vm8 =	veq.f32 v42, $5.000000000e-01  }
0x10f: {  	vm10 =	vgt.f32 v42, $5.000000000e-01;
	v56 =	vtrunc.f32 v44;
	vm7 =	vgt.s32 v40, $0x0  }
0x110: {  	v57 =	vld [tilespmem:$0x5D0];
	vm0 =	vmand vm8, vm9;
	v52 =	vsel vm10, $0x1, v0;
	v49 =	vcvt.s32.f32 v63  }
0x111: {  	v45 =	vcvt.f32.s32 v56;
	v51 =	vtrunc.f32 v59;
	v40 =	vnsel vm7, $0x0, v40  }
0x112: {  	v53 =	vsel vm0, $0x1, v0;
	v46 =	vadd.s32 v55, v52;
	v39 =	vadd.s32 v60, v41  }
0x113: {  	v40 =	vmin.u32 v40, $0x63;
	v55 =	vadd.s32 v53, v46;
	v43 =	vsub.f32 v58, v49  }
0x114: {  	v58 =	vand.u32 $0x1, v63;
	v60 =	vcvt.s32.f32 v45;
	v56 =	vand.u32 $0x1, v45  }
0x115: {  	v61 =	vld [tilespmem:$0x5E0];
	vm11 =	vgt.s32 v55, $0x0;
	vm13 =	veq.s32 v58, $0x1;
	v40 =	vadd.s32 v57, v40  }
0x116: {  	v52 =	vld [tilespmem:$0x2B0];
	vm6 =	veq.s32 v56, $0x1;
	v41 =	vnsel vm11, $0x0, v55;
	vm12 =	veq.f32 v43, $5.000000000e-01  }
0x117: {  	vm14 =	vgt.f32 v43, $5.000000000e-01;
	v43 =	vsub.f32 v44, v60;
	v44 =	vcvt.f32.s32 v51  }
0x118: {  	vm0 =	vmand vm12, vm13;
	v62 =	vsel vm14, $0x1, v0;
	v41 =	vmin.u32 v41, $0x63  }
0x119: {  	v50 =	vsel vm0, $0x1, v0;
	v42 =	vadd.s32 v63, v62;
	v63 =	vld [tilespmem:$0x2A0];
	vm4 =	vgt.f32 v43, $5.000000000e-01  }
0x11a: {  	v54 =	vcvt.s32.f32 v44;
	vm5 =	veq.f32 v43, $5.000000000e-01;
	v41 =	vadd.s32 v61, v41  }
0x11b: {  	v62 =	vand.u32 $0x1, v44;
	v47 =	vmul.f32 $9.900000000e+01, v52;
	v42 =	vadd.s32 v50, v42  }
0x11c: {  	v55 =	vsel vm4, $0x1, v0;
	vm0 =	vmand vm5, vm6;
	v57 =	vsub.f32 v59, v54  }
0x11d: {  	vm15 =	vgt.s32 v42, $0x0;
	v60 =	vsel vm0, $0x1, v0;
	v45 =	vadd.s32 v45, v55  }
0x11e: {  	vm7 =	vgt.f32 v57, $5.000000000e-01;
	vm8 =	veq.f32 v57, $5.000000000e-01;
	v57 =	vld [tilespmem:$0x2C0];
	v58 =	vmul.f32 $9.900000000e+01, v63  }
0x11f: {  	vm9 =	veq.s32 v62, $0x1;
	v59 =	vld [tilespmem:$0x5F0];
	v42 =	vnsel vm15, $0x0, v42;
	v45 =	vadd.s32 v60, v45  }
0x120: {  	v60 =	vtrunc.f32 v47;
	v42 =	vmin.u32 v42, $0x63;
	v63 =	vtrunc.f32 v58  }
0x121: {  	v61 =	vsel vm7, $0x1, v0;
	vm0 =	vmand vm8, vm9;
	v43 =	vcvt.f32.s32 v63  }
0x122: {  	vm10 =	vgt.s32 v45, $0x0;
	v55 =	vsel vm0, $0x1, v0;
	v44 =	vadd.s32 v44, v61;
	v61 =	vld [tilespmem:$0x610]  }
0x123: {  	v44 =	vadd.s32 v55, v44;
	v48 =	vmul.f32 $9.900000000e+01, v57;
	v57 =	vld [tilespmem:$0x2D0];
	v56 =	vcvt.s32.f32 v43  }
0x124: {  	v45 =	vnsel vm10, $0x0, v45;
	v42 =	vadd.s32 v59, v42;
	vm11 =	vgt.s32 v44, $0x0  }
0x125: {  	v44 =	vnsel vm11, $0x0, v44;
	v59 =	vand.u32 $0x1, v43;
	v46 =	vsub.f32 v58, v56;
	v58 =	vld [tilespmem:$0x600]  }
0x126: {  	v45 =	vmin.u32 v45, $0x63;
	v44 =	vmin.u32 v44, $0x63;
	vm13 =	veq.s32 v59, $0x1  }
0x127: {  	vm12 =	veq.f32 v46, $5.000000000e-01;
	vm14 =	vgt.f32 v46, $5.000000000e-01;
	v46 =	vcvt.f32.s32 v60  }
0x128: {  	v44 =	vadd.s32 v61, v44;
	v49 =	vmul.f32 $9.900000000e+01, v57;
	vm0 =	vmand vm12, vm13  }
0x129: {  	v62 =	vsel vm14, $0x1, v0;
	v63 =	vsel vm0, $0x1, v0;
	v53 =	vcvt.s32.f32 v46  }
0x12a: {  	v50 =	vadd.s32 v43, v62;
	v60 =	vand.u32 $0x1, v46;
	v43 =	vadd.s32 v58, v45  }
0x12b: {  	v59 =	vld [tilespmem:$0x620];
	v56 =	vadd.s32 v63, v50;
	v58 =	vtrunc.f32 v48;
	v47 =	vsub.f32 v47, v53  }
0x12c: {  	v55 =	vtrunc.f32 v49;
	vm15 =	vgt.s32 v56, $0x0;
	v50 =	vcvt.f32.s32 v58  }
0x12d: {  	vm6 =	veq.s32 v60, $0x1;
	v63 =	vld [tilespmem:$0x2E0];
	v45 =	vnsel vm15, $0x0, v56;
	vm4 =	vgt.f32 v47, $5.000000000e-01  }
0x12e: {  	[tilespmem:$0x700] =	vst v3;
	vm5 =	veq.f32 v47, $5.000000000e-01;
	v62 =	vcvt.s32.f32 v50;
	v3 =	vmin.u32 v45, $0x63  }
0x12f: {  	v56 =	vand.u32 $0x1, v50;
	v45 =	vcvt.f32.s32 v55;
	v61 =	vsel vm4, $0x1, v0  }
0x130: {  	vm0 =	vmand vm5, vm6;
	v3 =	vadd.s32 v59, v3;
	vm9 =	veq.s32 v56, $0x1  }
0x131: {  	v46 =	vadd.s32 v46, v61;
	v48 =	vsub.f32 v48, v62;
	v53 =	vsel vm0, $0x1, v0  }
0x132: {  	v58 =	vcvt.s32.f32 v45;
	v59 =	vmul.f32 $9.900000000e+01, v63;
	v47 =	vand.u32 $0x1, v45  }
0x133: {  	[tilespmem:$0x710] =	vst v4;
	v54 =	vadd.s32 v53, v46;
	vm13 =	veq.s32 v47, $0x1;
	vm7 =	vgt.f32 v48, $5.000000000e-01  }
0x134: {  	[tilespmem:$0x730] =	vst v6;
	v63 =	vld [tilespmem:$0x2F0];
	vm8 =	veq.f32 v48, $5.000000000e-01;
	vm10 =	vgt.s32 v54, $0x0;
	v6 =	vsub.f32 v49, v58  }
0x135: {  	[tilespmem:$0x720] =	vst v5;
	v62 =	vtrunc.f32 v59;
	v57 =	vsel vm7, $0x1, v0;
	vm0 =	vmand vm8, vm9  }
0x136: {  	[tilespmem:$0x760] =	vst v9;
	v5 =	vnsel vm10, $0x0, v54;
	v9 =	vcvt.f32.s32 v62;
	v4 =	vadd.s32 v50, v57  }
0x137: {  	[tilespmem:$0x740] =	vst v7;
	v60 =	vld [tilespmem:$0x630];
	v61 =	vsel vm0, $0x1, v0;
	v5 =	vmin.u32 v5, $0x63;
	vm12 =	veq.f32 v6, $5.000000000e-01  }
0x138: {  	[tilespmem:$0x750] =	vst v8;
	v49 =	vld [tilespmem:$0x300];
	vm14 =	vgt.f32 v6, $5.000000000e-01;
	v4 =	vadd.s32 v61, v4;
	v48 =	vcvt.s32.f32 v9  }
0x139: {  	[tilespmem:$0x770] =	vst v10;
	vm0 =	vmand vm12, vm13;
	v51 =	vsel vm14, $0x1, v0;
	v52 =	vmul.f32 $9.900000000e+01, v63  }
0x13a: {  	[tilespmem:$0x780] =	vst v11;
	v54 =	vand.u32 $0x1, v9;
	vm11 =	vgt.s32 v4, $0x0;
	v53 =	vsel vm0, $0x1, v0  }
0x13b: {  	[tilespmem:$0x790] =	vst v12;
	v56 =	vld [tilespmem:$0x640];
	v7 =	vadd.s32 v45, v51;
	vm4 =	veq.s32 v54, $0x1;
	v45 =	vsub.f32 v27, v34  }
0x13c: {  	[tilespmem:$0x7A0] =	vst v13;
	v46 =	vnsel vm11, $0x0, v4;
	v4 =	vadd.s32 v60, v5;
	v50 =	vsub.f32 v59, v48  }
0x13d: {  	[tilespmem:$0x7B0] =	vst v14;
	v55 =	vtrunc.f32 v52;
	v7 =	vadd.s32 v53, v7;
	v5 =	vmul.f32 $9.900000000e+01, v49  }
0x13e: {  	[tilespmem:$0x7C0] =	vst v15;
	v12 =	vcvt.f32.s32 v55;
	v11 =	vmin.u32 v46, $0x63;
	vm6 =	vgt.s32 v7, $0x0  }
0x13f: {  	[tilespmem:$0x7E0] =	vst v17;
	v46 =	vand.u32 $0x1, v16;
	vm15 =	veq.f32 v50, $5.000000000e-01;
	vm5 =	vgt.f32 v50, $5.000000000e-01  }
0x140: {  	[tilespmem:$0x7F0] =	vst v18;
	v61 =	vld [tilespmem:$0x650];
	v60 =	vtrunc.f32 v5;
	v6 =	vadd.s32 v56, v11;
	v7 =	vnsel vm6, $0x0, v7  }
0x141: {  	[tilespmem:$0x810] =	vst v20;
	vm6 =	vgt.f32 v45, $5.000000000e-01;
	vm0 =	vmand vm15, vm4;
	v57 =	vsel vm5, $0x1, v0  }
0x142: {  	[tilespmem:$0x820] =	vst v21;
	v59 =	vcvt.s32.f32 v12;
	v13 =	vcvt.f32.s32 v60;
	v18 =	vand.u32 $0x1, v12  }
0x143: {  	[tilespmem:$0x830] =	vst v22;
	v7 =	vmin.u32 v7, $0x63;
	vm4 =	veq.s32 v46, $0x1;
	vm5 =	veq.f32 v45, $5.000000000e-01  }
0x144: {  	v22 =	vld [tilespmem:$0x320];
	[tilespmem:$0x840] =	vst v23;
	v11 =	vsel vm6, $0x1, v0;
	v58 =	vsel vm0, $0x1, v0;
	v9 =	vadd.s32 v9, v57  }
0x145: {  	[tilespmem:$0x850] =	vst v24;
	vm10 =	veq.s32 v18, $0x1;
	v7 =	vadd.s32 v61, v7;
	v11 =	vadd.s32 v16, v11  }
0x146: {  	[tilespmem:$0x860] =	vst v25;
	v9 =	vadd.s32 v58, v9;
	v8 =	vsub.f32 v52, v59;
	v20 =	vand.u32 $0x1, v13  }
0x147: {  	v24 =	vld [tilespmem:$0x660];
	[tilespmem:$0x870] =	vst v26;
	v62 =	vcvt.s32.f32 v13;
	vm7 =	vgt.s32 v9, $0x0;
	vm12 =	veq.s32 v20, $0x1  }
0x148: {  	[tilespmem:$0x890] =	vst v28;
	v9 =	vnsel vm7, $0x0, v9;
	vm8 =	vgt.f32 v8, $5.000000000e-01;
	vm9 =	veq.f32 v8, $5.000000000e-01  }
0x149: {  	[tilespmem:$0x8A0] =	vst v29;
	v5 =	vsub.f32 v5, v62;
	v8 =	vmul.f32 $9.900000000e+01, v22;
	vm0 =	vmand vm9, vm10  }
0x14a: {  	v29 =	vld [tilespmem:$0x330];
	[tilespmem:$0x8B0] =	vst v30;
	v63 =	vsel vm8, $0x1, v0;
	v9 =	vmin.u32 v9, $0x63;
	v21 =	vsel vm0, $0x1, v0  }
0x14b: {  	[tilespmem:$0x8D0] =	vst v32;
	vm11 =	veq.f32 v5, $5.000000000e-01;
	v23 =	vadd.s32 v12, v63;
	vm13 =	vgt.f32 v5, $5.000000000e-01  }
0x14c: {  	[tilespmem:$0x900] =	vst v35;
	v5 =	vadd.s32 v24, v9;
	v35 =	vtrunc.f32 v8;
	vm0 =	vmand vm11, vm12  }
0x14d: {  	[tilespmem:$0x8E0] =	vst v33;
	v10 =	vadd.s32 v21, v23;
	v26 =	vsel vm13, $0x1, v0;
	v17 =	vcvt.f32.s32 v35  }
0x14e: {  	[tilespmem:$0x910] =	vst v36;
	vm14 =	vgt.s32 v10, $0x0;
	v28 =	vsel vm0, $0x1, v0;
	v12 =	vadd.s32 v13, v26  }
0x14f: {  	v25 =	vld [tilespmem:$0x670];
	[tilespmem:$0x920] =	vst v37;
	v13 =	vmul.f32 $9.900000000e+01, v29;
	vm0 =	vmand vm5, vm4;
	v10 =	vnsel vm14, $0x0, v10  }
0x150: {  	[tilespmem:$0x930] =	vst v38;
	v12 =	vadd.s32 v28, v12;
	v47 =	vcvt.s32.f32 v17;
	v50 =	vsel vm0, $0x1, v0  }
0x151: {  	[tilespmem:$0x940] =	vst v39;
	v51 =	vand.u32 $0x1, v17;
	v32 =	vmin.u32 v10, $0x63;
	v48 =	vtrunc.f32 v13  }
0x152: {  	[tilespmem:$0x950] =	vst v40;
	vm15 =	vgt.s32 v12, $0x0;
	vm9 =	veq.s32 v51, $0x1;
	v49 =	vcvt.f32.s32 v48  }
0x153: {  	[tilespmem:$0x960] =	vst v41;
	v57 =	vadd.s32 v50, v11;
	v33 =	vnsel vm15, $0x0, v12;
	v8 =	vsub.f32 v8, v47  }
0x154: {  	[tilespmem:$0x970] =	vst v42;
	v9 =	vadd.s32 v25, v32;
	vm13 =	vgt.s32 v57, $0x0;
	v15 =	vcvt.s32.f32 v49  }
0x155: {  	[tilespmem:$0x9C0] =	vst v6;
	v10 =	vmin.u32 v33, $0x63;
	v6 =	vnsel vm13, $0x0, v57;
	vm7 =	vgt.f32 v8, $5.000000000e-01  }
0x156: {  	v30 =	vld [tilespmem:$0x680];
	[tilespmem:$0x990] =	vst v44;
	vm8 =	veq.f32 v8, $5.000000000e-01;
	v54 =	vand.u32 $0x1, v49;
	v53 =	vsub.f32 v13, v15  }
0x157: {  	[tilespmem:$0x980] =	vst v43;
	v52 =	vsel vm7, $0x1, v0;
	vm0 =	vmand vm8, vm9;
	vm10 =	veq.s32 v54, $0x1  }
0x158: {  	[tilespmem:$0x9A0] =	vst v3;
	v56 =	vld [tilespmem:$0x690];
	v3 =	vsel vm0, $0x1, v0;
	vm11 =	veq.f32 v53, $5.000000000e-01;
	vm12 =	vgt.f32 v53, $5.000000000e-01  }
0x159: {  	[tilespmem:$0x9B0] =	vst v4;
	v58 =	vld [tilespmem:$0x6A0];
	v55 =	vadd.s32 v17, v52;
	vm0 =	vmand vm11, vm10;
	v59 =	vsel vm12, $0x1, v0  }
0x15a: {  	v61 =	vld [tilespmem:$0x6B0];
	[tilespmem:$0x9D0] =	vst v7;
	v3 =	vadd.s32 v3, v55;
	v60 =	vsel vm0, $0x1, v0;
	v11 =	vadd.s32 v49, v59  }
0x15b: {  	[tilespmem:$0x9E0] =	vst v5;
	v10 =	vadd.s32 v30, v10;
	vm14 =	vgt.s32 v3, $0x0;
	v62 =	vadd.s32 v60, v11  }
0x15c: {  	[tilespmem:$0x9F0] =	vst v9;
	v6 =	vmin.u32 v6, $0x63;
	v3 =	vnsel vm14, $0x0, v3;
	vm15 =	vgt.s32 v62, $0x0  }
0x15d: {  	[tilespmem:$0xA00] =	vst v10;
	v6 =	vadd.s32 v56, v6;
	v3 =	vmin.u32 v3, $0x63;
	v5 =	vnsel vm15, $0x0, v62  }
0x15e: {  	[tilespmem:$0xA10] =	vst v6;
	v3 =	vadd.s32 v58, v3;
	v63 =	vmin.u32 v5, $0x63  }
0x15f: {  	[tilespmem:$0xA20] =	vst v3;
	v3 =	vadd.s32 v61, v63  }
0x160: {  	s0 =	simm.s32 $0x0;
	[tilespmem:$0xA30] =	vst v3  }
.LBB2_2:
0x161: {  	s2 =	smul.u32 $0x68, s0;
	_ =	sdelay $0x1  }
0x162: {  	s2 =	sshra.s32 s2, $0x2  }
0x163: {  	v3 =	vld [tilespmem:s2+$0x700];
	_ =	sdelay $0x4  }
0x164: {  	v4 =	vshll.u32 v3, $0x4  }
0x165: {  	v3 =	vand.u32 $0x7, v3;
	v4 =	vand.u32 $0xFFFFFF80, v4  }
0x166: {  	v31 =	vand.u32 $0x7, v1;
	v5 =	vshrl.u32 v1, $0x3;
	v3 =	vor.u32 v3, v4  }
0x167: {  	v5 =	vmul.u32 $0x8, v5;
	v6 =	vperm.xlane v3, v31;
	_ =	sdelay $0x1  }
0x168: {  	v6 =	vadd.s32 v5, v6;
	_ =	sdelay $0x3  }
0x169: {  	vm0 =	vmmov $0xffff;
	s4 =	simm.s32 $0xA80;
	v7 =	vld [tilespmem:s2+$0x710];
	s2 =	simm.s32 $0x0  }
0x16a: {  	[tilespmem:s4], [sflag:$0x1] =	stream.indirect_vreg.gather [hbm4b:s3+s2], $0x80, v6, vm0, $0xb8;
	[tilespmem:$0x11280] =	vst v63  }
0x16b: {  	s5 =	simm.s32 $0x1280  }
0x16c: {  	[tilespmem:s5], [sflag:$0x1] =	stream.indirect_vreg.gather [hbm4b:s6+s2], $0x80, v6, vm0, $0xb8;
	[tilespmem:$0x11280] =	vst v63  }
0x16d: {  	s14 =	simm.s32 $0x1A80  }
0x16e: {  	[tilespmem:s14], [sflag:$0x1] =	stream.indirect_vreg.gather [hbm4b:s7+s2], $0x80, v6, vm0, $0xb8;
	[tilespmem:$0x11280] =	vst v63  }
0x16f: {  	s17 =	simm.s32 $0x2280  }
0x170: {  	[tilespmem:s17], [sflag:$0x1] =	stream.indirect_vreg.gather [hbm4b:s8+s2], $0x80, v6, vm0, $0xb8;
	[tilespmem:$0x11280] =	vst v63  }
0x171: {  	s18 =	simm.s32 $0x2A80  }
0x172: {  	v8 =	vor.u32 $0x8, v1;
	[tilespmem:s18], [sflag:$0x1] =	stream.indirect_vreg.gather [hbm4b:s9+s2], $0x80, v6, vm0, $0xb8;
	[tilespmem:$0x11280] =	vst v63  }
0x173: {  	s19 =	simm.s32 $0x3280;
	v3 =	vperm.xlane v3, v8  }
0x174: {  	[tilespmem:s19], [sflag:$0x1] =	stream.indirect_vreg.gather [hbm4b:s10+s2], $0x80, v6, vm0, $0xb8;
	[tilespmem:$0x11280] =	vst v63  }
0x175: {  	v3 =	vadd.s32 v5, v3;
	s5 =	simm.s32 $0x3A80  }
0x176: {  	[tilespmem:s5], [sflag:$0x1] =	stream.indirect_vreg.gather [hbm4b:s11+s2], $0x80, v6, vm0, $0xb8;
	[tilespmem:$0x11280] =	vst v63  }
0x177: {  	s14 =	simm.s32 $0x4280  }
0x178: {  	[tilespmem:s14], [sflag:$0x1] =	stream.indirect_vreg.gather [hbm4b:s12+s2], $0x80, v6, vm0, $0xb8;
	[tilespmem:$0x11280] =	vst v63  }
0x179: {  	s17 =	simm.s32 $0x4A80  }
0x17a: {  	[tilespmem:s17], [sflag:$0x1] =	stream.indirect_vreg.gather [hbm4b:s3+s2], $0x80, v3, vm0, $0xb8;
	[tilespmem:$0x11280] =	vst v63  }
0x17b: {  	s18 =	simm.s32 $0x5280  }
0x17c: {  	[tilespmem:s18], [sflag:$0x1] =	stream.indirect_vreg.gather [hbm4b:s6+s2], $0x80, v3, vm0, $0xb8;
	[tilespmem:$0x11280] =	vst v63  }
0x17d: {  	s19 =	simm.s32 $0x5A80  }
0x17e: {  	[tilespmem:s19], [sflag:$0x1] =	stream.indirect_vreg.gather [hbm4b:s7+s2], $0x80, v3, vm0, $0xb8;
	[tilespmem:$0x11280] =	vst v63  }
0x17f: {  	s5 =	simm.s32 $0x6280  }
0x180: {  	vm1 =	vmmov $0x3ff;
	[tilespmem:s5], [sflag:$0x1] =	stream.indirect_vreg.gather [hbm4b:s8+s2], $0x80, v3, vm0, $0xb8;
	[tilespmem:$0x11280] =	vst v63  }
0x181: {  	v32 =	vnsel vm1, $0x67, v7;
	s14 =	simm.s32 $0x6A80  }
0x182: {  	v7 =	vshll.u32 v32, $0x4;
	[tilespmem:s14], [sflag:$0x1] =	stream.indirect_vreg.gather [hbm4b:s9+s2], $0x80, v3, vm0, $0xb8;
	[tilespmem:$0x11280] =	vst v63  }
0x183: {  	v7 =	vand.u32 $0xFFFFFF80, v7;
	v6 =	vand.u32 $0x7, v32;
	s17 =	simm.s32 $0x7280  }
0x184: {  	v6 =	vor.u32 v6, v7;
	[tilespmem:s17], [sflag:$0x1] =	stream.indirect_vreg.gather [hbm4b:s10+s2], $0x80, v3, vm0, $0xb8;
	[tilespmem:$0x11280] =	vst v63  }
0x185: {  	v4 =	vperm.xlane v6, v31;
	s18 =	simm.s32 $0x7A80  }
0x186: {  	[tilespmem:s18], [sflag:$0x1] =	stream.indirect_vreg.gather [hbm4b:s11+s2], $0x80, v3, vm0, $0xb8;
	[tilespmem:$0x11280] =	vst v63  }
0x187: {  	v4 =	vadd.s32 v5, v4;
	s19 =	simm.s32 $0x8280  }
0x188: {  	[tilespmem:s19], [sflag:$0x1] =	stream.indirect_vreg.gather [hbm4b:s12+s2], $0x80, v3, vm0, $0xb8;
	[tilespmem:$0x11280] =	vst v63  }
0x189: {  	_ =	swait.ge [sflag:s16], $0x8000  }
0x18a: {  	[sflag:s16] =	ssyncset.done $0x0  }
0x18b: {  	s5 =	simm.s32 $0x8A80;
	[sflag:s16] =	ssyncadd.s32 $0xFFFF8000  }
0x18c: {  	[tilespmem:s5], [sflag:$0x1] =	stream.indirect_vreg.gather [hbm4b:s3+s2], $0x80, v4, vm0, $0xb8;
	[tilespmem:$0x11280] =	vst v63  }
0x18d: {  	s14 =	simm.s32 $0x9280  }
0x18e: {  	[tilespmem:s14], [sflag:$0x1] =	stream.indirect_vreg.gather [hbm4b:s6+s2], $0x80, v4, vm0, $0xb8;
	[tilespmem:$0x11280] =	vst v63  }
0x18f: {  	s17 =	simm.s32 $0x9A80  }
0x190: {  	[tilespmem:s17], [sflag:$0x1] =	stream.indirect_vreg.gather [hbm4b:s7+s2], $0x80, v4, vm0, $0xb8;
	[tilespmem:$0x11280] =	vst v63  }
0x191: {  	s18 =	simm.s32 $0xA280  }
0x192: {  	[tilespmem:s18], [sflag:$0x1] =	stream.indirect_vreg.gather [hbm4b:s8+s2], $0x80, v4, vm0, $0xb8;
	[tilespmem:$0x11280] =	vst v63  }
0x193: {  	s19 =	simm.s32 $0xAA80  }
0x194: {  	[tilespmem:s19], [sflag:$0x1] =	stream.indirect_vreg.gather [hbm4b:s9+s2], $0x80, v4, vm0, $0xb8;
	[tilespmem:$0x11280] =	vst v63  }
0x195: {  	v3 =	vperm.xlane v6, v8;
	s5 =	simm.s32 $0xB280  }
0x196: {  	[tilespmem:s5], [sflag:$0x1] =	stream.indirect_vreg.gather [hbm4b:s10+s2], $0x80, v4, vm0, $0xb8;
	[tilespmem:$0x11280] =	vst v63  }
0x197: {  	v3 =	vadd.s32 v5, v3;
	s14 =	simm.s32 $0xBA80  }
0x198: {  	[tilespmem:s14], [sflag:$0x1] =	stream.indirect_vreg.gather [hbm4b:s11+s2], $0x80, v4, vm0, $0xb8;
	[tilespmem:$0x11280] =	vst v63  }
0x199: {  	_ = 	snop  }
0x19a: {  	[tilespmem:s20], [sflag:$0x1] =	stream.indirect_vreg.gather [hbm4b:s12+s2], $0x80, v4, vm0, $0xb8;
	[tilespmem:$0x11280] =	vst v63  }
0x19b: {  	_ = 	snop  }
0x19c: {  	[tilespmem:s21], [sflag:$0x1] =	stream.indirect_vreg.gather [hbm4b:s3+s2], $0x80, v3, vm0, $0xb8;
	[tilespmem:$0x11280] =	vst v63  }
0x19d: {  	_ = 	snop  }
0x19e: {  	[tilespmem:s22], [sflag:$0x1] =	stream.indirect_vreg.gather [hbm4b:s6+s2], $0x80, v3, vm0, $0xb8;
	[tilespmem:$0x11280] =	vst v63  }
0x19f: {  	_ = 	snop  }
0x1a0: {  	[tilespmem:s23], [sflag:$0x1] =	stream.indirect_vreg.gather [hbm4b:s7+s2], $0x80, v3, vm0, $0xb8;
	[tilespmem:$0x11280] =	vst v63  }
0x1a1: {  	_ = 	snop  }
0x1a2: {  	[tilespmem:s24], [sflag:$0x1] =	stream.indirect_vreg.gather [hbm4b:s8+s2], $0x80, v3, vm0, $0xb8;
	[tilespmem:$0x11280] =	vst v63  }
0x1a3: {  	_ = 	snop  }
0x1a4: {  	[tilespmem:s25], [sflag:$0x1] =	stream.indirect_vreg.gather [hbm4b:s9+s2], $0x80, v3, vm0, $0xb8;
	[tilespmem:$0x11280] =	vst v63  }
0x1a5: {  	_ = 	snop  }
0x1a6: {  	[tilespmem:s26], [sflag:$0x1] =	stream.indirect_vreg.gather [hbm4b:s10+s2], $0x80, v3, vm0, $0xb8;
	[tilespmem:$0x11280] =	vst v63  }
0x1a7: {  	_ = 	snop  }
0x1a8: {  	[tilespmem:s28], [sflag:$0x1] =	stream.indirect_vreg.gather [hbm4b:s11+s2], $0x80, v3, vm0, $0xb8;
	[tilespmem:$0x11280] =	vst v63  }
0x1a9: {  	_ = 	snop  }
0x1aa: {  	[tilespmem:s29], [sflag:$0x1] =	stream.indirect_vreg.gather [hbm4b:s12+s2], $0x80, v3, vm0, $0xb8;
	[tilespmem:$0x11280] =	vst v63  }
0x1ab: {  	_ =	swait.ge [sflag:s16], $0x8000  }
0x1ac: {  	s17 =	sand.u32 $0x70, s2;
	s5 =	sand.u32 $0x3C00, s2;
	[sflag:s16] =	ssyncset.done $0x0  }
0x1ad: {  	s4 =	sor.u32 s17, s5;
	[sflag:s16] =	ssyncadd.s32 $0xFFFF8000  }
0x1ae: {  	v3 =	vld [tilespmem:s4+$0xB00]  }
0x1af: {  	v33 =	vld [tilespmem:s4+$0xA80];
	_ =	sdelay $0x1  }
0x1b0: {  	v34 =	vld [tilespmem:s4+$0xB80];
	_ =	sdelay $0x1  }
0x1b1: {  	v35 =	vld [tilespmem:s4+$0xC00]  }
0x1b2: {  	v3 =	vadd.f32 v3, v33  }
0x1b3: {  	v36 =	vld [tilespmem:s4+$0xC80]  }
0x1b4: {  	v3 =	vadd.f32 v34, v3  }
0x1b5: {  	s18 =	sand.u32 $0x7, s2;
	v37 =	vld [tilespmem:s4+$0xD00]  }
0x1b6: {  	s5 =	sshll.u32 s18, $0x4;
	v3 =	vadd.f32 v35, v3  }
0x1b7: {  	s5 =	sadd.s32 $0x0, s5;
	v38 =	vld [tilespmem:s4+$0xD80]  }
0x1b8: {  	s14 =	sor.u32 $0x380, s5;
	v3 =	vadd.f32 v36, v3  }
0x1b9: {  	v39 =	vld [tilespmem:s14+$0xA80]  }
0x1ba: {  	v3 =	vadd.f32 v37, v3  }
0x1bb: {  	v40 =	vld [tilespmem:s4+$0x4A80]  }
0x1bc: {  	v3 =	vadd.f32 v38, v3  }
0x1bd: {  	v41 =	vld [tilespmem:s4+$0x4B00]  }
0x1be: {  	v3 =	vadd.f32 v39, v3  }
0x1bf: {  	v42 =	vld [tilespmem:s4+$0x4B80]  }
0x1c0: {  	v3 =	vadd.f32 v40, v3  }
0x1c1: {  	v43 =	vld [tilespmem:s4+$0x4C00]  }
0x1c2: {  	v3 =	vadd.f32 v41, v3  }
0x1c3: {  	v44 =	vld [tilespmem:s4+$0x4C80]  }
0x1c4: {  	v3 =	vadd.f32 v42, v3  }
0x1c5: {  	v45 =	vld [tilespmem:s4+$0x4D00]  }
0x1c6: {  	v3 =	vadd.f32 v43, v3  }
0x1c7: {  	v46 =	vld [tilespmem:s4+$0x4D80]  }
0x1c8: {  	s5 =	sor.u32 $0x4380, s5;
	v3 =	vadd.f32 v44, v3  }
0x1c9: {  	v47 =	vld [tilespmem:s5+$0xA80]  }
0x1ca: {  	v3 =	vadd.f32 v45, v3  }
0x1cb: {  	v48 =	vld [tilespmem:s4+$0x8A80]  }
0x1cc: {  	v3 =	vadd.f32 v46, v3  }
0x1cd: {  	v49 =	vld [tilespmem:s4+$0x8B00]  }
0x1ce: {  	v3 =	vadd.f32 v47, v3  }
0x1cf: {  	v50 =	vld [tilespmem:s4+$0x8B80]  }
0x1d0: {  	v3 =	vadd.f32 v48, v3  }
0x1d1: {  	v51 =	vld [tilespmem:s4+$0x8C00]  }
0x1d2: {  	v3 =	vadd.f32 v49, v3  }
0x1d3: {  	v52 =	vld [tilespmem:s4+$0x8C80]  }
0x1d4: {  	v3 =	vadd.f32 v50, v3  }
0x1d5: {  	v53 =	vld [tilespmem:s4+$0x8D00]  }
0x1d6: {  	v3 =	vadd.f32 v51, v3  }
0x1d7: {  	v54 =	vld [tilespmem:s4+$0x8D80]  }
0x1d8: {  	v3 =	vadd.f32 v52, v3  }
0x1d9: {  	v55 =	vld [tilespmem:s14+$0x8A80]  }
0x1da: {  	v3 =	vadd.f32 v53, v3  }
0x1db: {  	v56 =	vld [tilespmem:s4+$0xCA80]  }
0x1dc: {  	v3 =	vadd.f32 v54, v3  }
0x1dd: {  	v57 =	vld [tilespmem:s4+$0xCB00]  }
0x1de: {  	v3 =	vadd.f32 v55, v3  }
0x1df: {  	v58 =	vld [tilespmem:s4+$0xCB80]  }
0x1e0: {  	v3 =	vadd.f32 v56, v3  }
0x1e1: {  	v59 =	vld [tilespmem:s4+$0xCC00]  }
0x1e2: {  	v3 =	vadd.f32 v57, v3  }
0x1e3: {  	v60 =	vld [tilespmem:s4+$0xCC80]  }
0x1e4: {  	v3 =	vadd.f32 v58, v3  }
0x1e5: {  	v61 =	vld [tilespmem:s4+$0xCD00]  }
0x1e6: {  	v3 =	vadd.f32 v59, v3  }
0x1e7: {  	v62 =	vld [tilespmem:s4+$0xCD80]  }
0x1e8: {  	v3 =	vadd.f32 v60, v3  }
0x1e9: {  	v63 =	vld [tilespmem:s5+$0x8A80]  }
0x1ea: {  	v3 =	vadd.f32 v61, v3;
	_ =	sdelay $0x1  }
0x1eb: {  	v3 =	vadd.f32 v62, v3;
	_ =	sdelay $0x1  }
0x1ec: {  	v3 =	vadd.f32 v63, v3;
	_ =	sdelay $0x1  }
0x1ed: {  	s19 =	simm.s32 $0x10;
	s14 =	simm.s32 $0x80;
	vm15 =	vgt.f32 v3, $0.0e+00  }
0x1ee: {  	s4 =	simm.s32 $0x10A80;
	s5 =	sand.u32 $0x70, s19;
	s17 =	sand.u32 $0x3C00, s14;
	v3 =	vsel vm15, $0x3F800000, v2  }
0x1ef: {  	s5 =	sor.u32 s5, s17;
	s17 =	simm.s32 $0x20;
	[tilespmem:s4+$0x0] =	vst v3  }
.LBB2_3:
0x1f0: {  	p0 =	sne.s32 s17, $0x7F0;
	v3 =	vld [tilespmem:s5+$0xB00]  }
0x1f1: {  	v4 =	vld [tilespmem:s5+$0xA80];
	_ =	sdelay $0x1  }
0x1f2: {  	v5 =	vld [tilespmem:s5+$0xB80];
	_ =	sdelay $0x1  }
0x1f3: {  	v6 =	vld [tilespmem:s5+$0xC00]  }
0x1f4: {  	v3 =	vadd.f32 v3, v4  }
0x1f5: {  	v4 =	vld [tilespmem:s5+$0xC80]  }
0x1f6: {  	s2 =	sadd.s32 $0x1, s2;
	v3 =	vadd.f32 v5, v3  }
0x1f7: {  	s18 =	sand.u32 $0x7, s2;
	v5 =	vld [tilespmem:s5+$0xD00]  }
0x1f8: {  	s18 =	sshll.u32 s18, $0x4;
	v3 =	vadd.f32 v6, v3  }
0x1f9: {  	s19 =	sadd.s32 s18, s14;
	v6 =	vld [tilespmem:s5+$0xD80]  }
0x1fa: {  	s18 =	sor.u32 $0x380, s19;
	v3 =	vadd.f32 v4, v3  }
0x1fb: {  	v4 =	vld [tilespmem:s18+$0xA80]  }
0x1fc: {  	v3 =	vadd.f32 v5, v3  }
0x1fd: {  	v5 =	vld [tilespmem:s5+$0x4A80]  }
0x1fe: {  	v3 =	vadd.f32 v6, v3  }
0x1ff: {  	v6 =	vld [tilespmem:s5+$0x4B00]  }
0x200: {  	v3 =	vadd.f32 v4, v3  }
0x201: {  	v4 =	vld [tilespmem:s5+$0x4B80]  }
0x202: {  	v3 =	vadd.f32 v5, v3  }
0x203: {  	v5 =	vld [tilespmem:s5+$0x4C00]  }
0x204: {  	v3 =	vadd.f32 v6, v3  }
0x205: {  	v6 =	vld [tilespmem:s5+$0x4C80]  }
0x206: {  	v3 =	vadd.f32 v4, v3  }
0x207: {  	v4 =	vld [tilespmem:s5+$0x4D00]  }
0x208: {  	v3 =	vadd.f32 v5, v3  }
0x209: {  	v5 =	vld [tilespmem:s5+$0x4D80]  }
0x20a: {  	s19 =	sor.u32 $0x4380, s19;
	v3 =	vadd.f32 v6, v3  }
0x20b: {  	v6 =	vld [tilespmem:s19+$0xA80]  }
0x20c: {  	v3 =	vadd.f32 v4, v3  }
0x20d: {  	v4 =	vld [tilespmem:s5+$0x8A80]  }
0x20e: {  	v3 =	vadd.f32 v5, v3  }
0x20f: {  	v5 =	vld [tilespmem:s5+$0x8B00]  }
0x210: {  	v3 =	vadd.f32 v6, v3  }
0x211: {  	v6 =	vld [tilespmem:s5+$0x8B80]  }
0x212: {  	v3 =	vadd.f32 v4, v3  }
0x213: {  	v4 =	vld [tilespmem:s5+$0x8C00]  }
0x214: {  	v3 =	vadd.f32 v5, v3  }
0x215: {  	v5 =	vld [tilespmem:s5+$0x8C80]  }
0x216: {  	v3 =	vadd.f32 v6, v3  }
0x217: {  	v6 =	vld [tilespmem:s5+$0x8D00]  }
0x218: {  	v3 =	vadd.f32 v4, v3  }
0x219: {  	v4 =	vld [tilespmem:s5+$0x8D80]  }
0x21a: {  	v3 =	vadd.f32 v5, v3  }
0x21b: {  	v5 =	vld [tilespmem:s18+$0x8A80]  }
0x21c: {  	v3 =	vadd.f32 v6, v3  }
0x21d: {  	v6 =	vld [tilespmem:s5+$0xCA80]  }
0x21e: {  	v3 =	vadd.f32 v4, v3  }
0x21f: {  	v4 =	vld [tilespmem:s5+$0xCB00]  }
0x220: {  	v3 =	vadd.f32 v5, v3  }
0x221: {  	v5 =	vld [tilespmem:s5+$0xCB80]  }
0x222: {  	v3 =	vadd.f32 v6, v3  }
0x223: {  	v6 =	vld [tilespmem:s5+$0xCC00]  }
0x224: {  	v3 =	vadd.f32 v4, v3  }
0x225: {  	v4 =	vld [tilespmem:s5+$0xCC80]  }
0x226: {  	v3 =	vadd.f32 v5, v3  }
0x227: {  	v5 =	vld [tilespmem:s5+$0xCD00]  }
0x228: {  	v3 =	vadd.f32 v6, v3  }
0x229: {  	v6 =	vld [tilespmem:s5+$0xCD80]  }
0x22a: {  	v3 =	vadd.f32 v4, v3  }
0x22b: {  	v4 =	vld [tilespmem:s19+$0x8A80]  }
0x22c: {  	v3 =	vadd.f32 v5, v3;
	_ =	sdelay $0x1  }
0x22d: {  	v3 =	vadd.f32 v6, v3;
	_ =	sdelay $0x1  }
.Ltmp0:
0x22e: {  	v3 =	vadd.f32 v4, v3;
	(pc) =	sbr.rel @p0 .LBB2_3-.Ltmp0, $4  }
0x22f: {  	_ = 	snop  }
0x230: {  	s14 =	sadd.s32 $0x80, s14;
	vm0 =	vgt.f32 v3, $0.0e+00  }
0x231: {  	s4 =	sadd.s32 $0x10, s4;
	s18 =	sand.u32 $0x3C00, s14;
	s5 =	sand.u32 $0x70, s17;
	v3 =	vsel vm0, $0x3F800000, v2  }
0x232: {  	s17 =	sadd.s32 $0x10, s17;
	s5 =	sor.u32 s5, s18;
	[tilespmem:s4+$0x0] =	vst v3  }
0x233: {  	v3 =	vld [tilespmem:s5+$0xB00]  }
0x234: {  	v4 =	vld [tilespmem:s5+$0xA80];
	_ =	sdelay $0x1  }
0x235: {  	v5 =	vld [tilespmem:s5+$0xB80];
	_ =	sdelay $0x1  }
0x236: {  	v6 =	vld [tilespmem:s5+$0xC00]  }
0x237: {  	v3 =	vadd.f32 v3, v4  }
0x238: {  	v36 =	vld [tilespmem:s5+$0xC80]  }
0x239: {  	s2 =	sadd.s32 $0x1, s2;
	v3 =	vadd.f32 v5, v3  }
0x23a: {  	v37 =	vld [tilespmem:s5+$0xD00];
	s2 =	sand.u32 $0x7, s2  }
0x23b: {  	s2 =	sshll.u32 s2, $0x4;
	v3 =	vadd.f32 v6, v3  }
0x23c: {  	v38 =	vld [tilespmem:s5+$0xD80];
	s2 =	sadd.s32 s2, s14  }
0x23d: {  	s14 =	sor.u32 $0x380, s2;
	v3 =	vadd.f32 v36, v3  }
0x23e: {  	v39 =	vld [tilespmem:s14+$0xA80]  }
0x23f: {  	v3 =	vadd.f32 v37, v3  }
0x240: {  	v40 =	vld [tilespmem:s5+$0x4A80]  }
0x241: {  	v3 =	vadd.f32 v38, v3  }
0x242: {  	v41 =	vld [tilespmem:s5+$0x4B00]  }
0x243: {  	v3 =	vadd.f32 v39, v3  }
0x244: {  	v42 =	vld [tilespmem:s5+$0x4B80]  }
0x245: {  	v3 =	vadd.f32 v40, v3  }
0x246: {  	v43 =	vld [tilespmem:s5+$0x4C00]  }
0x247: {  	v3 =	vadd.f32 v41, v3  }
0x248: {  	v44 =	vld [tilespmem:s5+$0x4C80]  }
0x249: {  	v3 =	vadd.f32 v42, v3  }
0x24a: {  	v45 =	vld [tilespmem:s5+$0x4D00]  }
0x24b: {  	v3 =	vadd.f32 v43, v3  }
0x24c: {  	v46 =	vld [tilespmem:s5+$0x4D80]  }
0x24d: {  	s2 =	sor.u32 $0x4380, s2;
	v3 =	vadd.f32 v44, v3  }
0x24e: {  	v47 =	vld [tilespmem:s2+$0xA80]  }
0x24f: {  	v3 =	vadd.f32 v45, v3  }
0x250: {  	v48 =	vld [tilespmem:s5+$0x8A80]  }
0x251: {  	v3 =	vadd.f32 v46, v3  }
0x252: {  	v49 =	vld [tilespmem:s5+$0x8B00]  }
0x253: {  	v3 =	vadd.f32 v47, v3  }
0x254: {  	v50 =	vld [tilespmem:s5+$0x8B80]  }
0x255: {  	v3 =	vadd.f32 v48, v3  }
0x256: {  	v51 =	vld [tilespmem:s5+$0x8C00]  }
0x257: {  	v3 =	vadd.f32 v49, v3  }
0x258: {  	v52 =	vld [tilespmem:s5+$0x8C80]  }
0x259: {  	v3 =	vadd.f32 v50, v3  }
0x25a: {  	v53 =	vld [tilespmem:s5+$0x8D00]  }
0x25b: {  	v3 =	vadd.f32 v51, v3  }
0x25c: {  	v54 =	vld [tilespmem:s5+$0x8D80]  }
0x25d: {  	v3 =	vadd.f32 v52, v3  }
0x25e: {  	v55 =	vld [tilespmem:s14+$0x8A80]  }
0x25f: {  	v3 =	vadd.f32 v53, v3  }
0x260: {  	v56 =	vld [tilespmem:s5+$0xCA80]  }
0x261: {  	v3 =	vadd.f32 v54, v3  }
0x262: {  	v57 =	vld [tilespmem:s5+$0xCB00]  }
0x263: {  	v3 =	vadd.f32 v55, v3  }
0x264: {  	v58 =	vld [tilespmem:s5+$0xCB80]  }
0x265: {  	v3 =	vadd.f32 v56, v3  }
0x266: {  	v59 =	vld [tilespmem:s5+$0xCC00]  }
0x267: {  	v3 =	vadd.f32 v57, v3  }
0x268: {  	v60 =	vld [tilespmem:s5+$0xCC80]  }
0x269: {  	v3 =	vadd.f32 v58, v3  }
0x26a: {  	v61 =	vld [tilespmem:s5+$0xCD00]  }
0x26b: {  	v3 =	vadd.f32 v59, v3  }
0x26c: {  	v62 =	vld [tilespmem:s5+$0xCD80]  }
0x26d: {  	v3 =	vadd.f32 v60, v3  }
0x26e: {  	v63 =	vld [tilespmem:s2+$0x8A80]  }
0x26f: {  	v3 =	vadd.f32 v61, v3;
	_ =	sdelay $0x1  }
0x270: {  	v3 =	vadd.f32 v62, v3;
	_ =	sdelay $0x1  }
0x271: {  	v3 =	vadd.f32 v63, v3  }
0x272: {  	s18 =	sshll.u32 s0, $0x8;
	s19 =	sshll.u32 s0, $0x4  }
0x273: {  	s4 =	sadd.s32 $0x10, s4;
	s0 =	sadd.s32 $0x1, s0;
	s2 =	sand.u32 $0x1800, s18;
	vm0 =	vgt.f32 v3, $0.0e+00  }
0x274: {  	s5 =	sand.u32 $0x70, s19;
	p0 =	sne.s32 s0, $0x20;
	s2 =	sadd.s32 s2, s13;
	v3 =	vsel vm0, $0x3F800000, v2  }
.Ltmp1:
0x275: {  	s2 =	sadd.s32 s5, s2;
	[tilespmem:s4+$0x0] =	vst v3;
	(pc) =	sbr.rel @p0 .LBB2_2-.Ltmp1, $4  }
0x276: {  	[hbm4b:s2+s30] =	stream.strided.scatter [tilespmem:s1], [sflag:$0x2], $0x800, s31, s30, $0x38;
	[tilespmem:$0x11280] =	vst v63  }
0x277: {  	_ =	swait.ge [sflag:s15], $0x800  }
0x278: {  	[sflag:s15] =	ssyncset.done $0x0  }
0x279: {  	[sflag:s15] =	ssyncadd.s32 $0xFFFFF800  }
0x27a: {  	s2 =	rddreg [dreg:$0x6]  }
0x27b: {  	s0 =	rddreg [dreg:$0x5];
	s2 =	sadd.s32 $0x1, s2  }
0x27c: {  	p0 =	sne.s32 s2, s0  }
.Ltmp2:
0x27d: {  	_ = 	snop;
	(pc) =	sbr.rel @p0 .LBB2_1-.Ltmp2, $1  }
0x27e: {  	_ =	sdelay $0x3  }
0x27f: {  	_ =	sfence.sel $0x180000  }
0x280: {  	[bflag:$0x0] =	sbarrier.arrive $0xFFFF  }
0x281: {  	_ =	strace $0x90000047  }
0x282: {  	s0 =	stileid.u32;
	[bflag:$0x2] =	sbarrier.arrive $0xFFFF  }
0x283: {  	p0 =	sne.s32 s0, $0x0;
	s0 =	rddreg [dreg:$0x2]  }
0x284: {  	s0 =	sadd.s32 @!p0 $0x100000, s0  }
0x285: {  	[sflag:s0] =	ssyncadd.tile.s32 @!p0 $0x1;
	_ =	shalt  }
.Lfunc_end2:
_tile_overlayer_lowered:
.L_overlay_start_2:
0x286: {  	(tag) =	ssettag $0x2  }
0x287: {  	s0 =	rddreg [dreg:$0x0];
	s2 =	stileid.u32  }
0x288: {  	s1 =	rddreg [dreg:$0x1];
	p0 =	sne.s32 s2, $0x0  }
0x289: {  	s3 =	rddreg [dreg:$0x2];
	[bflag:$0x3] =	sbarrier.arrive $0xFFFF;
	s2 =	simm.s32 @!p0 $0x1C02  }
0x28a: {  	[timem:s3], [sflag:s2] =	dma.local @!p0 [hbm:s0], s1  }
0x28b: {  	s0 =	simm.s32 @!p0 $0x2  }
0x28c: {  	_ =	swait.ge @!p0 [sflag:s0], s1  }
0x28d: {  	s1 =	ssub.s32 @!p0 $0x0, s1;
	[sflag:s0] =	ssyncset.done @!p0 $0x0  }
0x28e: {  	[sflag:s0] =	ssyncadd.s32 @!p0 s1  }
0x28f: {  	[bflag:$0x3] =	sbarrier.arrive $0xFFFF  }
0x290: {  	_ =	shalt  }

</sc_bundles>
